<compile_context>
chip_gen: v7x
topology: tpu7x:2x2x1
jax: 0.10.2.dev20260603
libtpu: 0.0.44.dev20260713+nightly
codegen_flags: <defaults>
</compile_context>

<pallas_src>
import functools

import jax
import jax.numpy as jnp
from jax import lax
from jax.experimental import pallas as pl
from jax.experimental.pallas import tpu as pltpu
from jax.experimental.pallas import tpu_sc as plsc

DIM = 64
LANES = 16
BLK = 128
SUB = 8


def _make_kernel(B, L, vocab):
    info = plsc.get_sparse_core_info()
    num_workers = info.num_cores * info.num_subcores
    nB = B // BLK
    assert nB * BLK == B
    n_blocks = L * nB
    per_w = n_blocks // num_workers
    assert per_w * num_workers == n_blocks
    assert per_w % 2 == 0

    mesh = plsc.VectorSubcoreMesh(core_axis_name="c", subcore_axis_name="s")

    @functools.partial(
        pl.kernel,
        mesh=mesh,
        out_type=jax.ShapeDtypeStruct((L * DIM // SUB, nB, SUB, BLK),
                                      jnp.float32),
        scratch_types=[
            pltpu.VMEM((per_w, BLK), jnp.int32),
            pltpu.VMEM((4, BLK, DIM), jnp.float32),
            pltpu.VMEM((2, SUB, SUB, BLK), jnp.float32),
            pltpu.SemaphoreType.DMA((2,)),
            pltpu.SemaphoreType.DMA((2,)),
        ],
        compiler_params=pltpu.CompilerParams(
            use_tc_tiling_on_sc=False, needs_layout_passes=False),
    )
    def k(idx_hbm, table_hbm, out_hbm, idx_v, rows, outb, semg, semo):
        wid = lax.axis_index("s") * info.num_cores + lax.axis_index("c")
        lane = lax.iota(jnp.int32, LANES)

        HB = per_w // 2

        def load_idx_half(h):
            pltpu.sync_copy(
                idx_hbm.at[pl.ds(
                    pl.multiple_of(wid * 2 * per_w + h * 2 * HB, 8), 2 * HB)],
                idx_v)

        load_idx_half(0)

        def fire(kb, par):
            r = lax.rem(2 * kb, 2 * HB)
            pltpu.async_copy(table_hbm.at[idx_v.at[r]],
                             rows.at[2 * par], semg.at[par])
            pltpu.async_copy(table_hbm.at[idx_v.at[r + 1]],
                             rows.at[2 * par + 1], semg.at[par])

        def wait(kb, par):
            r = lax.rem(2 * kb, 2 * HB)
            pltpu.make_async_copy(table_hbm.at[idx_v.at[r]],
                                  rows.at[2 * par], semg.at[par]).wait()
            pltpu.make_async_copy(table_hbm.at[idx_v.at[r + 1]],
                                  rows.at[2 * par + 1], semg.at[par]).wait()

        def out_slice(kb):
            gb = wid * per_w + kb
            l = gb // nB
            c = gb % nB
            return out_hbm.at[pl.ds(pl.multiple_of(l * SUB, 8), SUB), c]

        fire(0, 0)

        def body(kb, carry):
            par = lax.rem(kb, 2)
            nxt = 1 - par

            @pl.when(jnp.logical_and(kb < per_w - 1, kb != HB - 1))
            def _():
                fire(kb + 1, nxt)

            wait(kb, par)

            @pl.when(kb == HB - 1)
            def _():
                load_idx_half(1)
                fire(kb + 1, nxt)

            @pl.when(kb >= 2)
            def _():
                pltpu.make_async_copy(outb.at[par], out_slice(kb - 2),
                                      semo.at[par]).wait()

            r0 = rows.at[2 * par]
            r1 = rows.at[2 * par + 1]
            out_v = outb.at[par]
            tvs = [lane + t0 for t0 in range(0, BLK, LANES)]

            def diag_body(j, c2):
                dv = ((lane + j) & (LANES - 1)) + (j & (DIM - LANES))
                dhi = lax.shift_right_logical(dv, 3)
                dlo = dv & (SUB - 1)
                for tv in tvs:
                    a = plsc.load_gather(r0, [tv, dv])
                    b = plsc.load_gather(r1, [tv, dv])
                    plsc.store_scatter(out_v, [dhi, dlo, tv], a + b)
                return c2

            lax.fori_loop(0, DIM, diag_body, 0, unroll=8)
            pltpu.async_copy(out_v, out_slice(kb), semo.at[par])
            return carry

        lax.fori_loop(0, per_w, body, 0)
        for kb in (per_w - 2, per_w - 1):
            pltpu.make_async_copy(outb.at[kb % 2], out_slice(kb),
                                  semo.at[kb % 2]).wait()

    return k


def kernel(batch_pos_list, table):
    B, L, P = batch_pos_list.shape
    assert P == 2
    V, D = table.shape
    assert D == DIM
    idx2 = (batch_pos_list.transpose(1, 2, 0)
            .reshape(L, P, B // BLK, BLK)
            .transpose(0, 2, 1, 3)
            .reshape(L * P * (B // BLK), BLK))
    k = _make_kernel(B, L, V)
    out4 = k(idx2, table)
    return (out4.transpose(0, 2, 1, 3)
            .reshape(L, DIM, B)
            .transpose(2, 0, 1))

# --- scband reference (transcript-rebuilt; emitter-appended) ---
"""Pipeline reference for scband-po-sembedding-51067161149885 (READ-ONLY COPY).

The authoritative reference and input builder live on the scoring server;
editing this copy changes nothing except your own understanding.
"""

import jax, jax.numpy as jnp
import numpy as np

VOCAB = 100000
DIM = 64
PAD_IDX = 0

def setup_inputs(seed: int = 0) -> dict:
    key = jax.random.key(seed)
    k1, k2 = jax.random.split(key)
    batch_pos_list = jax.random.randint(k1, (4096, 200, 2), 0, VOCAB, dtype=jnp.int64 if jax.config.jax_enable_x64 else jnp.int32).astype(jnp.int32)
    table = jax.random.normal(k2, (VOCAB, DIM), dtype=jnp.float32)
    table = table.at[PAD_IDX].set(0.0)  # padding_idx row is zero, like torch.nn.Embedding
    return {"batch_pos_list": batch_pos_list, "table": table}

def reference(batch_pos_list, table):
    # Original torch module loops over batch and tokens; each token has a list of
    # PoS ids (here P=2 per token). Each list is embedded and, when longer than 1,
    # summed over the list dimension, then concatenated over tokens and batch.
    # Vectorized equivalent: gather [B, L, P, D] then sum over P -> [B, L, D].
    emb = jnp.take(table, batch_pos_list, axis=0)  # [B, L, P, D]
    out = jnp.sum(emb, axis=2)  # [B, L, D]
    return out

if __name__ == "__main__":
    import jax
    _d = setup_inputs()
    print(jax.jit(kernel)(*tuple(_d.values())))

</pallas_src>

<mosaic_0001>
#map = affine_map<(d0, d1) -> (0, 0)>
#map1 = affine_map<(d0, d1) -> (0, 0, 0, 0)>
module attributes {stable_mosaic.version = 14 : i64} {
  func.func @k(%arg0: i32, %arg1: i32, %arg2: memref<12800x128xi32, #tpu.memory_space<hbm>>, %arg3: memref<100000x64xf32, #tpu.memory_space<hbm>>, %arg4: memref<1600x32x8x128xf32, #tpu.memory_space<hbm>>, %arg5: memref<200x128xi32, #tpu.memory_space<vmem>>, %arg6: memref<4x128x64xf32, #tpu.memory_space<vmem>>, %arg7: memref<2x8x8x128xf32, #tpu.memory_space<vmem>>, %arg8: memref<2x!tpu.dma_semaphore, #tpu.memory_space<semaphore_mem>>, %arg9: memref<2x!tpu.dma_semaphore, #tpu.memory_space<semaphore_mem>>) attributes {dimension_semantics = [#tpu.dimension_semantics<core_parallel>, #tpu.dimension_semantics<subcore_parallel>], iteration_bounds = array<i64: 2, 16>, scalar_prefetch = 0 : i64, scratch_operands = 5 : i64, tpu.core_type = #tpu.core_type<sc_vector_subcore>, window_params = [{transform_indices = #map}, {transform_indices = #map}, {transform_indices = #map1}]} {
    %mul3A = arith.constant 2 : i32
    %mul3A_0 = arith.muli %arg1, %mul3A : i32
    %add3A = arith.addi %mul3A_0, %arg0 : i32
    %iota3A = tpu.iota {dimensions = array<i32: 0>} : vector<16xi32>
    %mul3A_1 = arith.constant 2 : i32
    %mul3A_2 = arith.muli %add3A, %mul3A_1 : i32
    %mul3A_3 = arith.constant 200 : i32
    %mul3A_4 = arith.muli %mul3A_2, %mul3A_3 : i32
    %add3A_5 = arith.constant 0 : i32
    %add3A_6 = arith.addi %mul3A_4, %add3A_5 : i32
    %multiple_of3A = tpu.assume_multiple %add3A_6, 8 : i32
    "tpu.region"() ({
      %run_scoped3A = tpu.sem_alloc : memref<!tpu.dma_semaphore, #tpu.memory_space<semaphore_mem>>
      %dma_start3A_171 = arith.constant 0 : i32
      %dma_start3A_172 = tpu.memref_slice %arg2[%multiple_of3A, %dma_start3A_171] : memref<12800x128xi32, #tpu.memory_space<hbm>> -> memref<200x128xi32, #tpu.memory_space<hbm>>
      %dma_start3A_173 = arith.constant 0 : i32
      %dma_start3A_174 = tpu.memref_slice %arg2[%multiple_of3A, %dma_start3A_173] : memref<12800x128xi32, #tpu.memory_space<hbm>> -> memref<200x128xi32, #tpu.memory_space<hbm>>
      tpu.enqueue_dma source(%dma_start3A_174 : memref<200x128xi32, #tpu.memory_space<hbm>>) target(%arg5 : memref<200x128xi32, #tpu.memory_space<vmem>>) target_semaphore(%run_scoped3A : memref<!tpu.dma_semaphore, #tpu.memory_space<semaphore_mem>>)
      %dma_wait3A_175 = arith.constant 0 : i32
      %dma_wait3A_176 = tpu.memref_slice %arg2[%multiple_of3A, %dma_wait3A_175] : memref<12800x128xi32, #tpu.memory_space<hbm>> -> memref<200x128xi32, #tpu.memory_space<hbm>>
      %dma_wait3A_177 = arith.constant 0 : i32
      %dma_wait3A_178 = tpu.memref_slice %arg2[%multiple_of3A, %dma_wait3A_177] : memref<12800x128xi32, #tpu.memory_space<hbm>> -> memref<200x128xi32, #tpu.memory_space<hbm>>
      tpu.wait_dma2 semaphore(%run_scoped3A : memref<!tpu.dma_semaphore, #tpu.memory_space<semaphore_mem>>) src(%dma_wait3A_178 : memref<200x128xi32, #tpu.memory_space<hbm>>) dst(%arg5 : memref<200x128xi32, #tpu.memory_space<vmem>>)
      tpu.yield
    }) : () -> ()
    %rem3A = arith.constant 0 : i32
    %rem3A_7 = arith.constant 200 : i32
    %rem3A_8 = arith.remsi %rem3A, %rem3A_7 : i32
    %dma_start3A = arith.constant 0 : i32
    %dma_start3A_9 = arith.constant 0 : i32
    %dma_start3A_10 = arith.constant 0 : i32
    %dma_start3A_11 = arith.constant 0 : i32
    %dma_start3A_12 = tpu.memref_slice %arg6[%dma_start3A, %dma_start3A_10, %dma_start3A_11] : memref<4x128x64xf32, #tpu.memory_space<vmem>> -> memref<1x128x64xf32, #tpu.memory_space<vmem>>
    %dma_start3A_13 = tpu.memref_squeeze %dma_start3A_12 : memref<1x128x64xf32, #tpu.memory_space<vmem>> -> memref<128x64xf32, #tpu.memory_space<vmem>>
    %dma_start3A_14 = arith.constant 0 : i32
    %dma_start3A_15 = tpu.memref_slice %arg5[%rem3A_8, %dma_start3A_14] : memref<200x128xi32, #tpu.memory_space<vmem>> -> memref<1x128xi32, #tpu.memory_space<vmem>>
    %dma_start3A_16 = tpu.memref_squeeze %dma_start3A_15 : memref<1x128xi32, #tpu.memory_space<vmem>> -> memref<128xi32, #tpu.memory_space<vmem>>
    %dma_start3A_17 = arith.constant 0 : i32
    %dma_start3A_18 = arith.constant 0 : i32
    %dma_start3A_19 = tpu.memref_slice %arg3[%dma_start3A_17, %dma_start3A_18] : memref<100000x64xf32, #tpu.memory_space<hbm>> -> memref<100000x64xf32, #tpu.memory_space<hbm>>
    %dma_start3A_20 = tpu.memref_slice %arg8[%dma_start3A_9] : memref<2x!tpu.dma_semaphore, #tpu.memory_space<semaphore_mem>> -> memref<1x!tpu.dma_semaphore, #tpu.memory_space<semaphore_mem>>
    %dma_start3A_21 = tpu.memref_squeeze %dma_start3A_20 : memref<1x!tpu.dma_semaphore, #tpu.memory_space<semaphore_mem>> -> memref<!tpu.dma_semaphore, #tpu.memory_space<semaphore_mem>>
    tpu.enqueue_indirect_dma source(%dma_start3A_19 : memref<100000x64xf32, #tpu.memory_space<hbm>>) target(%dma_start3A_13 : memref<128x64xf32, #tpu.memory_space<vmem>>) offsets(%dma_start3A_16 : memref<128xi32, #tpu.memory_space<vmem>>) semaphore(%dma_start3A_21 : memref<!tpu.dma_semaphore, #tpu.memory_space<semaphore_mem>>)
    %add3A_22 = arith.constant 1 : i32
    %add3A_23 = arith.addi %rem3A_8, %add3A_22 : i32
    %dma_start3A_24 = arith.constant 1 : i32
    %dma_start3A_25 = arith.constant 0 : i32
    %dma_start3A_26 = arith.constant 0 : i32
    %dma_start3A_27 = arith.constant 0 : i32
    %dma_start3A_28 = tpu.memref_slice %arg6[%dma_start3A_24, %dma_start3A_26, %dma_start3A_27] : memref<4x128x64xf32, #tpu.memory_space<vmem>> -> memref<1x128x64xf32, #tpu.memory_space<vmem>>
    %dma_start3A_29 = tpu.memref_squeeze %dma_start3A_28 : memref<1x128x64xf32, #tpu.memory_space<vmem>> -> memref<128x64xf32, #tpu.memory_space<vmem>>
    %dma_start3A_30 = arith.constant 0 : i32
    %dma_start3A_31 = tpu.memref_slice %arg5[%add3A_23, %dma_start3A_30] : memref<200x128xi32, #tpu.memory_space<vmem>> -> memref<1x128xi32, #tpu.memory_space<vmem>>
    %dma_start3A_32 = tpu.memref_squeeze %dma_start3A_31 : memref<1x128xi32, #tpu.memory_space<vmem>> -> memref<128xi32, #tpu.memory_space<vmem>>
    %dma_start3A_33 = arith.constant 0 : i32
    %dma_start3A_34 = arith.constant 0 : i32
    %dma_start3A_35 = tpu.memref_slice %arg3[%dma_start3A_33, %dma_start3A_34] : memref<100000x64xf32, #tpu.memory_space<hbm>> -> memref<100000x64xf32, #tpu.memory_space<hbm>>
    %dma_start3A_36 = tpu.memref_slice %arg8[%dma_start3A_25] : memref<2x!tpu.dma_semaphore, #tpu.memory_space<semaphore_mem>> -> memref<1x!tpu.dma_semaphore, #tpu.memory_space<semaphore_mem>>
    %dma_start3A_37 = tpu.memref_squeeze %dma_start3A_36 : memref<1x!tpu.dma_semaphore, #tpu.memory_space<semaphore_mem>> -> memref<!tpu.dma_semaphore, #tpu.memory_space<semaphore_mem>>
    tpu.enqueue_indirect_dma source(%dma_start3A_35 : memref<100000x64xf32, #tpu.memory_space<hbm>>) target(%dma_start3A_29 : memref<128x64xf32, #tpu.memory_space<vmem>>) offsets(%dma_start3A_32 : memref<128xi32, #tpu.memory_space<vmem>>) semaphore(%dma_start3A_37 : memref<!tpu.dma_semaphore, #tpu.memory_space<semaphore_mem>>)
    %scan3A = arith.constant 0 : i32
    %scan3A_38 = arith.constant 0 : i32
    %scan3A_39 = arith.constant 200 : i32
    %scan3A_40 = arith.addi %scan3A_38, %scan3A_39 : i32
    %scan3A_41 = arith.constant 1 : i32
    scf.for %scan3A_171 = %scan3A_38 to %scan3A_40 step %scan3A_41  : i32 {
      %rem3A_172 = arith.constant 2 : i32
      %rem3A_173 = arith.remsi %scan3A_171, %rem3A_172 : i32
      %sub3A_174 = arith.constant 1 : i32
      %sub3A_175 = arith.subi %sub3A_174, %rem3A_173 : i32
      %lt3A_176 = arith.constant 199 : i32
      %lt3A_177 = arith.cmpi slt, %scan3A_171, %lt3A_176 : i32
      %ne3A_178 = arith.constant 99 : i32
      %ne3A_179 = arith.cmpi ne, %scan3A_171, %ne3A_178 : i32
      %and3A_180 = arith.andi %lt3A_177, %ne3A_179 : i1
      %convert_element_type3A = arith.extui %and3A_180 : i1 to i32
      %cond3A = arith.constant 0 : i32
      %cond3A_181 = arith.cmpi ne, %convert_element_type3A, %cond3A : i32
      scf.if %cond3A_181 {
        %add3A_329 = arith.constant 1 : i32
        %add3A_330 = arith.addi %scan3A_171, %add3A_329 : i32
        %mul3A_331 = arith.constant 2 : i32
        %mul3A_332 = arith.muli %mul3A_331, %add3A_330 : i32
        %rem3A_333 = arith.constant 200 : i32
        %rem3A_334 = arith.remsi %mul3A_332, %rem3A_333 : i32
        %mul3A_335 = arith.constant 2 : i32
        %mul3A_336 = arith.muli %mul3A_335, %sub3A_175 : i32
        %dma_start3A_337 = arith.constant 0 : i32
        %dma_start3A_338 = arith.constant 0 : i32
        %dma_start3A_339 = tpu.memref_slice %arg6[%mul3A_336, %dma_start3A_337, %dma_start3A_338] : memref<4x128x64xf32, #tpu.memory_space<vmem>> -> memref<1x128x64xf32, #tpu.memory_space<vmem>>
        %dma_start3A_340 = tpu.memref_squeeze %dma_start3A_339 : memref<1x128x64xf32, #tpu.memory_space<vmem>> -> memref<128x64xf32, #tpu.memory_space<vmem>>
        %dma_start3A_341 = arith.constant 0 : i32
        %dma_start3A_342 = tpu.memref_slice %arg5[%rem3A_334, %dma_start3A_341] : memref<200x128xi32, #tpu.memory_space<vmem>> -> memref<1x128xi32, #tpu.memory_space<vmem>>
        %dma_start3A_343 = tpu.memref_squeeze %dma_start3A_342 : memref<1x128xi32, #tpu.memory_space<vmem>> -> memref<128xi32, #tpu.memory_space<vmem>>
        %dma_start3A_344 = arith.constant 0 : i32
        %dma_start3A_345 = arith.constant 0 : i32
        %dma_start3A_346 = tpu.memref_slice %arg3[%dma_start3A_344, %dma_start3A_345] : memref<100000x64xf32, #tpu.memory_space<hbm>> -> memref<100000x64xf32, #tpu.memory_space<hbm>>
        %dma_start3A_347 = tpu.memref_slice %arg8[%sub3A_175] : memref<2x!tpu.dma_semaphore, #tpu.memory_space<semaphore_mem>> -> memref<1x!tpu.dma_semaphore, #tpu.memory_space<semaphore_mem>>
        %dma_start3A_348 = tpu.memref_squeeze %dma_start3A_347 : memref<1x!tpu.dma_semaphore, #tpu.memory_space<semaphore_mem>> -> memref<!tpu.dma_semaphore, #tpu.memory_space<semaphore_mem>>
        tpu.enqueue_indirect_dma source(%dma_start3A_346 : memref<100000x64xf32, #tpu.memory_space<hbm>>) target(%dma_start3A_340 : memref<128x64xf32, #tpu.memory_space<vmem>>) offsets(%dma_start3A_343 : memref<128xi32, #tpu.memory_space<vmem>>) semaphore(%dma_start3A_348 : memref<!tpu.dma_semaphore, #tpu.memory_space<semaphore_mem>>)
        %add3A_349 = arith.constant 1 : i32
        %add3A_350 = arith.addi %rem3A_334, %add3A_349 : i32
        %mul3A_351 = arith.constant 2 : i32
        %mul3A_352 = arith.muli %mul3A_351, %sub3A_175 : i32
        %add3A_353 = arith.constant 1 : i32
        %add3A_354 = arith.addi %mul3A_352, %add3A_353 : i32
        %dma_start3A_355 = arith.constant 0 : i32
        %dma_start3A_356 = arith.constant 0 : i32
        %dma_start3A_357 = tpu.memref_slice %arg6[%add3A_354, %dma_start3A_355, %dma_start3A_356] : memref<4x128x64xf32, #tpu.memory_space<vmem>> -> memref<1x128x64xf32, #tpu.memory_space<vmem>>
        %dma_start3A_358 = tpu.memref_squeeze %dma_start3A_357 : memref<1x128x64xf32, #tpu.memory_space<vmem>> -> memref<128x64xf32, #tpu.memory_space<vmem>>
        %dma_start3A_359 = arith.constant 0 : i32
        %dma_start3A_360 = tpu.memref_slice %arg5[%add3A_350, %dma_start3A_359] : memref<200x128xi32, #tpu.memory_space<vmem>> -> memref<1x128xi32, #tpu.memory_space<vmem>>
        %dma_start3A_361 = tpu.memref_squeeze %dma_start3A_360 : memref<1x128xi32, #tpu.memory_space<vmem>> -> memref<128xi32, #tpu.memory_space<vmem>>
        %dma_start3A_362 = arith.constant 0 : i32
        %dma_start3A_363 = arith.constant 0 : i32
        %dma_start3A_364 = tpu.memref_slice %arg3[%dma_start3A_362, %dma_start3A_363] : memref<100000x64xf32, #tpu.memory_space<hbm>> -> memref<100000x64xf32, #tpu.memory_space<hbm>>
        %dma_start3A_365 = tpu.memref_slice %arg8[%sub3A_175] : memref<2x!tpu.dma_semaphore, #tpu.memory_space<semaphore_mem>> -> memref<1x!tpu.dma_semaphore, #tpu.memory_space<semaphore_mem>>
        %dma_start3A_366 = tpu.memref_squeeze %dma_start3A_365 : memref<1x!tpu.dma_semaphore, #tpu.memory_space<semaphore_mem>> -> memref<!tpu.dma_semaphore, #tpu.memory_space<semaphore_mem>>
        tpu.enqueue_indirect_dma source(%dma_start3A_364 : memref<100000x64xf32, #tpu.memory_space<hbm>>) target(%dma_start3A_358 : memref<128x64xf32, #tpu.memory_space<vmem>>) offsets(%dma_start3A_361 : memref<128xi32, #tpu.memory_space<vmem>>) semaphore(%dma_start3A_366 : memref<!tpu.dma_semaphore, #tpu.memory_space<semaphore_mem>>)
      } else {
      }
      %mul3A_182 = arith.constant 2 : i32
      %mul3A_183 = arith.muli %mul3A_182, %scan3A_171 : i32
      %rem3A_184 = arith.constant 200 : i32
      %rem3A_185 = arith.remsi %mul3A_183, %rem3A_184 : i32
      %mul3A_186 = arith.constant 2 : i32
      %mul3A_187 = arith.muli %mul3A_186, %rem3A_173 : i32
      %dma_wait3A_188 = arith.constant 0 : i32
      %dma_wait3A_189 = arith.constant 0 : i32
      %dma_wait3A_190 = tpu.memref_slice %arg6[%mul3A_187, %dma_wait3A_188, %dma_wait3A_189] : memref<4x128x64xf32, #tpu.memory_space<vmem>> -> memref<1x128x64xf32, #tpu.memory_space<vmem>>
      %dma_wait3A_191 = tpu.memref_squeeze %dma_wait3A_190 : memref<1x128x64xf32, #tpu.memory_space<vmem>> -> memref<128x64xf32, #tpu.memory_space<vmem>>
      %dma_wait3A_192 = arith.constant 0 : i32
      %dma_wait3A_193 = tpu.memref_slice %arg5[%rem3A_185, %dma_wait3A_192] : memref<200x128xi32, #tpu.memory_space<vmem>> -> memref<1x128xi32, #tpu.memory_space<vmem>>
      %dma_wait3A_194 = tpu.memref_squeeze %dma_wait3A_193 : memref<1x128xi32, #tpu.memory_space<vmem>> -> memref<128xi32, #tpu.memory_space<vmem>>
      %dma_wait3A_195 = arith.constant 0 : i32
      %dma_wait3A_196 = arith.constant 0 : i32
      %dma_wait3A_197 = tpu.memref_slice %arg3[%dma_wait3A_195, %dma_wait3A_196] : memref<100000x64xf32, #tpu.memory_space<hbm>> -> memref<100000x64xf32, #tpu.memory_space<hbm>>
      %dma_wait3A_198 = tpu.memref_slice %arg8[%rem3A_173] : memref<2x!tpu.dma_semaphore, #tpu.memory_space<semaphore_mem>> -> memref<1x!tpu.dma_semaphore, #tpu.memory_space<semaphore_mem>>
      %dma_wait3A_199 = tpu.memref_squeeze %dma_wait3A_198 : memref<1x!tpu.dma_semaphore, #tpu.memory_space<semaphore_mem>> -> memref<!tpu.dma_semaphore, #tpu.memory_space<semaphore_mem>>
      tpu.wait_indirect_dma semaphore(%dma_wait3A_199 : memref<!tpu.dma_semaphore, #tpu.memory_space<semaphore_mem>>) src(%dma_wait3A_197 : memref<100000x64xf32, #tpu.memory_space<hbm>>) dst(%dma_wait3A_191 : memref<128x64xf32, #tpu.memory_space<vmem>>)
      %add3A_200 = arith.constant 1 : i32
      %add3A_201 = arith.addi %rem3A_185, %add3A_200 : i32
      %mul3A_202 = arith.constant 2 : i32
      %mul3A_203 = arith.muli %mul3A_202, %rem3A_173 : i32
      %add3A_204 = arith.constant 1 : i32
      %add3A_205 = arith.addi %mul3A_203, %add3A_204 : i32
      %dma_wait3A_206 = arith.constant 0 : i32
      %dma_wait3A_207 = arith.constant 0 : i32
      %dma_wait3A_208 = tpu.memref_slice %arg6[%add3A_205, %dma_wait3A_206, %dma_wait3A_207] : memref<4x128x64xf32, #tpu.memory_space<vmem>> -> memref<1x128x64xf32, #tpu.memory_space<vmem>>
      %dma_wait3A_209 = tpu.memref_squeeze %dma_wait3A_208 : memref<1x128x64xf32, #tpu.memory_space<vmem>> -> memref<128x64xf32, #tpu.memory_space<vmem>>
      %dma_wait3A_210 = arith.constant 0 : i32
      %dma_wait3A_211 = tpu.memref_slice %arg5[%add3A_201, %dma_wait3A_210] : memref<200x128xi32, #tpu.memory_space<vmem>> -> memref<1x128xi32, #tpu.memory_space<vmem>>
      %dma_wait3A_212 = tpu.memref_squeeze %dma_wait3A_211 : memref<1x128xi32, #tpu.memory_space<vmem>> -> memref<128xi32, #tpu.memory_space<vmem>>
      %dma_wait3A_213 = arith.constant 0 : i32
      %dma_wait3A_214 = arith.constant 0 : i32
      %dma_wait3A_215 = tpu.memref_slice %arg3[%dma_wait3A_213, %dma_wait3A_214] : memref<100000x64xf32, #tpu.memory_space<hbm>> -> memref<100000x64xf32, #tpu.memory_space<hbm>>
      %dma_wait3A_216 = tpu.memref_slice %arg8[%rem3A_173] : memref<2x!tpu.dma_semaphore, #tpu.memory_space<semaphore_mem>> -> memref<1x!tpu.dma_semaphore, #tpu.memory_space<semaphore_mem>>
      %dma_wait3A_217 = tpu.memref_squeeze %dma_wait3A_216 : memref<1x!tpu.dma_semaphore, #tpu.memory_space<semaphore_mem>> -> memref<!tpu.dma_semaphore, #tpu.memory_space<semaphore_mem>>
      tpu.wait_indirect_dma semaphore(%dma_wait3A_217 : memref<!tpu.dma_semaphore, #tpu.memory_space<semaphore_mem>>) src(%dma_wait3A_215 : memref<100000x64xf32, #tpu.memory_space<hbm>>) dst(%dma_wait3A_209 : memref<128x64xf32, #tpu.memory_space<vmem>>)
      %eq3A_218 = arith.constant 99 : i32
      %eq3A_219 = arith.cmpi eq, %scan3A_171, %eq3A_218 : i32
      %convert_element_type3A_220 = arith.extui %eq3A_219 : i1 to i32
      %cond3A_221 = arith.constant 0 : i32
      %cond3A_222 = arith.cmpi ne, %convert_element_type3A_220, %cond3A_221 : i32
      scf.if %cond3A_222 {
        %mul3A_329 = arith.constant 2 : i32
        %mul3A_330 = arith.muli %add3A, %mul3A_329 : i32
        %mul3A_331 = arith.constant 200 : i32
        %mul3A_332 = arith.muli %mul3A_330, %mul3A_331 : i32
        %add3A_333 = arith.constant 200 : i32
        %add3A_334 = arith.addi %mul3A_332, %add3A_333 : i32
        %multiple_of3A_335 = tpu.assume_multiple %add3A_334, 8 : i32
        "tpu.region"() ({
          %run_scoped3A = tpu.sem_alloc : memref<!tpu.dma_semaphore, #tpu.memory_space<semaphore_mem>>
          %dma_start3A_374 = arith.constant 0 : i32
          %dma_start3A_375 = tpu.memref_slice %arg2[%multiple_of3A_335, %dma_start3A_374] : memref<12800x128xi32, #tpu.memory_space<hbm>> -> memref<200x128xi32, #tpu.memory_space<hbm>>
          %dma_start3A_376 = arith.constant 0 : i32
          %dma_start3A_377 = tpu.memref_slice %arg2[%multiple_of3A_335, %dma_start3A_376] : memref<12800x128xi32, #tpu.memory_space<hbm>> -> memref<200x128xi32, #tpu.memory_space<hbm>>
          tpu.enqueue_dma source(%dma_start3A_377 : memref<200x128xi32, #tpu.memory_space<hbm>>) target(%arg5 : memref<200x128xi32, #tpu.memory_space<vmem>>) target_semaphore(%run_scoped3A : memref<!tpu.dma_semaphore, #tpu.memory_space<semaphore_mem>>)
          %dma_wait3A_378 = arith.constant 0 : i32
          %dma_wait3A_379 = tpu.memref_slice %arg2[%multiple_of3A_335, %dma_wait3A_378] : memref<12800x128xi32, #tpu.memory_space<hbm>> -> memref<200x128xi32, #tpu.memory_space<hbm>>
          %dma_wait3A_380 = arith.constant 0 : i32
          %dma_wait3A_381 = tpu.memref_slice %arg2[%multiple_of3A_335, %dma_wait3A_380] : memref<12800x128xi32, #tpu.memory_space<hbm>> -> memref<200x128xi32, #tpu.memory_space<hbm>>
          tpu.wait_dma2 semaphore(%run_scoped3A : memref<!tpu.dma_semaphore, #tpu.memory_space<semaphore_mem>>) src(%dma_wait3A_381 : memref<200x128xi32, #tpu.memory_space<hbm>>) dst(%arg5 : memref<200x128xi32, #tpu.memory_space<vmem>>)
          tpu.yield
        }) : () -> ()
        %add3A_336 = arith.constant 1 : i32
        %add3A_337 = arith.addi %scan3A_171, %add3A_336 : i32
        %mul3A_338 = arith.constant 2 : i32
        %mul3A_339 = arith.muli %mul3A_338, %add3A_337 : i32
        %rem3A_340 = arith.constant 200 : i32
        %rem3A_341 = arith.remsi %mul3A_339, %rem3A_340 : i32
        %mul3A_342 = arith.constant 2 : i32
        %mul3A_343 = arith.muli %mul3A_342, %sub3A_175 : i32
        %dma_start3A_344 = arith.constant 0 : i32
        %dma_start3A_345 = arith.constant 0 : i32
        %dma_start3A_346 = tpu.memref_slice %arg6[%mul3A_343, %dma_start3A_344, %dma_start3A_345] : memref<4x128x64xf32, #tpu.memory_space<vmem>> -> memref<1x128x64xf32, #tpu.memory_space<vmem>>
        %dma_start3A_347 = tpu.memref_squeeze %dma_start3A_346 : memref<1x128x64xf32, #tpu.memory_space<vmem>> -> memref<128x64xf32, #tpu.memory_space<vmem>>
        %dma_start3A_348 = arith.constant 0 : i32
        %dma_start3A_349 = tpu.memref_slice %arg5[%rem3A_341, %dma_start3A_348] : memref<200x128xi32, #tpu.memory_space<vmem>> -> memref<1x128xi32, #tpu.memory_space<vmem>>
        %dma_start3A_350 = tpu.memref_squeeze %dma_start3A_349 : memref<1x128xi32, #tpu.memory_space<vmem>> -> memref<128xi32, #tpu.memory_space<vmem>>
        %dma_start3A_351 = arith.constant 0 : i32
        %dma_start3A_352 = arith.constant 0 : i32
        %dma_start3A_353 = tpu.memref_slice %arg3[%dma_start3A_351, %dma_start3A_352] : memref<100000x64xf32, #tpu.memory_space<hbm>> -> memref<100000x64xf32, #tpu.memory_space<hbm>>
        %dma_start3A_354 = tpu.memref_slice %arg8[%sub3A_175] : memref<2x!tpu.dma_semaphore, #tpu.memory_space<semaphore_mem>> -> memref<1x!tpu.dma_semaphore, #tpu.memory_space<semaphore_mem>>
        %dma_start3A_355 = tpu.memref_squeeze %dma_start3A_354 : memref<1x!tpu.dma_semaphore, #tpu.memory_space<semaphore_mem>> -> memref<!tpu.dma_semaphore, #tpu.memory_space<semaphore_mem>>
        tpu.enqueue_indirect_dma source(%dma_start3A_353 : memref<100000x64xf32, #tpu.memory_space<hbm>>) target(%dma_start3A_347 : memref<128x64xf32, #tpu.memory_space<vmem>>) offsets(%dma_start3A_350 : memref<128xi32, #tpu.memory_space<vmem>>) semaphore(%dma_start3A_355 : memref<!tpu.dma_semaphore, #tpu.memory_space<semaphore_mem>>)
        %add3A_356 = arith.constant 1 : i32
        %add3A_357 = arith.addi %rem3A_341, %add3A_356 : i32
        %mul3A_358 = arith.constant 2 : i32
        %mul3A_359 = arith.muli %mul3A_358, %sub3A_175 : i32
        %add3A_360 = arith.constant 1 : i32
        %add3A_361 = arith.addi %mul3A_359, %add3A_360 : i32
        %dma_start3A_362 = arith.constant 0 : i32
        %dma_start3A_363 = arith.constant 0 : i32
        %dma_start3A_364 = tpu.memref_slice %arg6[%add3A_361, %dma_start3A_362, %dma_start3A_363] : memref<4x128x64xf32, #tpu.memory_space<vmem>> -> memref<1x128x64xf32, #tpu.memory_space<vmem>>
        %dma_start3A_365 = tpu.memref_squeeze %dma_start3A_364 : memref<1x128x64xf32, #tpu.memory_space<vmem>> -> memref<128x64xf32, #tpu.memory_space<vmem>>
        %dma_start3A_366 = arith.constant 0 : i32
        %dma_start3A_367 = tpu.memref_slice %arg5[%add3A_357, %dma_start3A_366] : memref<200x128xi32, #tpu.memory_space<vmem>> -> memref<1x128xi32, #tpu.memory_space<vmem>>
        %dma_start3A_368 = tpu.memref_squeeze %dma_start3A_367 : memref<1x128xi32, #tpu.memory_space<vmem>> -> memref<128xi32, #tpu.memory_space<vmem>>
        %dma_start3A_369 = arith.constant 0 : i32
        %dma_start3A_370 = arith.constant 0 : i32
        %dma_start3A_371 = tpu.memref_slice %arg3[%dma_start3A_369, %dma_start3A_370] : memref<100000x64xf32, #tpu.memory_space<hbm>> -> memref<100000x64xf32, #tpu.memory_space<hbm>>
        %dma_start3A_372 = tpu.memref_slice %arg8[%sub3A_175] : memref<2x!tpu.dma_semaphore, #tpu.memory_space<semaphore_mem>> -> memref<1x!tpu.dma_semaphore, #tpu.memory_space<semaphore_mem>>
        %dma_start3A_373 = tpu.memref_squeeze %dma_start3A_372 : memref<1x!tpu.dma_semaphore, #tpu.memory_space<semaphore_mem>> -> memref<!tpu.dma_semaphore, #tpu.memory_space<semaphore_mem>>
        tpu.enqueue_indirect_dma source(%dma_start3A_371 : memref<100000x64xf32, #tpu.memory_space<hbm>>) target(%dma_start3A_365 : memref<128x64xf32, #tpu.memory_space<vmem>>) offsets(%dma_start3A_368 : memref<128xi32, #tpu.memory_space<vmem>>) semaphore(%dma_start3A_373 : memref<!tpu.dma_semaphore, #tpu.memory_space<semaphore_mem>>)
      } else {
      }
      %ge3A = arith.constant 2 : i32
      %ge3A_223 = arith.cmpi sge, %scan3A_171, %ge3A : i32
      %convert_element_type3A_224 = arith.extui %ge3A_223 : i1 to i32
      %cond3A_225 = arith.constant 0 : i32
      %cond3A_226 = arith.cmpi ne, %convert_element_type3A_224, %cond3A_225 : i32
      scf.if %cond3A_226 {
        %sub3A_329 = arith.constant 2 : i32
        %sub3A_330 = arith.subi %scan3A_171, %sub3A_329 : i32
        %mul3A_331 = arith.constant 200 : i32
        %mul3A_332 = arith.muli %add3A, %mul3A_331 : i32
        %add3A_333 = arith.addi %mul3A_332, %sub3A_330 : i32
        %jit3A_334 = arith.constant 32 : i32
        %div3A_335 = arith.divsi %add3A_333, %jit3A_334 : i32
        %sign3A_336 = arith.constant 0 : i32
        %sign3A_337 = arith.cmpi sgt, %add3A_333, %sign3A_336 : i32
        %sign3A_338 = arith.extui %sign3A_337 : i1 to i32
        %sign3A_339 = arith.constant 0 : i32
        %sign3A_340 = arith.cmpi slt, %add3A_333, %sign3A_339 : i32
        %sign3A_341 = arith.extui %sign3A_340 : i1 to i32
        %sign3A_342 = arith.subi %sign3A_338, %sign3A_341 : i32
        %sign3A_343 = arith.constant 0 : i32
        %sign3A_344 = arith.cmpi sgt, %jit3A_334, %sign3A_343 : i32
        %sign3A_345 = arith.extui %sign3A_344 : i1 to i32
        %sign3A_346 = arith.constant 0 : i32
        %sign3A_347 = arith.cmpi slt, %jit3A_334, %sign3A_346 : i32
        %sign3A_348 = arith.extui %sign3A_347 : i1 to i32
        %sign3A_349 = arith.subi %sign3A_345, %sign3A_348 : i32
        %ne3A_350 = arith.cmpi ne, %sign3A_342, %sign3A_349 : i32
        %rem3A_351 = arith.remsi %add3A_333, %jit3A_334 : i32
        %ne3A_352 = arith.constant 0 : i32
        %ne3A_353 = arith.cmpi ne, %rem3A_351, %ne3A_352 : i32
        %and3A_354 = arith.andi %ne3A_350, %ne3A_353 : i1
        %sub3A_355 = arith.constant 1 : i32
        %sub3A_356 = arith.subi %div3A_335, %sub3A_355 : i32
        %select_n3A_357 = arith.select %and3A_354, %sub3A_356, %div3A_335 : i32
        %jit3A_358 = arith.constant 32 : i32
        %eq3A_359 = arith.constant 0 : i32
        %eq3A_360 = arith.cmpi eq, %jit3A_358, %eq3A_359 : i32
        %jit3A_361 = arith.constant 1 : i32
        %select_n3A_362 = arith.select %eq3A_360, %jit3A_361, %jit3A_358 : i32
        %rem3A_363 = arith.remsi %add3A_333, %select_n3A_362 : i32
        %ne3A_364 = arith.constant 0 : i32
        %ne3A_365 = arith.cmpi ne, %rem3A_363, %ne3A_364 : i32
        %lt3A_366 = arith.constant 0 : i32
        %lt3A_367 = arith.cmpi slt, %rem3A_363, %lt3A_366 : i32
        %lt3A_368 = arith.constant 0 : i32
        %lt3A_369 = arith.cmpi slt, %select_n3A_362, %lt3A_368 : i32
        %ne3A_370 = arith.xori %lt3A_367, %lt3A_369 : i1
        %and3A_371 = arith.andi %ne3A_370, %ne3A_365 : i1
        %add3A_372 = arith.addi %rem3A_363, %select_n3A_362 : i32
        %select_n3A_373 = arith.select %and3A_371, %add3A_372, %rem3A_363 : i32
        %mul3A_374 = arith.constant 8 : i32
        %mul3A_375 = arith.muli %select_n3A_357, %mul3A_374 : i32
        %multiple_of3A_376 = tpu.assume_multiple %mul3A_375, 8 : i32
        %dma_wait3A_377 = arith.constant 0 : i32
        %dma_wait3A_378 = arith.constant 0 : i32
        %dma_wait3A_379 = arith.constant 0 : i32
        %dma_wait3A_380 = tpu.memref_slice %arg7[%rem3A_173, %dma_wait3A_377, %dma_wait3A_378, %dma_wait3A_379] : memref<2x8x8x128xf32, #tpu.memory_space<vmem>> -> memref<1x8x8x128xf32, #tpu.memory_space<vmem>>
        %dma_wait3A_381 = tpu.memref_squeeze %dma_wait3A_380 : memref<1x8x8x128xf32, #tpu.memory_space<vmem>> -> memref<8x8x128xf32, #tpu.memory_space<vmem>>
        %dma_wait3A_382 = arith.constant 0 : i32
        %dma_wait3A_383 = arith.constant 0 : i32
        %dma_wait3A_384 = tpu.memref_slice %arg4[%multiple_of3A_376, %select_n3A_373, %dma_wait3A_382, %dma_wait3A_383] : memref<1600x32x8x128xf32, #tpu.memory_space<hbm>> -> memref<8x1x8x128xf32, #tpu.memory_space<hbm>>
        %dma_wait3A_385 = tpu.memref_squeeze %dma_wait3A_384 : memref<8x1x8x128xf32, #tpu.memory_space<hbm>> -> memref<8x8x128xf32, #tpu.memory_space<hbm>>
        %dma_wait3A_386 = tpu.memref_slice %arg9[%rem3A_173] : memref<2x!tpu.dma_semaphore, #tpu.memory_space<semaphore_mem>> -> memref<1x!tpu.dma_semaphore, #tpu.memory_space<semaphore_mem>>
        %dma_wait3A_387 = tpu.memref_squeeze %dma_wait3A_386 : memref<1x!tpu.dma_semaphore, #tpu.memory_space<semaphore_mem>> -> memref<!tpu.dma_semaphore, #tpu.memory_space<semaphore_mem>>
        %dma_wait3A_388 = arith.constant 0 : i32
        %dma_wait3A_389 = arith.constant 0 : i32
        %dma_wait3A_390 = tpu.memref_slice %arg4[%multiple_of3A_376, %select_n3A_373, %dma_wait3A_388, %dma_wait3A_389] : memref<1600x32x8x128xf32, #tpu.memory_space<hbm>> -> memref<8x1x8x128xf32, #tpu.memory_space<hbm>>
        %dma_wait3A_391 = tpu.memref_squeeze %dma_wait3A_390 : memref<8x1x8x128xf32, #tpu.memory_space<hbm>> -> memref<8x8x128xf32, #tpu.memory_space<hbm>>
        %dma_wait3A_392 = arith.constant 0 : i32
        %dma_wait3A_393 = arith.constant 0 : i32
        %dma_wait3A_394 = arith.constant 0 : i32
        %dma_wait3A_395 = tpu.memref_slice %arg7[%rem3A_173, %dma_wait3A_392, %dma_wait3A_393, %dma_wait3A_394] : memref<2x8x8x128xf32, #tpu.memory_space<vmem>> -> memref<1x8x8x128xf32, #tpu.memory_space<vmem>>
        %dma_wait3A_396 = tpu.memref_squeeze %dma_wait3A_395 : memref<1x8x8x128xf32, #tpu.memory_space<vmem>> -> memref<8x8x128xf32, #tpu.memory_space<vmem>>
        tpu.wait_dma2 semaphore(%dma_wait3A_387 : memref<!tpu.dma_semaphore, #tpu.memory_space<semaphore_mem>>) src(%dma_wait3A_396 : memref<8x8x128xf32, #tpu.memory_space<vmem>>) dst(%dma_wait3A_391 : memref<8x8x128xf32, #tpu.memory_space<hbm>>)
      } else {
      }
      %mul3A_227 = arith.constant 2 : i32
      %mul3A_228 = arith.muli %mul3A_227, %rem3A_173 : i32
      %mul3A_229 = arith.constant 2 : i32
      %mul3A_230 = arith.muli %mul3A_229, %rem3A_173 : i32
      %add3A_231 = arith.constant 1 : i32
      %add3A_232 = arith.addi %mul3A_230, %add3A_231 : i32
      %add3A_233 = arith.constant 0 : i32
      %add3A_234 = vector.broadcast %add3A_233 : i32 to vector<16xi32>
      %add3A_235 = arith.addi %iota3A, %add3A_234 : vector<16xi32>
      %add3A_236 = arith.constant 16 : i32
      %add3A_237 = vector.broadcast %add3A_236 : i32 to vector<16xi32>
      %add3A_238 = arith.addi %iota3A, %add3A_237 : vector<16xi32>
      %add3A_239 = arith.constant 32 : i32
      %add3A_240 = vector.broadcast %add3A_239 : i32 to vector<16xi32>
      %add3A_241 = arith.addi %iota3A, %add3A_240 : vector<16xi32>
      %add3A_242 = arith.constant 48 : i32
      %add3A_243 = vector.broadcast %add3A_242 : i32 to vector<16xi32>
      %add3A_244 = arith.addi %iota3A, %add3A_243 : vector<16xi32>
      %add3A_245 = arith.constant 64 : i32
      %add3A_246 = vector.broadcast %add3A_245 : i32 to vector<16xi32>
      %add3A_247 = arith.addi %iota3A, %add3A_246 : vector<16xi32>
      %add3A_248 = arith.constant 80 : i32
      %add3A_249 = vector.broadcast %add3A_248 : i32 to vector<16xi32>
      %add3A_250 = arith.addi %iota3A, %add3A_249 : vector<16xi32>
      %add3A_251 = arith.constant 96 : i32
      %add3A_252 = vector.broadcast %add3A_251 : i32 to vector<16xi32>
      %add3A_253 = arith.addi %iota3A, %add3A_252 : vector<16xi32>
      %add3A_254 = arith.constant 112 : i32
      %add3A_255 = vector.broadcast %add3A_254 : i32 to vector<16xi32>
      %add3A_256 = arith.addi %iota3A, %add3A_255 : vector<16xi32>
      %scan3A_257 = arith.constant 0 : i32
      %scan3A_258 = arith.constant 0 : i32
      %scan3A_259 = arith.constant 64 : i32
      %scan3A_260 = arith.addi %scan3A_258, %scan3A_259 : i32
      %scan3A_261 = arith.constant 8 : i32
      scf.for %scan3A_329 = %scan3A_258 to %scan3A_260 step %scan3A_261  : i32 {
        %add3A_330 = vector.broadcast %scan3A_329 : i32 to vector<16xi32>
        %add3A_331 = arith.addi %iota3A, %add3A_330 : vector<16xi32>
        %and3A_332 = arith.constant 15 : i32
        %and3A_333 = vector.broadcast %and3A_332 : i32 to vector<16xi32>
        %and3A_334 = arith.andi %add3A_331, %and3A_333 : vector<16xi32>
        %and3A_335 = arith.constant 48 : i32
        %and3A_336 = arith.andi %scan3A_329, %and3A_335 : i32
        %add3A_337 = vector.broadcast %and3A_336 : i32 to vector<16xi32>
        %add3A_338 = arith.addi %and3A_334, %add3A_337 : vector<16xi32>
        %shift_right_logical3A = arith.constant 3 : i32
        %shift_right_logical3A_339 = vector.broadcast %shift_right_logical3A : i32 to vector<16xi32>
        %shift_right_logical3A_340 = arith.shrui %add3A_338, %shift_right_logical3A_339 : vector<16xi32>
        %and3A_341 = arith.constant 7 : i32
        %and3A_342 = vector.broadcast %and3A_341 : i32 to vector<16xi32>
        %and3A_343 = arith.andi %add3A_338, %and3A_342 : vector<16xi32>
        %gather3A = arith.constant 0 : i32
        %gather3A_344 = arith.constant 0 : i32
        %gather3A_345 = tpu.memref_slice %arg6[%mul3A_228, %gather3A, %gather3A_344] : memref<4x128x64xf32, #tpu.memory_space<vmem>> -> memref<1x128x64xf32, #tpu.memory_space<vmem>>
        %gather3A_346 = tpu.memref_squeeze %gather3A_345 : memref<1x128x64xf32, #tpu.memory_space<vmem>> -> memref<128x64xf32, #tpu.memory_space<vmem>>
        %gather3A_347 = tpu.vector_load_idx %gather3A_346[%add3A_235, %add3A_338] : memref<128x64xf32, #tpu.memory_space<vmem>>[vector<16xi32>, vector<16xi32>], vector<16xf32>,
        %gather3A_348 = arith.constant 0 : i32
        %gather3A_349 = arith.constant 0 : i32
        %gather3A_350 = tpu.memref_slice %arg6[%add3A_232, %gather3A_348, %gather3A_349] : memref<4x128x64xf32, #tpu.memory_space<vmem>> -> memref<1x128x64xf32, #tpu.memory_space<vmem>>
        %gather3A_351 = tpu.memref_squeeze %gather3A_350 : memref<1x128x64xf32, #tpu.memory_space<vmem>> -> memref<128x64xf32, #tpu.memory_space<vmem>>
        %gather3A_352 = tpu.vector_load_idx %gather3A_351[%add3A_235, %add3A_338] : memref<128x64xf32, #tpu.memory_space<vmem>>[vector<16xi32>, vector<16xi32>], vector<16xf32>,
        %add3A_353 = arith.addf %gather3A_347, %gather3A_352 : vector<16xf32>
        %scatter3A = arith.constant 0 : i32
        %scatter3A_354 = arith.constant 0 : i32
        %scatter3A_355 = arith.constant 0 : i32
        %scatter3A_356 = tpu.memref_slice %arg7[%rem3A_173, %scatter3A, %scatter3A_354, %scatter3A_355] : memref<2x8x8x128xf32, #tpu.memory_space<vmem>> -> memref<1x8x8x128xf32, #tpu.memory_space<vmem>>
        %scatter3A_357 = tpu.memref_squeeze %scatter3A_356 : memref<1x8x8x128xf32, #tpu.memory_space<vmem>> -> memref<8x8x128xf32, #tpu.memory_space<vmem>>
        tpu.vector_store_idx %scatter3A_357[%shift_right_logical3A_340, %and3A_343, %add3A_235], %add3A_353 : memref<8x8x128xf32, #tpu.memory_space<vmem>>[vector<16xi32>, vector<16xi32>, vector<16xi32>], vector<16xf32>,
        %gather3A_358 = arith.constant 0 : i32
        %gather3A_359 = arith.constant 0 : i32
        %gather3A_360 = tpu.memref_slice %arg6[%mul3A_228, %gather3A_358, %gather3A_359] : memref<4x128x64xf32, #tpu.memory_space<vmem>> -> memref<1x128x64xf32, #tpu.memory_space<vmem>>
        %gather3A_361 = tpu.memref_squeeze %gather3A_360 : memref<1x128x64xf32, #tpu.memory_space<vmem>> -> memref<128x64xf32, #tpu.memory_space<vmem>>
        %gather3A_362 = tpu.vector_load_idx %gather3A_361[%add3A_238, %add3A_338] : memref<128x64xf32, #tpu.memory_space<vmem>>[vector<16xi32>, vector<16xi32>], vector<16xf32>,
        %gather3A_363 = arith.constant 0 : i32
        %gather3A_364 = arith.constant 0 : i32
        %gather3A_365 = tpu.memref_slice %arg6[%add3A_232, %gather3A_363, %gather3A_364] : memref<4x128x64xf32, #tpu.memory_space<vmem>> -> memref<1x128x64xf32, #tpu.memory_space<vmem>>
        %gather3A_366 = tpu.memref_squeeze %gather3A_365 : memref<1x128x64xf32, #tpu.memory_space<vmem>> -> memref<128x64xf32, #tpu.memory_space<vmem>>
        %gather3A_367 = tpu.vector_load_idx %gather3A_366[%add3A_238, %add3A_338] : memref<128x64xf32, #tpu.memory_space<vmem>>[vector<16xi32>, vector<16xi32>], vector<16xf32>,
        %add3A_368 = arith.addf %gather3A_362, %gather3A_367 : vector<16xf32>
        %scatter3A_369 = arith.constant 0 : i32
        %scatter3A_370 = arith.constant 0 : i32
        %scatter3A_371 = arith.constant 0 : i32
        %scatter3A_372 = tpu.memref_slice %arg7[%rem3A_173, %scatter3A_369, %scatter3A_370, %scatter3A_371] : memref<2x8x8x128xf32, #tpu.memory_space<vmem>> -> memref<1x8x8x128xf32, #tpu.memory_space<vmem>>
        %scatter3A_373 = tpu.memref_squeeze %scatter3A_372 : memref<1x8x8x128xf32, #tpu.memory_space<vmem>> -> memref<8x8x128xf32, #tpu.memory_space<vmem>>
        tpu.vector_store_idx %scatter3A_373[%shift_right_logical3A_340, %and3A_343, %add3A_238], %add3A_368 : memref<8x8x128xf32, #tpu.memory_space<vmem>>[vector<16xi32>, vector<16xi32>, vector<16xi32>], vector<16xf32>,
        %gather3A_374 = arith.constant 0 : i32
        %gather3A_375 = arith.constant 0 : i32
        %gather3A_376 = tpu.memref_slice %arg6[%mul3A_228, %gather3A_374, %gather3A_375] : memref<4x128x64xf32, #tpu.memory_space<vmem>> -> memref<1x128x64xf32, #tpu.memory_space<vmem>>
        %gather3A_377 = tpu.memref_squeeze %gather3A_376 : memref<1x128x64xf32, #tpu.memory_space<vmem>> -> memref<128x64xf32, #tpu.memory_space<vmem>>
        %gather3A_378 = tpu.vector_load_idx %gather3A_377[%add3A_241, %add3A_338] : memref<128x64xf32, #tpu.memory_space<vmem>>[vector<16xi32>, vector<16xi32>], vector<16xf32>,
        %gather3A_379 = arith.constant 0 : i32
        %gather3A_380 = arith.constant 0 : i32
        %gather3A_381 = tpu.memref_slice %arg6[%add3A_232, %gather3A_379, %gather3A_380] : memref<4x128x64xf32, #tpu.memory_space<vmem>> -> memref<1x128x64xf32, #tpu.memory_space<vmem>>
        %gather3A_382 = tpu.memref_squeeze %gather3A_381 : memref<1x128x64xf32, #tpu.memory_space<vmem>> -> memref<128x64xf32, #tpu.memory_space<vmem>>
        %gather3A_383 = tpu.vector_load_idx %gather3A_382[%add3A_241, %add3A_338] : memref<128x64xf32, #tpu.memory_space<vmem>>[vector<16xi32>, vector<16xi32>], vector<16xf32>,
        %add3A_384 = arith.addf %gather3A_378, %gather3A_383 : vector<16xf32>
        %scatter3A_385 = arith.constant 0 : i32
        %scatter3A_386 = arith.constant 0 : i32
        %scatter3A_387 = arith.constant 0 : i32
        %scatter3A_388 = tpu.memref_slice %arg7[%rem3A_173, %scatter3A_385, %scatter3A_386, %scatter3A_387] : memref<2x8x8x128xf32, #tpu.memory_space<vmem>> -> memref<1x8x8x128xf32, #tpu.memory_space<vmem>>
        %scatter3A_389 = tpu.memref_squeeze %scatter3A_388 : memref<1x8x8x128xf32, #tpu.memory_space<vmem>> -> memref<8x8x128xf32, #tpu.memory_space<vmem>>
        tpu.vector_store_idx %scatter3A_389[%shift_right_logical3A_340, %and3A_343, %add3A_241], %add3A_384 : memref<8x8x128xf32, #tpu.memory_space<vmem>>[vector<16xi32>, vector<16xi32>, vector<16xi32>], vector<16xf32>,
        %gather3A_390 = arith.constant 0 : i32
        %gather3A_391 = arith.constant 0 : i32
        %gather3A_392 = tpu.memref_slice %arg6[%mul3A_228, %gather3A_390, %gather3A_391] : memref<4x128x64xf32, #tpu.memory_space<vmem>> -> memref<1x128x64xf32, #tpu.memory_space<vmem>>
        %gather3A_393 = tpu.memref_squeeze %gather3A_392 : memref<1x128x64xf32, #tpu.memory_space<vmem>> -> memref<128x64xf32, #tpu.memory_space<vmem>>
        %gather3A_394 = tpu.vector_load_idx %gather3A_393[%add3A_244, %add3A_338] : memref<128x64xf32, #tpu.memory_space<vmem>>[vector<16xi32>, vector<16xi32>], vector<16xf32>,
        %gather3A_395 = arith.constant 0 : i32
        %gather3A_396 = arith.constant 0 : i32
        %gather3A_397 = tpu.memref_slice %arg6[%add3A_232, %gather3A_395, %gather3A_396] : memref<4x128x64xf32, #tpu.memory_space<vmem>> -> memref<1x128x64xf32, #tpu.memory_space<vmem>>
        %gather3A_398 = tpu.memref_squeeze %gather3A_397 : memref<1x128x64xf32, #tpu.memory_space<vmem>> -> memref<128x64xf32, #tpu.memory_space<vmem>>
        %gather3A_399 = tpu.vector_load_idx %gather3A_398[%add3A_244, %add3A_338] : memref<128x64xf32, #tpu.memory_space<vmem>>[vector<16xi32>, vector<16xi32>], vector<16xf32>,
        %add3A_400 = arith.addf %gather3A_394, %gather3A_399 : vector<16xf32>
        %scatter3A_401 = arith.constant 0 : i32
        %scatter3A_402 = arith.constant 0 : i32
        %scatter3A_403 = arith.constant 0 : i32
        %scatter3A_404 = tpu.memref_slice %arg7[%rem3A_173, %scatter3A_401, %scatter3A_402, %scatter3A_403] : memref<2x8x8x128xf32, #tpu.memory_space<vmem>> -> memref<1x8x8x128xf32, #tpu.memory_space<vmem>>
        %scatter3A_405 = tpu.memref_squeeze %scatter3A_404 : memref<1x8x8x128xf32, #tpu.memory_space<vmem>> -> memref<8x8x128xf32, #tpu.memory_space<vmem>>
        tpu.vector_store_idx %scatter3A_405[%shift_right_logical3A_340, %and3A_343, %add3A_244], %add3A_400 : memref<8x8x128xf32, #tpu.memory_space<vmem>>[vector<16xi32>, vector<16xi32>, vector<16xi32>], vector<16xf32>,
        %gather3A_406 = arith.constant 0 : i32
        %gather3A_407 = arith.constant 0 : i32
        %gather3A_408 = tpu.memref_slice %arg6[%mul3A_228, %gather3A_406, %gather3A_407] : memref<4x128x64xf32, #tpu.memory_space<vmem>> -> memref<1x128x64xf32, #tpu.memory_space<vmem>>
        %gather3A_409 = tpu.memref_squeeze %gather3A_408 : memref<1x128x64xf32, #tpu.memory_space<vmem>> -> memref<128x64xf32, #tpu.memory_space<vmem>>
        %gather3A_410 = tpu.vector_load_idx %gather3A_409[%add3A_247, %add3A_338] : memref<128x64xf32, #tpu.memory_space<vmem>>[vector<16xi32>, vector<16xi32>], vector<16xf32>,
        %gather3A_411 = arith.constant 0 : i32
        %gather3A_412 = arith.constant 0 : i32
        %gather3A_413 = tpu.memref_slice %arg6[%add3A_232, %gather3A_411, %gather3A_412] : memref<4x128x64xf32, #tpu.memory_space<vmem>> -> memref<1x128x64xf32, #tpu.memory_space<vmem>>
        %gather3A_414 = tpu.memref_squeeze %gather3A_413 : memref<1x128x64xf32, #tpu.memory_space<vmem>> -> memref<128x64xf32, #tpu.memory_space<vmem>>
        %gather3A_415 = tpu.vector_load_idx %gather3A_414[%add3A_247, %add3A_338] : memref<128x64xf32, #tpu.memory_space<vmem>>[vector<16xi32>, vector<16xi32>], vector<16xf32>,
        %add3A_416 = arith.addf %gather3A_410, %gather3A_415 : vector<16xf32>
        %scatter3A_417 = arith.constant 0 : i32
        %scatter3A_418 = arith.constant 0 : i32
        %scatter3A_419 = arith.constant 0 : i32
        %scatter3A_420 = tpu.memref_slice %arg7[%rem3A_173, %scatter3A_417, %scatter3A_418, %scatter3A_419] : memref<2x8x8x128xf32, #tpu.memory_space<vmem>> -> memref<1x8x8x128xf32, #tpu.memory_space<vmem>>
        %scatter3A_421 = tpu.memref_squeeze %scatter3A_420 : memref<1x8x8x128xf32, #tpu.memory_space<vmem>> -> memref<8x8x128xf32, #tpu.memory_space<vmem>>
        tpu.vector_store_idx %scatter3A_421[%shift_right_logical3A_340, %and3A_343, %add3A_247], %add3A_416 : memref<8x8x128xf32, #tpu.memory_space<vmem>>[vector<16xi32>, vector<16xi32>, vector<16xi32>], vector<16xf32>,
        %gather3A_422 = arith.constant 0 : i32
        %gather3A_423 = arith.constant 0 : i32
        %gather3A_424 = tpu.memref_slice %arg6[%mul3A_228, %gather3A_422, %gather3A_423] : memref<4x128x64xf32, #tpu.memory_space<vmem>> -> memref<1x128x64xf32, #tpu.memory_space<vmem>>
        %gather3A_425 = tpu.memref_squeeze %gather3A_424 : memref<1x128x64xf32, #tpu.memory_space<vmem>> -> memref<128x64xf32, #tpu.memory_space<vmem>>
        %gather3A_426 = tpu.vector_load_idx %gather3A_425[%add3A_250, %add3A_338] : memref<128x64xf32, #tpu.memory_space<vmem>>[vector<16xi32>, vector<16xi32>], vector<16xf32>,
        %gather3A_427 = arith.constant 0 : i32
        %gather3A_428 = arith.constant 0 : i32
        %gather3A_429 = tpu.memref_slice %arg6[%add3A_232, %gather3A_427, %gather3A_428] : memref<4x128x64xf32, #tpu.memory_space<vmem>> -> memref<1x128x64xf32, #tpu.memory_space<vmem>>
        %gather3A_430 = tpu.memref_squeeze %gather3A_429 : memref<1x128x64xf32, #tpu.memory_space<vmem>> -> memref<128x64xf32, #tpu.memory_space<vmem>>
        %gather3A_431 = tpu.vector_load_idx %gather3A_430[%add3A_250, %add3A_338] : memref<128x64xf32, #tpu.memory_space<vmem>>[vector<16xi32>, vector<16xi32>], vector<16xf32>,
        %add3A_432 = arith.addf %gather3A_426, %gather3A_431 : vector<16xf32>
        %scatter3A_433 = arith.constant 0 : i32
        %scatter3A_434 = arith.constant 0 : i32
        %scatter3A_435 = arith.constant 0 : i32
        %scatter3A_436 = tpu.memref_slice %arg7[%rem3A_173, %scatter3A_433, %scatter3A_434, %scatter3A_435] : memref<2x8x8x128xf32, #tpu.memory_space<vmem>> -> memref<1x8x8x128xf32, #tpu.memory_space<vmem>>
        %scatter3A_437 = tpu.memref_squeeze %scatter3A_436 : memref<1x8x8x128xf32, #tpu.memory_space<vmem>> -> memref<8x8x128xf32, #tpu.memory_space<vmem>>
        tpu.vector_store_idx %scatter3A_437[%shift_right_logical3A_340, %and3A_343, %add3A_250], %add3A_432 : memref<8x8x128xf32, #tpu.memory_space<vmem>>[vector<16xi32>, vector<16xi32>, vector<16xi32>], vector<16xf32>,
        %gather3A_438 = arith.constant 0 : i32
        %gather3A_439 = arith.constant 0 : i32
        %gather3A_440 = tpu.memref_slice %arg6[%mul3A_228, %gather3A_438, %gather3A_439] : memref<4x128x64xf32, #tpu.memory_space<vmem>> -> memref<1x128x64xf32, #tpu.memory_space<vmem>>
        %gather3A_441 = tpu.memref_squeeze %gather3A_440 : memref<1x128x64xf32, #tpu.memory_space<vmem>> -> memref<128x64xf32, #tpu.memory_space<vmem>>
        %gather3A_442 = tpu.vector_load_idx %gather3A_441[%add3A_253, %add3A_338] : memref<128x64xf32, #tpu.memory_space<vmem>>[vector<16xi32>, vector<16xi32>], vector<16xf32>,
        %gather3A_443 = arith.constant 0 : i32
        %gather3A_444 = arith.constant 0 : i32
        %gather3A_445 = tpu.memref_slice %arg6[%add3A_232, %gather3A_443, %gather3A_444] : memref<4x128x64xf32, #tpu.memory_space<vmem>> -> memref<1x128x64xf32, #tpu.memory_space<vmem>>
        %gather3A_446 = tpu.memref_squeeze %gather3A_445 : memref<1x128x64xf32, #tpu.memory_space<vmem>> -> memref<128x64xf32, #tpu.memory_space<vmem>>
        %gather3A_447 = tpu.vector_load_idx %gather3A_446[%add3A_253, %add3A_338] : memref<128x64xf32, #tpu.memory_space<vmem>>[vector<16xi32>, vector<16xi32>], vector<16xf32>,
        %add3A_448 = arith.addf %gather3A_442, %gather3A_447 : vector<16xf32>
        %scatter3A_449 = arith.constant 0 : i32
        %scatter3A_450 = arith.constant 0 : i32
        %scatter3A_451 = arith.constant 0 : i32
        %scatter3A_452 = tpu.memref_slice %arg7[%rem3A_173, %scatter3A_449, %scatter3A_450, %scatter3A_451] : memref<2x8x8x128xf32, #tpu.memory_space<vmem>> -> memref<1x8x8x128xf32, #tpu.memory_space<vmem>>
        %scatter3A_453 = tpu.memref_squeeze %scatter3A_452 : memref<1x8x8x128xf32, #tpu.memory_space<vmem>> -> memref<8x8x128xf32, #tpu.memory_space<vmem>>
        tpu.vector_store_idx %scatter3A_453[%shift_right_logical3A_340, %and3A_343, %add3A_253], %add3A_448 : memref<8x8x128xf32, #tpu.memory_space<vmem>>[vector<16xi32>, vector<16xi32>, vector<16xi32>], vector<16xf32>,
        %gather3A_454 = arith.constant 0 : i32
        %gather3A_455 = arith.constant 0 : i32
        %gather3A_456 = tpu.memref_slice %arg6[%mul3A_228, %gather3A_454, %gather3A_455] : memref<4x128x64xf32, #tpu.memory_space<vmem>> -> memref<1x128x64xf32, #tpu.memory_space<vmem>>
        %gather3A_457 = tpu.memref_squeeze %gather3A_456 : memref<1x128x64xf32, #tpu.memory_space<vmem>> -> memref<128x64xf32, #tpu.memory_space<vmem>>
        %gather3A_458 = tpu.vector_load_idx %gather3A_457[%add3A_256, %add3A_338] : memref<128x64xf32, #tpu.memory_space<vmem>>[vector<16xi32>, vector<16xi32>], vector<16xf32>,
        %gather3A_459 = arith.constant 0 : i32
        %gather3A_460 = arith.constant 0 : i32
        %gather3A_461 = tpu.memref_slice %arg6[%add3A_232, %gather3A_459, %gather3A_460] : memref<4x128x64xf32, #tpu.memory_space<vmem>> -> memref<1x128x64xf32, #tpu.memory_space<vmem>>
        %gather3A_462 = tpu.memref_squeeze %gather3A_461 : memref<1x128x64xf32, #tpu.memory_space<vmem>> -> memref<128x64xf32, #tpu.memory_space<vmem>>
        %gather3A_463 = tpu.vector_load_idx %gather3A_462[%add3A_256, %add3A_338] : memref<128x64xf32, #tpu.memory_space<vmem>>[vector<16xi32>, vector<16xi32>], vector<16xf32>,
        %add3A_464 = arith.addf %gather3A_458, %gather3A_463 : vector<16xf32>
        %scatter3A_465 = arith.constant 0 : i32
        %scatter3A_466 = arith.constant 0 : i32
        %scatter3A_467 = arith.constant 0 : i32
        %scatter3A_468 = tpu.memref_slice %arg7[%rem3A_173, %scatter3A_465, %scatter3A_466, %scatter3A_467] : memref<2x8x8x128xf32, #tpu.memory_space<vmem>> -> memref<1x8x8x128xf32, #tpu.memory_space<vmem>>
        %scatter3A_469 = tpu.memref_squeeze %scatter3A_468 : memref<1x8x8x128xf32, #tpu.memory_space<vmem>> -> memref<8x8x128xf32, #tpu.memory_space<vmem>>
        tpu.vector_store_idx %scatter3A_469[%shift_right_logical3A_340, %and3A_343, %add3A_256], %add3A_464 : memref<8x8x128xf32, #tpu.memory_space<vmem>>[vector<16xi32>, vector<16xi32>, vector<16xi32>], vector<16xf32>,
        %scan3A_470 = arith.constant 1 : i32
        %scan3A_471 = arith.addi %scan3A_329, %scan3A_470 : i32
        %add3A_472 = vector.broadcast %scan3A_471 : i32 to vector<16xi32>
        %add3A_473 = arith.addi %iota3A, %add3A_472 : vector<16xi32>
        %and3A_474 = arith.constant 15 : i32
        %and3A_475 = vector.broadcast %and3A_474 : i32 to vector<16xi32>
        %and3A_476 = arith.andi %add3A_473, %and3A_475 : vector<16xi32>
        %and3A_477 = arith.constant 48 : i32
        %and3A_478 = arith.andi %scan3A_471, %and3A_477 : i32
        %add3A_479 = vector.broadcast %and3A_478 : i32 to vector<16xi32>
        %add3A_480 = arith.addi %and3A_476, %add3A_479 : vector<16xi32>
        %shift_right_logical3A_481 = arith.constant 3 : i32
        %shift_right_logical3A_482 = vector.broadcast %shift_right_logical3A_481 : i32 to vector<16xi32>
        %shift_right_logical3A_483 = arith.shrui %add3A_480, %shift_right_logical3A_482 : vector<16xi32>
        %and3A_484 = arith.constant 7 : i32
        %and3A_485 = vector.broadcast %and3A_484 : i32 to vector<16xi32>
        %and3A_486 = arith.andi %add3A_480, %and3A_485 : vector<16xi32>
        %gather3A_487 = arith.constant 0 : i32
        %gather3A_488 = arith.constant 0 : i32
        %gather3A_489 = tpu.memref_slice %arg6[%mul3A_228, %gather3A_487, %gather3A_488] : memref<4x128x64xf32, #tpu.memory_space<vmem>> -> memref<1x128x64xf32, #tpu.memory_space<vmem>>
        %gather3A_490 = tpu.memref_squeeze %gather3A_489 : memref<1x128x64xf32, #tpu.memory_space<vmem>> -> memref<128x64xf32, #tpu.memory_space<vmem>>
        %gather3A_491 = tpu.vector_load_idx %gather3A_490[%add3A_235, %add3A_480] : memref<128x64xf32, #tpu.memory_space<vmem>>[vector<16xi32>, vector<16xi32>], vector<16xf32>,
        %gather3A_492 = arith.constant 0 : i32
        %gather3A_493 = arith.constant 0 : i32
        %gather3A_494 = tpu.memref_slice %arg6[%add3A_232, %gather3A_492, %gather3A_493] : memref<4x128x64xf32, #tpu.memory_space<vmem>> -> memref<1x128x64xf32, #tpu.memory_space<vmem>>
        %gather3A_495 = tpu.memref_squeeze %gather3A_494 : memref<1x128x64xf32, #tpu.memory_space<vmem>> -> memref<128x64xf32, #tpu.memory_space<vmem>>
        %gather3A_496 = tpu.vector_load_idx %gather3A_495[%add3A_235, %add3A_480] : memref<128x64xf32, #tpu.memory_space<vmem>>[vector<16xi32>, vector<16xi32>], vector<16xf32>,
        %add3A_497 = arith.addf %gather3A_491, %gather3A_496 : vector<16xf32>
        %scatter3A_498 = arith.constant 0 : i32
        %scatter3A_499 = arith.constant 0 : i32
        %scatter3A_500 = arith.constant 0 : i32
        %scatter3A_501 = tpu.memref_slice %arg7[%rem3A_173, %scatter3A_498, %scatter3A_499, %scatter3A_500] : memref<2x8x8x128xf32, #tpu.memory_space<vmem>> -> memref<1x8x8x128xf32, #tpu.memory_space<vmem>>
        %scatter3A_502 = tpu.memref_squeeze %scatter3A_501 : memref<1x8x8x128xf32, #tpu.memory_space<vmem>> -> memref<8x8x128xf32, #tpu.memory_space<vmem>>
        tpu.vector_store_idx %scatter3A_502[%shift_right_logical3A_483, %and3A_486, %add3A_235], %add3A_497 : memref<8x8x128xf32, #tpu.memory_space<vmem>>[vector<16xi32>, vector<16xi32>, vector<16xi32>], vector<16xf32>,
        %gather3A_503 = arith.constant 0 : i32
        %gather3A_504 = arith.constant 0 : i32
        %gather3A_505 = tpu.memref_slice %arg6[%mul3A_228, %gather3A_503, %gather3A_504] : memref<4x128x64xf32, #tpu.memory_space<vmem>> -> memref<1x128x64xf32, #tpu.memory_space<vmem>>
        %gather3A_506 = tpu.memref_squeeze %gather3A_505 : memref<1x128x64xf32, #tpu.memory_space<vmem>> -> memref<128x64xf32, #tpu.memory_space<vmem>>
        %gather3A_507 = tpu.vector_load_idx %gather3A_506[%add3A_238, %add3A_480] : memref<128x64xf32, #tpu.memory_space<vmem>>[vector<16xi32>, vector<16xi32>], vector<16xf32>,
        %gather3A_508 = arith.constant 0 : i32
        %gather3A_509 = arith.constant 0 : i32
        %gather3A_510 = tpu.memref_slice %arg6[%add3A_232, %gather3A_508, %gather3A_509] : memref<4x128x64xf32, #tpu.memory_space<vmem>> -> memref<1x128x64xf32, #tpu.memory_space<vmem>>
        %gather3A_511 = tpu.memref_squeeze %gather3A_510 : memref<1x128x64xf32, #tpu.memory_space<vmem>> -> memref<128x64xf32, #tpu.memory_space<vmem>>
        %gather3A_512 = tpu.vector_load_idx %gather3A_511[%add3A_238, %add3A_480] : memref<128x64xf32, #tpu.memory_space<vmem>>[vector<16xi32>, vector<16xi32>], vector<16xf32>,
        %add3A_513 = arith.addf %gather3A_507, %gather3A_512 : vector<16xf32>
        %scatter3A_514 = arith.constant 0 : i32
        %scatter3A_515 = arith.constant 0 : i32
        %scatter3A_516 = arith.constant 0 : i32
        %scatter3A_517 = tpu.memref_slice %arg7[%rem3A_173, %scatter3A_514, %scatter3A_515, %scatter3A_516] : memref<2x8x8x128xf32, #tpu.memory_space<vmem>> -> memref<1x8x8x128xf32, #tpu.memory_space<vmem>>
        %scatter3A_518 = tpu.memref_squeeze %scatter3A_517 : memref<1x8x8x128xf32, #tpu.memory_space<vmem>> -> memref<8x8x128xf32, #tpu.memory_space<vmem>>
        tpu.vector_store_idx %scatter3A_518[%shift_right_logical3A_483, %and3A_486, %add3A_238], %add3A_513 : memref<8x8x128xf32, #tpu.memory_space<vmem>>[vector<16xi32>, vector<16xi32>, vector<16xi32>], vector<16xf32>,
        %gather3A_519 = arith.constant 0 : i32
        %gather3A_520 = arith.constant 0 : i32
        %gather3A_521 = tpu.memref_slice %arg6[%mul3A_228, %gather3A_519, %gather3A_520] : memref<4x128x64xf32, #tpu.memory_space<vmem>> -> memref<1x128x64xf32, #tpu.memory_space<vmem>>
        %gather3A_522 = tpu.memref_squeeze %gather3A_521 : memref<1x128x64xf32, #tpu.memory_space<vmem>> -> memref<128x64xf32, #tpu.memory_space<vmem>>
        %gather3A_523 = tpu.vector_load_idx %gather3A_522[%add3A_241, %add3A_480] : memref<128x64xf32, #tpu.memory_space<vmem>>[vector<16xi32>, vector<16xi32>], vector<16xf32>,
        %gather3A_524 = arith.constant 0 : i32
        %gather3A_525 = arith.constant 0 : i32
        %gather3A_526 = tpu.memref_slice %arg6[%add3A_232, %gather3A_524, %gather3A_525] : memref<4x128x64xf32, #tpu.memory_space<vmem>> -> memref<1x128x64xf32, #tpu.memory_space<vmem>>
        %gather3A_527 = tpu.memref_squeeze %gather3A_526 : memref<1x128x64xf32, #tpu.memory_space<vmem>> -> memref<128x64xf32, #tpu.memory_space<vmem>>
        %gather3A_528 = tpu.vector_load_idx %gather3A_527[%add3A_241, %add3A_480] : memref<128x64xf32, #tpu.memory_space<vmem>>[vector<16xi32>, vector<16xi32>], vector<16xf32>,
        %add3A_529 = arith.addf %gather3A_523, %gather3A_528 : vector<16xf32>
        %scatter3A_530 = arith.constant 0 : i32
        %scatter3A_531 = arith.constant 0 : i32
        %scatter3A_532 = arith.constant 0 : i32
        %scatter3A_533 = tpu.memref_slice %arg7[%rem3A_173, %scatter3A_530, %scatter3A_531, %scatter3A_532] : memref<2x8x8x128xf32, #tpu.memory_space<vmem>> -> memref<1x8x8x128xf32, #tpu.memory_space<vmem>>
        %scatter3A_534 = tpu.memref_squeeze %scatter3A_533 : memref<1x8x8x128xf32, #tpu.memory_space<vmem>> -> memref<8x8x128xf32, #tpu.memory_space<vmem>>
        tpu.vector_store_idx %scatter3A_534[%shift_right_logical3A_483, %and3A_486, %add3A_241], %add3A_529 : memref<8x8x128xf32, #tpu.memory_space<vmem>>[vector<16xi32>, vector<16xi32>, vector<16xi32>], vector<16xf32>,
        %gather3A_535 = arith.constant 0 : i32
        %gather3A_536 = arith.constant 0 : i32
        %gather3A_537 = tpu.memref_slice %arg6[%mul3A_228, %gather3A_535, %gather3A_536] : memref<4x128x64xf32, #tpu.memory_space<vmem>> -> memref<1x128x64xf32, #tpu.memory_space<vmem>>
        %gather3A_538 = tpu.memref_squeeze %gather3A_537 : memref<1x128x64xf32, #tpu.memory_space<vmem>> -> memref<128x64xf32, #tpu.memory_space<vmem>>
        %gather3A_539 = tpu.vector_load_idx %gather3A_538[%add3A_244, %add3A_480] : memref<128x64xf32, #tpu.memory_space<vmem>>[vector<16xi32>, vector<16xi32>], vector<16xf32>,
        %gather3A_540 = arith.constant 0 : i32
        %gather3A_541 = arith.constant 0 : i32
        %gather3A_542 = tpu.memref_slice %arg6[%add3A_232, %gather3A_540, %gather3A_541] : memref<4x128x64xf32, #tpu.memory_space<vmem>> -> memref<1x128x64xf32, #tpu.memory_space<vmem>>
        %gather3A_543 = tpu.memref_squeeze %gather3A_542 : memref<1x128x64xf32, #tpu.memory_space<vmem>> -> memref<128x64xf32, #tpu.memory_space<vmem>>
        %gather3A_544 = tpu.vector_load_idx %gather3A_543[%add3A_244, %add3A_480] : memref<128x64xf32, #tpu.memory_space<vmem>>[vector<16xi32>, vector<16xi32>], vector<16xf32>,
        %add3A_545 = arith.addf %gather3A_539, %gather3A_544 : vector<16xf32>
        %scatter3A_546 = arith.constant 0 : i32
        %scatter3A_547 = arith.constant 0 : i32
        %scatter3A_548 = arith.constant 0 : i32
        %scatter3A_549 = tpu.memref_slice %arg7[%rem3A_173, %scatter3A_546, %scatter3A_547, %scatter3A_548] : memref<2x8x8x128xf32, #tpu.memory_space<vmem>> -> memref<1x8x8x128xf32, #tpu.memory_space<vmem>>
        %scatter3A_550 = tpu.memref_squeeze %scatter3A_549 : memref<1x8x8x128xf32, #tpu.memory_space<vmem>> -> memref<8x8x128xf32, #tpu.memory_space<vmem>>
        tpu.vector_store_idx %scatter3A_550[%shift_right_logical3A_483, %and3A_486, %add3A_244], %add3A_545 : memref<8x8x128xf32, #tpu.memory_space<vmem>>[vector<16xi32>, vector<16xi32>, vector<16xi32>], vector<16xf32>,
        %gather3A_551 = arith.constant 0 : i32
        %gather3A_552 = arith.constant 0 : i32
        %gather3A_553 = tpu.memref_slice %arg6[%mul3A_228, %gather3A_551, %gather3A_552] : memref<4x128x64xf32, #tpu.memory_space<vmem>> -> memref<1x128x64xf32, #tpu.memory_space<vmem>>
        %gather3A_554 = tpu.memref_squeeze %gather3A_553 : memref<1x128x64xf32, #tpu.memory_space<vmem>> -> memref<128x64xf32, #tpu.memory_space<vmem>>
        %gather3A_555 = tpu.vector_load_idx %gather3A_554[%add3A_247, %add3A_480] : memref<128x64xf32, #tpu.memory_space<vmem>>[vector<16xi32>, vector<16xi32>], vector<16xf32>,
        %gather3A_556 = arith.constant 0 : i32
        %gather3A_557 = arith.constant 0 : i32
        %gather3A_558 = tpu.memref_slice %arg6[%add3A_232, %gather3A_556, %gather3A_557] : memref<4x128x64xf32, #tpu.memory_space<vmem>> -> memref<1x128x64xf32, #tpu.memory_space<vmem>>
        %gather3A_559 = tpu.memref_squeeze %gather3A_558 : memref<1x128x64xf32, #tpu.memory_space<vmem>> -> memref<128x64xf32, #tpu.memory_space<vmem>>
        %gather3A_560 = tpu.vector_load_idx %gather3A_559[%add3A_247, %add3A_480] : memref<128x64xf32, #tpu.memory_space<vmem>>[vector<16xi32>, vector<16xi32>], vector<16xf32>,
        %add3A_561 = arith.addf %gather3A_555, %gather3A_560 : vector<16xf32>
        %scatter3A_562 = arith.constant 0 : i32
        %scatter3A_563 = arith.constant 0 : i32
        %scatter3A_564 = arith.constant 0 : i32
        %scatter3A_565 = tpu.memref_slice %arg7[%rem3A_173, %scatter3A_562, %scatter3A_563, %scatter3A_564] : memref<2x8x8x128xf32, #tpu.memory_space<vmem>> -> memref<1x8x8x128xf32, #tpu.memory_space<vmem>>
        %scatter3A_566 = tpu.memref_squeeze %scatter3A_565 : memref<1x8x8x128xf32, #tpu.memory_space<vmem>> -> memref<8x8x128xf32, #tpu.memory_space<vmem>>
        tpu.vector_store_idx %scatter3A_566[%shift_right_logical3A_483, %and3A_486, %add3A_247], %add3A_561 : memref<8x8x128xf32, #tpu.memory_space<vmem>>[vector<16xi32>, vector<16xi32>, vector<16xi32>], vector<16xf32>,
        %gather3A_567 = arith.constant 0 : i32
        %gather3A_568 = arith.constant 0 : i32
        %gather3A_569 = tpu.memref_slice %arg6[%mul3A_228, %gather3A_567, %gather3A_568] : memref<4x128x64xf32, #tpu.memory_space<vmem>> -> memref<1x128x64xf32, #tpu.memory_space<vmem>>
        %gather3A_570 = tpu.memref_squeeze %gather3A_569 : memref<1x128x64xf32, #tpu.memory_space<vmem>> -> memref<128x64xf32, #tpu.memory_space<vmem>>
        %gather3A_571 = tpu.vector_load_idx %gather3A_570[%add3A_250, %add3A_480] : memref<128x64xf32, #tpu.memory_space<vmem>>[vector<16xi32>, vector<16xi32>], vector<16xf32>,
        %gather3A_572 = arith.constant 0 : i32
        %gather3A_573 = arith.constant 0 : i32
        %gather3A_574 = tpu.memref_slice %arg6[%add3A_232, %gather3A_572, %gather3A_573] : memref<4x128x64xf32, #tpu.memory_space<vmem>> -> memref<1x128x64xf32, #tpu.memory_space<vmem>>
        %gather3A_575 = tpu.memref_squeeze %gather3A_574 : memref<1x128x64xf32, #tpu.memory_space<vmem>> -> memref<128x64xf32, #tpu.memory_space<vmem>>
        %gather3A_576 = tpu.vector_load_idx %gather3A_575[%add3A_250, %add3A_480] : memref<128x64xf32, #tpu.memory_space<vmem>>[vector<16xi32>, vector<16xi32>], vector<16xf32>,
        %add3A_577 = arith.addf %gather3A_571, %gather3A_576 : vector<16xf32>
        %scatter3A_578 = arith.constant 0 : i32
        %scatter3A_579 = arith.constant 0 : i32
        %scatter3A_580 = arith.constant 0 : i32
        %scatter3A_581 = tpu.memref_slice %arg7[%rem3A_173, %scatter3A_578, %scatter3A_579, %scatter3A_580] : memref<2x8x8x128xf32, #tpu.memory_space<vmem>> -> memref<1x8x8x128xf32, #tpu.memory_space<vmem>>
        %scatter3A_582 = tpu.memref_squeeze %scatter3A_581 : memref<1x8x8x128xf32, #tpu.memory_space<vmem>> -> memref<8x8x128xf32, #tpu.memory_space<vmem>>
        tpu.vector_store_idx %scatter3A_582[%shift_right_logical3A_483, %and3A_486, %add3A_250], %add3A_577 : memref<8x8x128xf32, #tpu.memory_space<vmem>>[vector<16xi32>, vector<16xi32>, vector<16xi32>], vector<16xf32>,
        %gather3A_583 = arith.constant 0 : i32
        %gather3A_584 = arith.constant 0 : i32
        %gather3A_585 = tpu.memref_slice %arg6[%mul3A_228, %gather3A_583, %gather3A_584] : memref<4x128x64xf32, #tpu.memory_space<vmem>> -> memref<1x128x64xf32, #tpu.memory_space<vmem>>
        %gather3A_586 = tpu.memref_squeeze %gather3A_585 : memref<1x128x64xf32, #tpu.memory_space<vmem>> -> memref<128x64xf32, #tpu.memory_space<vmem>>
        %gather3A_587 = tpu.vector_load_idx %gather3A_586[%add3A_253, %add3A_480] : memref<128x64xf32, #tpu.memory_space<vmem>>[vector<16xi32>, vector<16xi32>], vector<16xf32>,
        %gather3A_588 = arith.constant 0 : i32
        %gather3A_589 = arith.constant 0 : i32
        %gather3A_590 = tpu.memref_slice %arg6[%add3A_232, %gather3A_588, %gather3A_589] : memref<4x128x64xf32, #tpu.memory_space<vmem>> -> memref<1x128x64xf32, #tpu.memory_space<vmem>>
        %gather3A_591 = tpu.memref_squeeze %gather3A_590 : memref<1x128x64xf32, #tpu.memory_space<vmem>> -> memref<128x64xf32, #tpu.memory_space<vmem>>
        %gather3A_592 = tpu.vector_load_idx %gather3A_591[%add3A_253, %add3A_480] : memref<128x64xf32, #tpu.memory_space<vmem>>[vector<16xi32>, vector<16xi32>], vector<16xf32>,
        %add3A_593 = arith.addf %gather3A_587, %gather3A_592 : vector<16xf32>
        %scatter3A_594 = arith.constant 0 : i32
        %scatter3A_595 = arith.constant 0 : i32
        %scatter3A_596 = arith.constant 0 : i32
        %scatter3A_597 = tpu.memref_slice %arg7[%rem3A_173, %scatter3A_594, %scatter3A_595, %scatter3A_596] : memref<2x8x8x128xf32, #tpu.memory_space<vmem>> -> memref<1x8x8x128xf32, #tpu.memory_space<vmem>>
        %scatter3A_598 = tpu.memref_squeeze %scatter3A_597 : memref<1x8x8x128xf32, #tpu.memory_space<vmem>> -> memref<8x8x128xf32, #tpu.memory_space<vmem>>
        tpu.vector_store_idx %scatter3A_598[%shift_right_logical3A_483, %and3A_486, %add3A_253], %add3A_593 : memref<8x8x128xf32, #tpu.memory_space<vmem>>[vector<16xi32>, vector<16xi32>, vector<16xi32>], vector<16xf32>,
        %gather3A_599 = arith.constant 0 : i32
        %gather3A_600 = arith.constant 0 : i32
        %gather3A_601 = tpu.memref_slice %arg6[%mul3A_228, %gather3A_599, %gather3A_600] : memref<4x128x64xf32, #tpu.memory_space<vmem>> -> memref<1x128x64xf32, #tpu.memory_space<vmem>>
        %gather3A_602 = tpu.memref_squeeze %gather3A_601 : memref<1x128x64xf32, #tpu.memory_space<vmem>> -> memref<128x64xf32, #tpu.memory_space<vmem>>
        %gather3A_603 = tpu.vector_load_idx %gather3A_602[%add3A_256, %add3A_480] : memref<128x64xf32, #tpu.memory_space<vmem>>[vector<16xi32>, vector<16xi32>], vector<16xf32>,
        %gather3A_604 = arith.constant 0 : i32
        %gather3A_605 = arith.constant 0 : i32
        %gather3A_606 = tpu.memref_slice %arg6[%add3A_232, %gather3A_604, %gather3A_605] : memref<4x128x64xf32, #tpu.memory_space<vmem>> -> memref<1x128x64xf32, #tpu.memory_space<vmem>>
        %gather3A_607 = tpu.memref_squeeze %gather3A_606 : memref<1x128x64xf32, #tpu.memory_space<vmem>> -> memref<128x64xf32, #tpu.memory_space<vmem>>
        %gather3A_608 = tpu.vector_load_idx %gather3A_607[%add3A_256, %add3A_480] : memref<128x64xf32, #tpu.memory_space<vmem>>[vector<16xi32>, vector<16xi32>], vector<16xf32>,
        %add3A_609 = arith.addf %gather3A_603, %gather3A_608 : vector<16xf32>
        %scatter3A_610 = arith.constant 0 : i32
        %scatter3A_611 = arith.constant 0 : i32
        %scatter3A_612 = arith.constant 0 : i32
        %scatter3A_613 = tpu.memref_slice %arg7[%rem3A_173, %scatter3A_610, %scatter3A_611, %scatter3A_612] : memref<2x8x8x128xf32, #tpu.memory_space<vmem>> -> memref<1x8x8x128xf32, #tpu.memory_space<vmem>>
        %scatter3A_614 = tpu.memref_squeeze %scatter3A_613 : memref<1x8x8x128xf32, #tpu.memory_space<vmem>> -> memref<8x8x128xf32, #tpu.memory_space<vmem>>
        tpu.vector_store_idx %scatter3A_614[%shift_right_logical3A_483, %and3A_486, %add3A_256], %add3A_609 : memref<8x8x128xf32, #tpu.memory_space<vmem>>[vector<16xi32>, vector<16xi32>, vector<16xi32>], vector<16xf32>,
        %scan3A_615 = arith.constant 2 : i32
        %scan3A_616 = arith.addi %scan3A_329, %scan3A_615 : i32
        %add3A_617 = vector.broadcast %scan3A_616 : i32 to vector<16xi32>
        %add3A_618 = arith.addi %iota3A, %add3A_617 : vector<16xi32>
        %and3A_619 = arith.constant 15 : i32
        %and3A_620 = vector.broadcast %and3A_619 : i32 to vector<16xi32>
        %and3A_621 = arith.andi %add3A_618, %and3A_620 : vector<16xi32>
        %and3A_622 = arith.constant 48 : i32
        %and3A_623 = arith.andi %scan3A_616, %and3A_622 : i32
        %add3A_624 = vector.broadcast %and3A_623 : i32 to vector<16xi32>
        %add3A_625 = arith.addi %and3A_621, %add3A_624 : vector<16xi32>
        %shift_right_logical3A_626 = arith.constant 3 : i32
        %shift_right_logical3A_627 = vector.broadcast %shift_right_logical3A_626 : i32 to vector<16xi32>
        %shift_right_logical3A_628 = arith.shrui %add3A_625, %shift_right_logical3A_627 : vector<16xi32>
        %and3A_629 = arith.constant 7 : i32
        %and3A_630 = vector.broadcast %and3A_629 : i32 to vector<16xi32>
        %and3A_631 = arith.andi %add3A_625, %and3A_630 : vector<16xi32>
        %gather3A_632 = arith.constant 0 : i32
        %gather3A_633 = arith.constant 0 : i32
        %gather3A_634 = tpu.memref_slice %arg6[%mul3A_228, %gather3A_632, %gather3A_633] : memref<4x128x64xf32, #tpu.memory_space<vmem>> -> memref<1x128x64xf32, #tpu.memory_space<vmem>>
        %gather3A_635 = tpu.memref_squeeze %gather3A_634 : memref<1x128x64xf32, #tpu.memory_space<vmem>> -> memref<128x64xf32, #tpu.memory_space<vmem>>
        %gather3A_636 = tpu.vector_load_idx %gather3A_635[%add3A_235, %add3A_625] : memref<128x64xf32, #tpu.memory_space<vmem>>[vector<16xi32>, vector<16xi32>], vector<16xf32>,
        %gather3A_637 = arith.constant 0 : i32
        %gather3A_638 = arith.constant 0 : i32
        %gather3A_639 = tpu.memref_slice %arg6[%add3A_232, %gather3A_637, %gather3A_638] : memref<4x128x64xf32, #tpu.memory_space<vmem>> -> memref<1x128x64xf32, #tpu.memory_space<vmem>>
        %gather3A_640 = tpu.memref_squeeze %gather3A_639 : memref<1x128x64xf32, #tpu.memory_space<vmem>> -> memref<128x64xf32, #tpu.memory_space<vmem>>
        %gather3A_641 = tpu.vector_load_idx %gather3A_640[%add3A_235, %add3A_625] : memref<128x64xf32, #tpu.memory_space<vmem>>[vector<16xi32>, vector<16xi32>], vector<16xf32>,
        %add3A_642 = arith.addf %gather3A_636, %gather3A_641 : vector<16xf32>
        %scatter3A_643 = arith.constant 0 : i32
        %scatter3A_644 = arith.constant 0 : i32
        %scatter3A_645 = arith.constant 0 : i32
        %scatter3A_646 = tpu.memref_slice %arg7[%rem3A_173, %scatter3A_643, %scatter3A_644, %scatter3A_645] : memref<2x8x8x128xf32, #tpu.memory_space<vmem>> -> memref<1x8x8x128xf32, #tpu.memory_space<vmem>>
        %scatter3A_647 = tpu.memref_squeeze %scatter3A_646 : memref<1x8x8x128xf32, #tpu.memory_space<vmem>> -> memref<8x8x128xf32, #tpu.memory_space<vmem>>
        tpu.vector_store_idx %scatter3A_647[%shift_right_logical3A_628, %and3A_631, %add3A_235], %add3A_642 : memref<8x8x128xf32, #tpu.memory_space<vmem>>[vector<16xi32>, vector<16xi32>, vector<16xi32>], vector<16xf32>,
        %gather3A_648 = arith.constant 0 : i32
        %gather3A_649 = arith.constant 0 : i32
        %gather3A_650 = tpu.memref_slice %arg6[%mul3A_228, %gather3A_648, %gather3A_649] : memref<4x128x64xf32, #tpu.memory_space<vmem>> -> memref<1x128x64xf32, #tpu.memory_space<vmem>>
        %gather3A_651 = tpu.memref_squeeze %gather3A_650 : memref<1x128x64xf32, #tpu.memory_space<vmem>> -> memref<128x64xf32, #tpu.memory_space<vmem>>
        %gather3A_652 = tpu.vector_load_idx %gather3A_651[%add3A_238, %add3A_625] : memref<128x64xf32, #tpu.memory_space<vmem>>[vector<16xi32>, vector<16xi32>], vector<16xf32>,
        %gather3A_653 = arith.constant 0 : i32
        %gather3A_654 = arith.constant 0 : i32
        %gather3A_655 = tpu.memref_slice %arg6[%add3A_232, %gather3A_653, %gather3A_654] : memref<4x128x64xf32, #tpu.memory_space<vmem>> -> memref<1x128x64xf32, #tpu.memory_space<vmem>>
        %gather3A_656 = tpu.memref_squeeze %gather3A_655 : memref<1x128x64xf32, #tpu.memory_space<vmem>> -> memref<128x64xf32, #tpu.memory_space<vmem>>
        %gather3A_657 = tpu.vector_load_idx %gather3A_656[%add3A_238, %add3A_625] : memref<128x64xf32, #tpu.memory_space<vmem>>[vector<16xi32>, vector<16xi32>], vector<16xf32>,
        %add3A_658 = arith.addf %gather3A_652, %gather3A_657 : vector<16xf32>
        %scatter3A_659 = arith.constant 0 : i32
        %scatter3A_660 = arith.constant 0 : i32
        %scatter3A_661 = arith.constant 0 : i32
        %scatter3A_662 = tpu.memref_slice %arg7[%rem3A_173, %scatter3A_659, %scatter3A_660, %scatter3A_661] : memref<2x8x8x128xf32, #tpu.memory_space<vmem>> -> memref<1x8x8x128xf32, #tpu.memory_space<vmem>>
        %scatter3A_663 = tpu.memref_squeeze %scatter3A_662 : memref<1x8x8x128xf32, #tpu.memory_space<vmem>> -> memref<8x8x128xf32, #tpu.memory_space<vmem>>
        tpu.vector_store_idx %scatter3A_663[%shift_right_logical3A_628, %and3A_631, %add3A_238], %add3A_658 : memref<8x8x128xf32, #tpu.memory_space<vmem>>[vector<16xi32>, vector<16xi32>, vector<16xi32>], vector<16xf32>,
        %gather3A_664 = arith.constant 0 : i32
        %gather3A_665 = arith.constant 0 : i32
        %gather3A_666 = tpu.memref_slice %arg6[%mul3A_228, %gather3A_664, %gather3A_665] : memref<4x128x64xf32, #tpu.memory_space<vmem>> -> memref<1x128x64xf32, #tpu.memory_space<vmem>>
        %gather3A_667 = tpu.memref_squeeze %gather3A_666 : memref<1x128x64xf32, #tpu.memory_space<vmem>> -> memref<128x64xf32, #tpu.memory_space<vmem>>
        %gather3A_668 = tpu.vector_load_idx %gather3A_667[%add3A_241, %add3A_625] : memref<128x64xf32, #tpu.memory_space<vmem>>[vector<16xi32>, vector<16xi32>], vector<16xf32>,
        %gather3A_669 = arith.constant 0 : i32
        %gather3A_670 = arith.constant 0 : i32
        %gather3A_671 = tpu.memref_slice %arg6[%add3A_232, %gather3A_669, %gather3A_670] : memref<4x128x64xf32, #tpu.memory_space<vmem>> -> memref<1x128x64xf32, #tpu.memory_space<vmem>>
        %gather3A_672 = tpu.memref_squeeze %gather3A_671 : memref<1x128x64xf32, #tpu.memory_space<vmem>> -> memref<128x64xf32, #tpu.memory_space<vmem>>
        %gather3A_673 = tpu.vector_load_idx %gather3A_672[%add3A_241, %add3A_625] : memref<128x64xf32, #tpu.memory_space<vmem>>[vector<16xi32>, vector<16xi32>], vector<16xf32>,
        %add3A_674 = arith.addf %gather3A_668, %gather3A_673 : vector<16xf32>
        %scatter3A_675 = arith.constant 0 : i32
        %scatter3A_676 = arith.constant 0 : i32
        %scatter3A_677 = arith.constant 0 : i32
        %scatter3A_678 = tpu.memref_slice %arg7[%rem3A_173, %scatter3A_675, %scatter3A_676, %scatter3A_677] : memref<2x8x8x128xf32, #tpu.memory_space<vmem>> -> memref<1x8x8x128xf32, #tpu.memory_space<vmem>>
        %scatter3A_679 = tpu.memref_squeeze %scatter3A_678 : memref<1x8x8x128xf32, #tpu.memory_space<vmem>> -> memref<8x8x128xf32, #tpu.memory_space<vmem>>
        tpu.vector_store_idx %scatter3A_679[%shift_right_logical3A_628, %and3A_631, %add3A_241], %add3A_674 : memref<8x8x128xf32, #tpu.memory_space<vmem>>[vector<16xi32>, vector<16xi32>, vector<16xi32>], vector<16xf32>,
        %gather3A_680 = arith.constant 0 : i32
        %gather3A_681 = arith.constant 0 : i32
        %gather3A_682 = tpu.memref_slice %arg6[%mul3A_228, %gather3A_680, %gather3A_681] : memref<4x128x64xf32, #tpu.memory_space<vmem>> -> memref<1x128x64xf32, #tpu.memory_space<vmem>>
        %gather3A_683 = tpu.memref_squeeze %gather3A_682 : memref<1x128x64xf32, #tpu.memory_space<vmem>> -> memref<128x64xf32, #tpu.memory_space<vmem>>
        %gather3A_684 = tpu.vector_load_idx %gather3A_683[%add3A_244, %add3A_625] : memref<128x64xf32, #tpu.memory_space<vmem>>[vector<16xi32>, vector<16xi32>], vector<16xf32>,
        %gather3A_685 = arith.constant 0 : i32
        %gather3A_686 = arith.constant 0 : i32
        %gather3A_687 = tpu.memref_slice %arg6[%add3A_232, %gather3A_685, %gather3A_686] : memref<4x128x64xf32, #tpu.memory_space<vmem>> -> memref<1x128x64xf32, #tpu.memory_space<vmem>>
        %gather3A_688 = tpu.memref_squeeze %gather3A_687 : memref<1x128x64xf32, #tpu.memory_space<vmem>> -> memref<128x64xf32, #tpu.memory_space<vmem>>
        %gather3A_689 = tpu.vector_load_idx %gather3A_688[%add3A_244, %add3A_625] : memref<128x64xf32, #tpu.memory_space<vmem>>[vector<16xi32>, vector<16xi32>], vector<16xf32>,
        %add3A_690 = arith.addf %gather3A_684, %gather3A_689 : vector<16xf32>
        %scatter3A_691 = arith.constant 0 : i32
        %scatter3A_692 = arith.constant 0 : i32
        %scatter3A_693 = arith.constant 0 : i32
        %scatter3A_694 = tpu.memref_slice %arg7[%rem3A_173, %scatter3A_691, %scatter3A_692, %scatter3A_693] : memref<2x8x8x128xf32, #tpu.memory_space<vmem>> -> memref<1x8x8x128xf32, #tpu.memory_space<vmem>>
        %scatter3A_695 = tpu.memref_squeeze %scatter3A_694 : memref<1x8x8x128xf32, #tpu.memory_space<vmem>> -> memref<8x8x128xf32, #tpu.memory_space<vmem>>
        tpu.vector_store_idx %scatter3A_695[%shift_right_logical3A_628, %and3A_631, %add3A_244], %add3A_690 : memref<8x8x128xf32, #tpu.memory_space<vmem>>[vector<16xi32>, vector<16xi32>, vector<16xi32>], vector<16xf32>,
        %gather3A_696 = arith.constant 0 : i32
        %gather3A_697 = arith.constant 0 : i32
        %gather3A_698 = tpu.memref_slice %arg6[%mul3A_228, %gather3A_696, %gather3A_697] : memref<4x128x64xf32, #tpu.memory_space<vmem>> -> memref<1x128x64xf32, #tpu.memory_space<vmem>>
        %gather3A_699 = tpu.memref_squeeze %gather3A_698 : memref<1x128x64xf32, #tpu.memory_space<vmem>> -> memref<128x64xf32, #tpu.memory_space<vmem>>
        %gather3A_700 = tpu.vector_load_idx %gather3A_699[%add3A_247, %add3A_625] : memref<128x64xf32, #tpu.memory_space<vmem>>[vector<16xi32>, vector<16xi32>], vector<16xf32>,
        %gather3A_701 = arith.constant 0 : i32
        %gather3A_702 = arith.constant 0 : i32
        %gather3A_703 = tpu.memref_slice %arg6[%add3A_232, %gather3A_701, %gather3A_702] : memref<4x128x64xf32, #tpu.memory_space<vmem>> -> memref<1x128x64xf32, #tpu.memory_space<vmem>>
        %gather3A_704 = tpu.memref_squeeze %gather3A_703 : memref<1x128x64xf32, #tpu.memory_space<vmem>> -> memref<128x64xf32, #tpu.memory_space<vmem>>
        %gather3A_705 = tpu.vector_load_idx %gather3A_704[%add3A_247, %add3A_625] : memref<128x64xf32, #tpu.memory_space<vmem>>[vector<16xi32>, vector<16xi32>], vector<16xf32>,
        %add3A_706 = arith.addf %gather3A_700, %gather3A_705 : vector<16xf32>
        %scatter3A_707 = arith.constant 0 : i32
        %scatter3A_708 = arith.constant 0 : i32
        %scatter3A_709 = arith.constant 0 : i32
        %scatter3A_710 = tpu.memref_slice %arg7[%rem3A_173, %scatter3A_707, %scatter3A_708, %scatter3A_709] : memref<2x8x8x128xf32, #tpu.memory_space<vmem>> -> memref<1x8x8x128xf32, #tpu.memory_space<vmem>>
        %scatter3A_711 = tpu.memref_squeeze %scatter3A_710 : memref<1x8x8x128xf32, #tpu.memory_space<vmem>> -> memref<8x8x128xf32, #tpu.memory_space<vmem>>
        tpu.vector_store_idx %scatter3A_711[%shift_right_logical3A_628, %and3A_631, %add3A_247], %add3A_706 : memref<8x8x128xf32, #tpu.memory_space<vmem>>[vector<16xi32>, vector<16xi32>, vector<16xi32>], vector<16xf32>,
        %gather3A_712 = arith.constant 0 : i32
        %gather3A_713 = arith.constant 0 : i32
        %gather3A_714 = tpu.memref_slice %arg6[%mul3A_228, %gather3A_712, %gather3A_713] : memref<4x128x64xf32, #tpu.memory_space<vmem>> -> memref<1x128x64xf32, #tpu.memory_space<vmem>>
        %gather3A_715 = tpu.memref_squeeze %gather3A_714 : memref<1x128x64xf32, #tpu.memory_space<vmem>> -> memref<128x64xf32, #tpu.memory_space<vmem>>
        %gather3A_716 = tpu.vector_load_idx %gather3A_715[%add3A_250, %add3A_625] : memref<128x64xf32, #tpu.memory_space<vmem>>[vector<16xi32>, vector<16xi32>], vector<16xf32>,
        %gather3A_717 = arith.constant 0 : i32
        %gather3A_718 = arith.constant 0 : i32
        %gather3A_719 = tpu.memref_slice %arg6[%add3A_232, %gather3A_717, %gather3A_718] : memref<4x128x64xf32, #tpu.memory_space<vmem>> -> memref<1x128x64xf32, #tpu.memory_space<vmem>>
        %gather3A_720 = tpu.memref_squeeze %gather3A_719 : memref<1x128x64xf32, #tpu.memory_space<vmem>> -> memref<128x64xf32, #tpu.memory_space<vmem>>
        %gather3A_721 = tpu.vector_load_idx %gather3A_720[%add3A_250, %add3A_625] : memref<128x64xf32, #tpu.memory_space<vmem>>[vector<16xi32>, vector<16xi32>], vector<16xf32>,
        %add3A_722 = arith.addf %gather3A_716, %gather3A_721 : vector<16xf32>
        %scatter3A_723 = arith.constant 0 : i32
        %scatter3A_724 = arith.constant 0 : i32
        %scatter3A_725 = arith.constant 0 : i32
        %scatter3A_726 = tpu.memref_slice %arg7[%rem3A_173, %scatter3A_723, %scatter3A_724, %scatter3A_725] : memref<2x8x8x128xf32, #tpu.memory_space<vmem>> -> memref<1x8x8x128xf32, #tpu.memory_space<vmem>>
        %scatter3A_727 = tpu.memref_squeeze %scatter3A_726 : memref<1x8x8x128xf32, #tpu.memory_space<vmem>> -> memref<8x8x128xf32, #tpu.memory_space<vmem>>
        tpu.vector_store_idx %scatter3A_727[%shift_right_logical3A_628, %and3A_631, %add3A_250], %add3A_722 : memref<8x8x128xf32, #tpu.memory_space<vmem>>[vector<16xi32>, vector<16xi32>, vector<16xi32>], vector<16xf32>,
        %gather3A_728 = arith.constant 0 : i32
        %gather3A_729 = arith.constant 0 : i32
        %gather3A_730 = tpu.memref_slice %arg6[%mul3A_228, %gather3A_728, %gather3A_729] : memref<4x128x64xf32, #tpu.memory_space<vmem>> -> memref<1x128x64xf32, #tpu.memory_space<vmem>>
        %gather3A_731 = tpu.memref_squeeze %gather3A_730 : memref<1x128x64xf32, #tpu.memory_space<vmem>> -> memref<128x64xf32, #tpu.memory_space<vmem>>
        %gather3A_732 = tpu.vector_load_idx %gather3A_731[%add3A_253, %add3A_625] : memref<128x64xf32, #tpu.memory_space<vmem>>[vector<16xi32>, vector<16xi32>], vector<16xf32>,
        %gather3A_733 = arith.constant 0 : i32
        %gather3A_734 = arith.constant 0 : i32
        %gather3A_735 = tpu.memref_slice %arg6[%add3A_232, %gather3A_733, %gather3A_734] : memref<4x128x64xf32, #tpu.memory_space<vmem>> -> memref<1x128x64xf32, #tpu.memory_space<vmem>>
        %gather3A_736 = tpu.memref_squeeze %gather3A_735 : memref<1x128x64xf32, #tpu.memory_space<vmem>> -> memref<128x64xf32, #tpu.memory_space<vmem>>
        %gather3A_737 = tpu.vector_load_idx %gather3A_736[%add3A_253, %add3A_625] : memref<128x64xf32, #tpu.memory_space<vmem>>[vector<16xi32>, vector<16xi32>], vector<16xf32>,
        %add3A_738 = arith.addf %gather3A_732, %gather3A_737 : vector<16xf32>
        %scatter3A_739 = arith.constant 0 : i32
        %scatter3A_740 = arith.constant 0 : i32
        %scatter3A_741 = arith.constant 0 : i32
        %scatter3A_742 = tpu.memref_slice %arg7[%rem3A_173, %scatter3A_739, %scatter3A_740, %scatter3A_741] : memref<2x8x8x128xf32, #tpu.memory_space<vmem>> -> memref<1x8x8x128xf32, #tpu.memory_space<vmem>>
        %scatter3A_743 = tpu.memref_squeeze %scatter3A_742 : memref<1x8x8x128xf32, #tpu.memory_space<vmem>> -> memref<8x8x128xf32, #tpu.memory_space<vmem>>
        tpu.vector_store_idx %scatter3A_743[%shift_right_logical3A_628, %and3A_631, %add3A_253], %add3A_738 : memref<8x8x128xf32, #tpu.memory_space<vmem>>[vector<16xi32>, vector<16xi32>, vector<16xi32>], vector<16xf32>,
        %gather3A_744 = arith.constant 0 : i32
        %gather3A_745 = arith.constant 0 : i32
        %gather3A_746 = tpu.memref_slice %arg6[%mul3A_228, %gather3A_744, %gather3A_745] : memref<4x128x64xf32, #tpu.memory_space<vmem>> -> memref<1x128x64xf32, #tpu.memory_space<vmem>>
        %gather3A_747 = tpu.memref_squeeze %gather3A_746 : memref<1x128x64xf32, #tpu.memory_space<vmem>> -> memref<128x64xf32, #tpu.memory_space<vmem>>
        %gather3A_748 = tpu.vector_load_idx %gather3A_747[%add3A_256, %add3A_625] : memref<128x64xf32, #tpu.memory_space<vmem>>[vector<16xi32>, vector<16xi32>], vector<16xf32>,
        %gather3A_749 = arith.constant 0 : i32
        %gather3A_750 = arith.constant 0 : i32
        %gather3A_751 = tpu.memref_slice %arg6[%add3A_232, %gather3A_749, %gather3A_750] : memref<4x128x64xf32, #tpu.memory_space<vmem>> -> memref<1x128x64xf32, #tpu.memory_space<vmem>>
        %gather3A_752 = tpu.memref_squeeze %gather3A_751 : memref<1x128x64xf32, #tpu.memory_space<vmem>> -> memref<128x64xf32, #tpu.memory_space<vmem>>
        %gather3A_753 = tpu.vector_load_idx %gather3A_752[%add3A_256, %add3A_625] : memref<128x64xf32, #tpu.memory_space<vmem>>[vector<16xi32>, vector<16xi32>], vector<16xf32>,
        %add3A_754 = arith.addf %gather3A_748, %gather3A_753 : vector<16xf32>
        %scatter3A_755 = arith.constant 0 : i32
        %scatter3A_756 = arith.constant 0 : i32
        %scatter3A_757 = arith.constant 0 : i32
        %scatter3A_758 = tpu.memref_slice %arg7[%rem3A_173, %scatter3A_755, %scatter3A_756, %scatter3A_757] : memref<2x8x8x128xf32, #tpu.memory_space<vmem>> -> memref<1x8x8x128xf32, #tpu.memory_space<vmem>>
        %scatter3A_759 = tpu.memref_squeeze %scatter3A_758 : memref<1x8x8x128xf32, #tpu.memory_space<vmem>> -> memref<8x8x128xf32, #tpu.memory_space<vmem>>
        tpu.vector_store_idx %scatter3A_759[%shift_right_logical3A_628, %and3A_631, %add3A_256], %add3A_754 : memref<8x8x128xf32, #tpu.memory_space<vmem>>[vector<16xi32>, vector<16xi32>, vector<16xi32>], vector<16xf32>,
        %scan3A_760 = arith.constant 3 : i32
        %scan3A_761 = arith.addi %scan3A_329, %scan3A_760 : i32
        %add3A_762 = vector.broadcast %scan3A_761 : i32 to vector<16xi32>
        %add3A_763 = arith.addi %iota3A, %add3A_762 : vector<16xi32>
        %and3A_764 = arith.constant 15 : i32
        %and3A_765 = vector.broadcast %and3A_764 : i32 to vector<16xi32>
        %and3A_766 = arith.andi %add3A_763, %and3A_765 : vector<16xi32>
        %and3A_767 = arith.constant 48 : i32
        %and3A_768 = arith.andi %scan3A_761, %and3A_767 : i32
        %add3A_769 = vector.broadcast %and3A_768 : i32 to vector<16xi32>
        %add3A_770 = arith.addi %and3A_766, %add3A_769 : vector<16xi32>
        %shift_right_logical3A_771 = arith.constant 3 : i32
        %shift_right_logical3A_772 = vector.broadcast %shift_right_logical3A_771 : i32 to vector<16xi32>
        %shift_right_logical3A_773 = arith.shrui %add3A_770, %shift_right_logical3A_772 : vector<16xi32>
        %and3A_774 = arith.constant 7 : i32
        %and3A_775 = vector.broadcast %and3A_774 : i32 to vector<16xi32>
        %and3A_776 = arith.andi %add3A_770, %and3A_775 : vector<16xi32>
        %gather3A_777 = arith.constant 0 : i32
        %gather3A_778 = arith.constant 0 : i32
        %gather3A_779 = tpu.memref_slice %arg6[%mul3A_228, %gather3A_777, %gather3A_778] : memref<4x128x64xf32, #tpu.memory_space<vmem>> -> memref<1x128x64xf32, #tpu.memory_space<vmem>>
        %gather3A_780 = tpu.memref_squeeze %gather3A_779 : memref<1x128x64xf32, #tpu.memory_space<vmem>> -> memref<128x64xf32, #tpu.memory_space<vmem>>
        %gather3A_781 = tpu.vector_load_idx %gather3A_780[%add3A_235, %add3A_770] : memref<128x64xf32, #tpu.memory_space<vmem>>[vector<16xi32>, vector<16xi32>], vector<16xf32>,
        %gather3A_782 = arith.constant 0 : i32
        %gather3A_783 = arith.constant 0 : i32
        %gather3A_784 = tpu.memref_slice %arg6[%add3A_232, %gather3A_782, %gather3A_783] : memref<4x128x64xf32, #tpu.memory_space<vmem>> -> memref<1x128x64xf32, #tpu.memory_space<vmem>>
        %gather3A_785 = tpu.memref_squeeze %gather3A_784 : memref<1x128x64xf32, #tpu.memory_space<vmem>> -> memref<128x64xf32, #tpu.memory_space<vmem>>
        %gather3A_786 = tpu.vector_load_idx %gather3A_785[%add3A_235, %add3A_770] : memref<128x64xf32, #tpu.memory_space<vmem>>[vector<16xi32>, vector<16xi32>], vector<16xf32>,
        %add3A_787 = arith.addf %gather3A_781, %gather3A_786 : vector<16xf32>
        %scatter3A_788 = arith.constant 0 : i32
        %scatter3A_789 = arith.constant 0 : i32
        %scatter3A_790 = arith.constant 0 : i32
        %scatter3A_791 = tpu.memref_slice %arg7[%rem3A_173, %scatter3A_788, %scatter3A_789, %scatter3A_790] : memref<2x8x8x128xf32, #tpu.memory_space<vmem>> -> memref<1x8x8x128xf32, #tpu.memory_space<vmem>>
        %scatter3A_792 = tpu.memref_squeeze %scatter3A_791 : memref<1x8x8x128xf32, #tpu.memory_space<vmem>> -> memref<8x8x128xf32, #tpu.memory_space<vmem>>
        tpu.vector_store_idx %scatter3A_792[%shift_right_logical3A_773, %and3A_776, %add3A_235], %add3A_787 : memref<8x8x128xf32, #tpu.memory_space<vmem>>[vector<16xi32>, vector<16xi32>, vector<16xi32>], vector<16xf32>,
        %gather3A_793 = arith.constant 0 : i32
        %gather3A_794 = arith.constant 0 : i32
        %gather3A_795 = tpu.memref_slice %arg6[%mul3A_228, %gather3A_793, %gather3A_794] : memref<4x128x64xf32, #tpu.memory_space<vmem>> -> memref<1x128x64xf32, #tpu.memory_space<vmem>>
        %gather3A_796 = tpu.memref_squeeze %gather3A_795 : memref<1x128x64xf32, #tpu.memory_space<vmem>> -> memref<128x64xf32, #tpu.memory_space<vmem>>
        %gather3A_797 = tpu.vector_load_idx %gather3A_796[%add3A_238, %add3A_770] : memref<128x64xf32, #tpu.memory_space<vmem>>[vector<16xi32>, vector<16xi32>], vector<16xf32>,
        %gather3A_798 = arith.constant 0 : i32
        %gather3A_799 = arith.constant 0 : i32
        %gather3A_800 = tpu.memref_slice %arg6[%add3A_232, %gather3A_798, %gather3A_799] : memref<4x128x64xf32, #tpu.memory_space<vmem>> -> memref<1x128x64xf32, #tpu.memory_space<vmem>>
        %gather3A_801 = tpu.memref_squeeze %gather3A_800 : memref<1x128x64xf32, #tpu.memory_space<vmem>> -> memref<128x64xf32, #tpu.memory_space<vmem>>
        %gather3A_802 = tpu.vector_load_idx %gather3A_801[%add3A_238, %add3A_770] : memref<128x64xf32, #tpu.memory_space<vmem>>[vector<16xi32>, vector<16xi32>], vector<16xf32>,
        %add3A_803 = arith.addf %gather3A_797, %gather3A_802 : vector<16xf32>
        %scatter3A_804 = arith.constant 0 : i32
        %scatter3A_805 = arith.constant 0 : i32
        %scatter3A_806 = arith.constant 0 : i32
        %scatter3A_807 = tpu.memref_slice %arg7[%rem3A_173, %scatter3A_804, %scatter3A_805, %scatter3A_806] : memref<2x8x8x128xf32, #tpu.memory_space<vmem>> -> memref<1x8x8x128xf32, #tpu.memory_space<vmem>>
        %scatter3A_808 = tpu.memref_squeeze %scatter3A_807 : memref<1x8x8x128xf32, #tpu.memory_space<vmem>> -> memref<8x8x128xf32, #tpu.memory_space<vmem>>
        tpu.vector_store_idx %scatter3A_808[%shift_right_logical3A_773, %and3A_776, %add3A_238], %add3A_803 : memref<8x8x128xf32, #tpu.memory_space<vmem>>[vector<16xi32>, vector<16xi32>, vector<16xi32>], vector<16xf32>,
        %gather3A_809 = arith.constant 0 : i32
        %gather3A_810 = arith.constant 0 : i32
        %gather3A_811 = tpu.memref_slice %arg6[%mul3A_228, %gather3A_809, %gather3A_810] : memref<4x128x64xf32, #tpu.memory_space<vmem>> -> memref<1x128x64xf32, #tpu.memory_space<vmem>>
        %gather3A_812 = tpu.memref_squeeze %gather3A_811 : memref<1x128x64xf32, #tpu.memory_space<vmem>> -> memref<128x64xf32, #tpu.memory_space<vmem>>
        %gather3A_813 = tpu.vector_load_idx %gather3A_812[%add3A_241, %add3A_770] : memref<128x64xf32, #tpu.memory_space<vmem>>[vector<16xi32>, vector<16xi32>], vector<16xf32>,
        %gather3A_814 = arith.constant 0 : i32
        %gather3A_815 = arith.constant 0 : i32
        %gather3A_816 = tpu.memref_slice %arg6[%add3A_232, %gather3A_814, %gather3A_815] : memref<4x128x64xf32, #tpu.memory_space<vmem>> -> memref<1x128x64xf32, #tpu.memory_space<vmem>>
        %gather3A_817 = tpu.memref_squeeze %gather3A_816 : memref<1x128x64xf32, #tpu.memory_space<vmem>> -> memref<128x64xf32, #tpu.memory_space<vmem>>
        %gather3A_818 = tpu.vector_load_idx %gather3A_817[%add3A_241, %add3A_770] : memref<128x64xf32, #tpu.memory_space<vmem>>[vector<16xi32>, vector<16xi32>], vector<16xf32>,
        %add3A_819 = arith.addf %gather3A_813, %gather3A_818 : vector<16xf32>
        %scatter3A_820 = arith.constant 0 : i32
        %scatter3A_821 = arith.constant 0 : i32
        %scatter3A_822 = arith.constant 0 : i32
        %scatter3A_823 = tpu.memref_slice %arg7[%rem3A_173, %scatter3A_820, %scatter3A_821, %scatter3A_822] : memref<2x8x8x128xf32, #tpu.memory_space<vmem>> -> memref<1x8x8x128xf32, #tpu.memory_space<vmem>>
        %scatter3A_824 = tpu.memref_squeeze %scatter3A_823 : memref<1x8x8x128xf32, #tpu.memory_space<vmem>> -> memref<8x8x128xf32, #tpu.memory_space<vmem>>
        tpu.vector_store_idx %scatter3A_824[%shift_right_logical3A_773, %and3A_776, %add3A_241], %add3A_819 : memref<8x8x128xf32, #tpu.memory_space<vmem>>[vector<16xi32>, vector<16xi32>, vector<16xi32>], vector<16xf32>,
        %gather3A_825 = arith.constant 0 : i32
        %gather3A_826 = arith.constant 0 : i32
        %gather3A_827 = tpu.memref_slice %arg6[%mul3A_228, %gather3A_825, %gather3A_826] : memref<4x128x64xf32, #tpu.memory_space<vmem>> -> memref<1x128x64xf32, #tpu.memory_space<vmem>>
        %gather3A_828 = tpu.memref_squeeze %gather3A_827 : memref<1x128x64xf32, #tpu.memory_space<vmem>> -> memref<128x64xf32, #tpu.memory_space<vmem>>
        %gather3A_829 = tpu.vector_load_idx %gather3A_828[%add3A_244, %add3A_770] : memref<128x64xf32, #tpu.memory_space<vmem>>[vector<16xi32>, vector<16xi32>], vector<16xf32>,
        %gather3A_830 = arith.constant 0 : i32
        %gather3A_831 = arith.constant 0 : i32
        %gather3A_832 = tpu.memref_slice %arg6[%add3A_232, %gather3A_830, %gather3A_831] : memref<4x128x64xf32, #tpu.memory_space<vmem>> -> memref<1x128x64xf32, #tpu.memory_space<vmem>>
        %gather3A_833 = tpu.memref_squeeze %gather3A_832 : memref<1x128x64xf32, #tpu.memory_space<vmem>> -> memref<128x64xf32, #tpu.memory_space<vmem>>
        %gather3A_834 = tpu.vector_load_idx %gather3A_833[%add3A_244, %add3A_770] : memref<128x64xf32, #tpu.memory_space<vmem>>[vector<16xi32>, vector<16xi32>], vector<16xf32>,
        %add3A_835 = arith.addf %gather3A_829, %gather3A_834 : vector<16xf32>
        %scatter3A_836 = arith.constant 0 : i32
        %scatter3A_837 = arith.constant 0 : i32
        %scatter3A_838 = arith.constant 0 : i32
        %scatter3A_839 = tpu.memref_slice %arg7[%rem3A_173, %scatter3A_836, %scatter3A_837, %scatter3A_838] : memref<2x8x8x128xf32, #tpu.memory_space<vmem>> -> memref<1x8x8x128xf32, #tpu.memory_space<vmem>>
        %scatter3A_840 = tpu.memref_squeeze %scatter3A_839 : memref<1x8x8x128xf32, #tpu.memory_space<vmem>> -> memref<8x8x128xf32, #tpu.memory_space<vmem>>
        tpu.vector_store_idx %scatter3A_840[%shift_right_logical3A_773, %and3A_776, %add3A_244], %add3A_835 : memref<8x8x128xf32, #tpu.memory_space<vmem>>[vector<16xi32>, vector<16xi32>, vector<16xi32>], vector<16xf32>,
        %gather3A_841 = arith.constant 0 : i32
        %gather3A_842 = arith.constant 0 : i32
        %gather3A_843 = tpu.memref_slice %arg6[%mul3A_228, %gather3A_841, %gather3A_842] : memref<4x128x64xf32, #tpu.memory_space<vmem>> -> memref<1x128x64xf32, #tpu.memory_space<vmem>>
        %gather3A_844 = tpu.memref_squeeze %gather3A_843 : memref<1x128x64xf32, #tpu.memory_space<vmem>> -> memref<128x64xf32, #tpu.memory_space<vmem>>
        %gather3A_845 = tpu.vector_load_idx %gather3A_844[%add3A_247, %add3A_770] : memref<128x64xf32, #tpu.memory_space<vmem>>[vector<16xi32>, vector<16xi32>], vector<16xf32>,
        %gather3A_846 = arith.constant 0 : i32
        %gather3A_847 = arith.constant 0 : i32
        %gather3A_848 = tpu.memref_slice %arg6[%add3A_232, %gather3A_846, %gather3A_847] : memref<4x128x64xf32, #tpu.memory_space<vmem>> -> memref<1x128x64xf32, #tpu.memory_space<vmem>>
        %gather3A_849 = tpu.memref_squeeze %gather3A_848 : memref<1x128x64xf32, #tpu.memory_space<vmem>> -> memref<128x64xf32, #tpu.memory_space<vmem>>
        %gather3A_850 = tpu.vector_load_idx %gather3A_849[%add3A_247, %add3A_770] : memref<128x64xf32, #tpu.memory_space<vmem>>[vector<16xi32>, vector<16xi32>], vector<16xf32>,
        %add3A_851 = arith.addf %gather3A_845, %gather3A_850 : vector<16xf32>
        %scatter3A_852 = arith.constant 0 : i32
        %scatter3A_853 = arith.constant 0 : i32
        %scatter3A_854 = arith.constant 0 : i32
        %scatter3A_855 = tpu.memref_slice %arg7[%rem3A_173, %scatter3A_852, %scatter3A_853, %scatter3A_854] : memref<2x8x8x128xf32, #tpu.memory_space<vmem>> -> memref<1x8x8x128xf32, #tpu.memory_space<vmem>>
        %scatter3A_856 = tpu.memref_squeeze %scatter3A_855 : memref<1x8x8x128xf32, #tpu.memory_space<vmem>> -> memref<8x8x128xf32, #tpu.memory_space<vmem>>
        tpu.vector_store_idx %scatter3A_856[%shift_right_logical3A_773, %and3A_776, %add3A_247], %add3A_851 : memref<8x8x128xf32, #tpu.memory_space<vmem>>[vector<16xi32>, vector<16xi32>, vector<16xi32>], vector<16xf32>,
        %gather3A_857 = arith.constant 0 : i32
        %gather3A_858 = arith.constant 0 : i32
        %gather3A_859 = tpu.memref_slice %arg6[%mul3A_228, %gather3A_857, %gather3A_858] : memref<4x128x64xf32, #tpu.memory_space<vmem>> -> memref<1x128x64xf32, #tpu.memory_space<vmem>>
        %gather3A_860 = tpu.memref_squeeze %gather3A_859 : memref<1x128x64xf32, #tpu.memory_space<vmem>> -> memref<128x64xf32, #tpu.memory_space<vmem>>
        %gather3A_861 = tpu.vector_load_idx %gather3A_860[%add3A_250, %add3A_770] : memref<128x64xf32, #tpu.memory_space<vmem>>[vector<16xi32>, vector<16xi32>], vector<16xf32>,
        %gather3A_862 = arith.constant 0 : i32
        %gather3A_863 = arith.constant 0 : i32
        %gather3A_864 = tpu.memref_slice %arg6[%add3A_232, %gather3A_862, %gather3A_863] : memref<4x128x64xf32, #tpu.memory_space<vmem>> -> memref<1x128x64xf32, #tpu.memory_space<vmem>>
        %gather3A_865 = tpu.memref_squeeze %gather3A_864 : memref<1x128x64xf32, #tpu.memory_space<vmem>> -> memref<128x64xf32, #tpu.memory_space<vmem>>
        %gather3A_866 = tpu.vector_load_idx %gather3A_865[%add3A_250, %add3A_770] : memref<128x64xf32, #tpu.memory_space<vmem>>[vector<16xi32>, vector<16xi32>], vector<16xf32>,
        %add3A_867 = arith.addf %gather3A_861, %gather3A_866 : vector<16xf32>
        %scatter3A_868 = arith.constant 0 : i32
        %scatter3A_869 = arith.constant 0 : i32
        %scatter3A_870 = arith.constant 0 : i32
        %scatter3A_871 = tpu.memref_slice %arg7[%rem3A_173, %scatter3A_868, %scatter3A_869, %scatter3A_870] : memref<2x8x8x128xf32, #tpu.memory_space<vmem>> -> memref<1x8x8x128xf32, #tpu.memory_space<vmem>>
        %scatter3A_872 = tpu.memref_squeeze %scatter3A_871 : memref<1x8x8x128xf32, #tpu.memory_space<vmem>> -> memref<8x8x128xf32, #tpu.memory_space<vmem>>
        tpu.vector_store_idx %scatter3A_872[%shift_right_logical3A_773, %and3A_776, %add3A_250], %add3A_867 : memref<8x8x128xf32, #tpu.memory_space<vmem>>[vector<16xi32>, vector<16xi32>, vector<16xi32>], vector<16xf32>,
        %gather3A_873 = arith.constant 0 : i32
        %gather3A_874 = arith.constant 0 : i32
        %gather3A_875 = tpu.memref_slice %arg6[%mul3A_228, %gather3A_873, %gather3A_874] : memref<4x128x64xf32, #tpu.memory_space<vmem>> -> memref<1x128x64xf32, #tpu.memory_space<vmem>>
        %gather3A_876 = tpu.memref_squeeze %gather3A_875 : memref<1x128x64xf32, #tpu.memory_space<vmem>> -> memref<128x64xf32, #tpu.memory_space<vmem>>
        %gather3A_877 = tpu.vector_load_idx %gather3A_876[%add3A_253, %add3A_770] : memref<128x64xf32, #tpu.memory_space<vmem>>[vector<16xi32>, vector<16xi32>], vector<16xf32>,
        %gather3A_878 = arith.constant 0 : i32
        %gather3A_879 = arith.constant 0 : i32
        %gather3A_880 = tpu.memref_slice %arg6[%add3A_232, %gather3A_878, %gather3A_879] : memref<4x128x64xf32, #tpu.memory_space<vmem>> -> memref<1x128x64xf32, #tpu.memory_space<vmem>>
        %gather3A_881 = tpu.memref_squeeze %gather3A_880 : memref<1x128x64xf32, #tpu.memory_space<vmem>> -> memref<128x64xf32, #tpu.memory_space<vmem>>
        %gather3A_882 = tpu.vector_load_idx %gather3A_881[%add3A_253, %add3A_770] : memref<128x64xf32, #tpu.memory_space<vmem>>[vector<16xi32>, vector<16xi32>], vector<16xf32>,
        %add3A_883 = arith.addf %gather3A_877, %gather3A_882 : vector<16xf32>
        %scatter3A_884 = arith.constant 0 : i32
        %scatter3A_885 = arith.constant 0 : i32
        %scatter3A_886 = arith.constant 0 : i32
        %scatter3A_887 = tpu.memref_slice %arg7[%rem3A_173, %scatter3A_884, %scatter3A_885, %scatter3A_886] : memref<2x8x8x128xf32, #tpu.memory_space<vmem>> -> memref<1x8x8x128xf32, #tpu.memory_space<vmem>>
        %scatter3A_888 = tpu.memref_squeeze %scatter3A_887 : memref<1x8x8x128xf32, #tpu.memory_space<vmem>> -> memref<8x8x128xf32, #tpu.memory_space<vmem>>
        tpu.vector_store_idx %scatter3A_888[%shift_right_logical3A_773, %and3A_776, %add3A_253], %add3A_883 : memref<8x8x128xf32, #tpu.memory_space<vmem>>[vector<16xi32>, vector<16xi32>, vector<16xi32>], vector<16xf32>,
        %gather3A_889 = arith.constant 0 : i32
        %gather3A_890 = arith.constant 0 : i32
        %gather3A_891 = tpu.memref_slice %arg6[%mul3A_228, %gather3A_889, %gather3A_890] : memref<4x128x64xf32, #tpu.memory_space<vmem>> -> memref<1x128x64xf32, #tpu.memory_space<vmem>>
        %gather3A_892 = tpu.memref_squeeze %gather3A_891 : memref<1x128x64xf32, #tpu.memory_space<vmem>> -> memref<128x64xf32, #tpu.memory_space<vmem>>
        %gather3A_893 = tpu.vector_load_idx %gather3A_892[%add3A_256, %add3A_770] : memref<128x64xf32, #tpu.memory_space<vmem>>[vector<16xi32>, vector<16xi32>], vector<16xf32>,
        %gather3A_894 = arith.constant 0 : i32
        %gather3A_895 = arith.constant 0 : i32
        %gather3A_896 = tpu.memref_slice %arg6[%add3A_232, %gather3A_894, %gather3A_895] : memref<4x128x64xf32, #tpu.memory_space<vmem>> -> memref<1x128x64xf32, #tpu.memory_space<vmem>>
        %gather3A_897 = tpu.memref_squeeze %gather3A_896 : memref<1x128x64xf32, #tpu.memory_space<vmem>> -> memref<128x64xf32, #tpu.memory_space<vmem>>
        %gather3A_898 = tpu.vector_load_idx %gather3A_897[%add3A_256, %add3A_770] : memref<128x64xf32, #tpu.memory_space<vmem>>[vector<16xi32>, vector<16xi32>], vector<16xf32>,
        %add3A_899 = arith.addf %gather3A_893, %gather3A_898 : vector<16xf32>
        %scatter3A_900 = arith.constant 0 : i32
        %scatter3A_901 = arith.constant 0 : i32
        %scatter3A_902 = arith.constant 0 : i32
        %scatter3A_903 = tpu.memref_slice %arg7[%rem3A_173, %scatter3A_900, %scatter3A_901, %scatter3A_902] : memref<2x8x8x128xf32, #tpu.memory_space<vmem>> -> memref<1x8x8x128xf32, #tpu.memory_space<vmem>>
        %scatter3A_904 = tpu.memref_squeeze %scatter3A_903 : memref<1x8x8x128xf32, #tpu.memory_space<vmem>> -> memref<8x8x128xf32, #tpu.memory_space<vmem>>
        tpu.vector_store_idx %scatter3A_904[%shift_right_logical3A_773, %and3A_776, %add3A_256], %add3A_899 : memref<8x8x128xf32, #tpu.memory_space<vmem>>[vector<16xi32>, vector<16xi32>, vector<16xi32>], vector<16xf32>,
        %scan3A_905 = arith.constant 4 : i32
        %scan3A_906 = arith.addi %scan3A_329, %scan3A_905 : i32
        %add3A_907 = vector.broadcast %scan3A_906 : i32 to vector<16xi32>
        %add3A_908 = arith.addi %iota3A, %add3A_907 : vector<16xi32>
        %and3A_909 = arith.constant 15 : i32
        %and3A_910 = vector.broadcast %and3A_909 : i32 to vector<16xi32>
        %and3A_911 = arith.andi %add3A_908, %and3A_910 : vector<16xi32>
        %and3A_912 = arith.constant 48 : i32
        %and3A_913 = arith.andi %scan3A_906, %and3A_912 : i32
        %add3A_914 = vector.broadcast %and3A_913 : i32 to vector<16xi32>
        %add3A_915 = arith.addi %and3A_911, %add3A_914 : vector<16xi32>
        %shift_right_logical3A_916 = arith.constant 3 : i32
        %shift_right_logical3A_917 = vector.broadcast %shift_right_logical3A_916 : i32 to vector<16xi32>
        %shift_right_logical3A_918 = arith.shrui %add3A_915, %shift_right_logical3A_917 : vector<16xi32>
        %and3A_919 = arith.constant 7 : i32
        %and3A_920 = vector.broadcast %and3A_919 : i32 to vector<16xi32>
        %and3A_921 = arith.andi %add3A_915, %and3A_920 : vector<16xi32>
        %gather3A_922 = arith.constant 0 : i32
        %gather3A_923 = arith.constant 0 : i32
        %gather3A_924 = tpu.memref_slice %arg6[%mul3A_228, %gather3A_922, %gather3A_923] : memref<4x128x64xf32, #tpu.memory_space<vmem>> -> memref<1x128x64xf32, #tpu.memory_space<vmem>>
        %gather3A_925 = tpu.memref_squeeze %gather3A_924 : memref<1x128x64xf32, #tpu.memory_space<vmem>> -> memref<128x64xf32, #tpu.memory_space<vmem>>
        %gather3A_926 = tpu.vector_load_idx %gather3A_925[%add3A_235, %add3A_915] : memref<128x64xf32, #tpu.memory_space<vmem>>[vector<16xi32>, vector<16xi32>], vector<16xf32>,
        %gather3A_927 = arith.constant 0 : i32
        %gather3A_928 = arith.constant 0 : i32
        %gather3A_929 = tpu.memref_slice %arg6[%add3A_232, %gather3A_927, %gather3A_928] : memref<4x128x64xf32, #tpu.memory_space<vmem>> -> memref<1x128x64xf32, #tpu.memory_space<vmem>>
        %gather3A_930 = tpu.memref_squeeze %gather3A_929 : memref<1x128x64xf32, #tpu.memory_space<vmem>> -> memref<128x64xf32, #tpu.memory_space<vmem>>
        %gather3A_931 = tpu.vector_load_idx %gather3A_930[%add3A_235, %add3A_915] : memref<128x64xf32, #tpu.memory_space<vmem>>[vector<16xi32>, vector<16xi32>], vector<16xf32>,
        %add3A_932 = arith.addf %gather3A_926, %gather3A_931 : vector<16xf32>
        %scatter3A_933 = arith.constant 0 : i32
        %scatter3A_934 = arith.constant 0 : i32
        %scatter3A_935 = arith.constant 0 : i32
        %scatter3A_936 = tpu.memref_slice %arg7[%rem3A_173, %scatter3A_933, %scatter3A_934, %scatter3A_935] : memref<2x8x8x128xf32, #tpu.memory_space<vmem>> -> memref<1x8x8x128xf32, #tpu.memory_space<vmem>>
        %scatter3A_937 = tpu.memref_squeeze %scatter3A_936 : memref<1x8x8x128xf32, #tpu.memory_space<vmem>> -> memref<8x8x128xf32, #tpu.memory_space<vmem>>
        tpu.vector_store_idx %scatter3A_937[%shift_right_logical3A_918, %and3A_921, %add3A_235], %add3A_932 : memref<8x8x128xf32, #tpu.memory_space<vmem>>[vector<16xi32>, vector<16xi32>, vector<16xi32>], vector<16xf32>,
        %gather3A_938 = arith.constant 0 : i32
        %gather3A_939 = arith.constant 0 : i32
        %gather3A_940 = tpu.memref_slice %arg6[%mul3A_228, %gather3A_938, %gather3A_939] : memref<4x128x64xf32, #tpu.memory_space<vmem>> -> memref<1x128x64xf32, #tpu.memory_space<vmem>>
        %gather3A_941 = tpu.memref_squeeze %gather3A_940 : memref<1x128x64xf32, #tpu.memory_space<vmem>> -> memref<128x64xf32, #tpu.memory_space<vmem>>
        %gather3A_942 = tpu.vector_load_idx %gather3A_941[%add3A_238, %add3A_915] : memref<128x64xf32, #tpu.memory_space<vmem>>[vector<16xi32>, vector<16xi32>], vector<16xf32>,
        %gather3A_943 = arith.constant 0 : i32
        %gather3A_944 = arith.constant 0 : i32
        %gather3A_945 = tpu.memref_slice %arg6[%add3A_232, %gather3A_943, %gather3A_944] : memref<4x128x64xf32, #tpu.memory_space<vmem>> -> memref<1x128x64xf32, #tpu.memory_space<vmem>>
        %gather3A_946 = tpu.memref_squeeze %gather3A_945 : memref<1x128x64xf32, #tpu.memory_space<vmem>> -> memref<128x64xf32, #tpu.memory_space<vmem>>
        %gather3A_947 = tpu.vector_load_idx %gather3A_946[%add3A_238, %add3A_915] : memref<128x64xf32, #tpu.memory_space<vmem>>[vector<16xi32>, vector<16xi32>], vector<16xf32>,
        %add3A_948 = arith.addf %gather3A_942, %gather3A_947 : vector<16xf32>
        %scatter3A_949 = arith.constant 0 : i32
        %scatter3A_950 = arith.constant 0 : i32
        %scatter3A_951 = arith.constant 0 : i32
        %scatter3A_952 = tpu.memref_slice %arg7[%rem3A_173, %scatter3A_949, %scatter3A_950, %scatter3A_951] : memref<2x8x8x128xf32, #tpu.memory_space<vmem>> -> memref<1x8x8x128xf32, #tpu.memory_space<vmem>>
        %scatter3A_953 = tpu.memref_squeeze %scatter3A_952 : memref<1x8x8x128xf32, #tpu.memory_space<vmem>> -> memref<8x8x128xf32, #tpu.memory_space<vmem>>
        tpu.vector_store_idx %scatter3A_953[%shift_right_logical3A_918, %and3A_921, %add3A_238], %add3A_948 : memref<8x8x128xf32, #tpu.memory_space<vmem>>[vector<16xi32>, vector<16xi32>, vector<16xi32>], vector<16xf32>,
        %gather3A_954 = arith.constant 0 : i32
        %gather3A_955 = arith.constant 0 : i32
        %gather3A_956 = tpu.memref_slice %arg6[%mul3A_228, %gather3A_954, %gather3A_955] : memref<4x128x64xf32, #tpu.memory_space<vmem>> -> memref<1x128x64xf32, #tpu.memory_space<vmem>>
        %gather3A_957 = tpu.memref_squeeze %gather3A_956 : memref<1x128x64xf32, #tpu.memory_space<vmem>> -> memref<128x64xf32, #tpu.memory_space<vmem>>
        %gather3A_958 = tpu.vector_load_idx %gather3A_957[%add3A_241, %add3A_915] : memref<128x64xf32, #tpu.memory_space<vmem>>[vector<16xi32>, vector<16xi32>], vector<16xf32>,
        %gather3A_959 = arith.constant 0 : i32
        %gather3A_960 = arith.constant 0 : i32
        %gather3A_961 = tpu.memref_slice %arg6[%add3A_232, %gather3A_959, %gather3A_960] : memref<4x128x64xf32, #tpu.memory_space<vmem>> -> memref<1x128x64xf32, #tpu.memory_space<vmem>>
        %gather3A_962 = tpu.memref_squeeze %gather3A_961 : memref<1x128x64xf32, #tpu.memory_space<vmem>> -> memref<128x64xf32, #tpu.memory_space<vmem>>
        %gather3A_963 = tpu.vector_load_idx %gather3A_962[%add3A_241, %add3A_915] : memref<128x64xf32, #tpu.memory_space<vmem>>[vector<16xi32>, vector<16xi32>], vector<16xf32>,
        %add3A_964 = arith.addf %gather3A_958, %gather3A_963 : vector<16xf32>
        %scatter3A_965 = arith.constant 0 : i32
        %scatter3A_966 = arith.constant 0 : i32
        %scatter3A_967 = arith.constant 0 : i32
        %scatter3A_968 = tpu.memref_slice %arg7[%rem3A_173, %scatter3A_965, %scatter3A_966, %scatter3A_967] : memref<2x8x8x128xf32, #tpu.memory_space<vmem>> -> memref<1x8x8x128xf32, #tpu.memory_space<vmem>>
        %scatter3A_969 = tpu.memref_squeeze %scatter3A_968 : memref<1x8x8x128xf32, #tpu.memory_space<vmem>> -> memref<8x8x128xf32, #tpu.memory_space<vmem>>
        tpu.vector_store_idx %scatter3A_969[%shift_right_logical3A_918, %and3A_921, %add3A_241], %add3A_964 : memref<8x8x128xf32, #tpu.memory_space<vmem>>[vector<16xi32>, vector<16xi32>, vector<16xi32>], vector<16xf32>,
        %gather3A_970 = arith.constant 0 : i32
        %gather3A_971 = arith.constant 0 : i32
        %gather3A_972 = tpu.memref_slice %arg6[%mul3A_228, %gather3A_970, %gather3A_971] : memref<4x128x64xf32, #tpu.memory_space<vmem>> -> memref<1x128x64xf32, #tpu.memory_space<vmem>>
        %gather3A_973 = tpu.memref_squeeze %gather3A_972 : memref<1x128x64xf32, #tpu.memory_space<vmem>> -> memref<128x64xf32, #tpu.memory_space<vmem>>
        %gather3A_974 = tpu.vector_load_idx %gather3A_973[%add3A_244, %add3A_915] : memref<128x64xf32, #tpu.memory_space<vmem>>[vector<16xi32>, vector<16xi32>], vector<16xf32>,
        %gather3A_975 = arith.constant 0 : i32
        %gather3A_976 = arith.constant 0 : i32
        %gather3A_977 = tpu.memref_slice %arg6[%add3A_232, %gather3A_975, %gather3A_976] : memref<4x128x64xf32, #tpu.memory_space<vmem>> -> memref<1x128x64xf32, #tpu.memory_space<vmem>>
        %gather3A_978 = tpu.memref_squeeze %gather3A_977 : memref<1x128x64xf32, #tpu.memory_space<vmem>> -> memref<128x64xf32, #tpu.memory_space<vmem>>
        %gather3A_979 = tpu.vector_load_idx %gather3A_978[%add3A_244, %add3A_915] : memref<128x64xf32, #tpu.memory_space<vmem>>[vector<16xi32>, vector<16xi32>], vector<16xf32>,
        %add3A_980 = arith.addf %gather3A_974, %gather3A_979 : vector<16xf32>
        %scatter3A_981 = arith.constant 0 : i32
        %scatter3A_982 = arith.constant 0 : i32
        %scatter3A_983 = arith.constant 0 : i32
        %scatter3A_984 = tpu.memref_slice %arg7[%rem3A_173, %scatter3A_981, %scatter3A_982, %scatter3A_983] : memref<2x8x8x128xf32, #tpu.memory_space<vmem>> -> memref<1x8x8x128xf32, #tpu.memory_space<vmem>>
        %scatter3A_985 = tpu.memref_squeeze %scatter3A_984 : memref<1x8x8x128xf32, #tpu.memory_space<vmem>> -> memref<8x8x128xf32, #tpu.memory_space<vmem>>
        tpu.vector_store_idx %scatter3A_985[%shift_right_logical3A_918, %and3A_921, %add3A_244], %add3A_980 : memref<8x8x128xf32, #tpu.memory_space<vmem>>[vector<16xi32>, vector<16xi32>, vector<16xi32>], vector<16xf32>,
        %gather3A_986 = arith.constant 0 : i32
        %gather3A_987 = arith.constant 0 : i32
        %gather3A_988 = tpu.memref_slice %arg6[%mul3A_228, %gather3A_986, %gather3A_987] : memref<4x128x64xf32, #tpu.memory_space<vmem>> -> memref<1x128x64xf32, #tpu.memory_space<vmem>>
        %gather3A_989 = tpu.memref_squeeze %gather3A_988 : memref<1x128x64xf32, #tpu.memory_space<vmem>> -> memref<128x64xf32, #tpu.memory_space<vmem>>
        %gather3A_990 = tpu.vector_load_idx %gather3A_989[%add3A_247, %add3A_915] : memref<128x64xf32, #tpu.memory_space<vmem>>[vector<16xi32>, vector<16xi32>], vector<16xf32>,
        %gather3A_991 = arith.constant 0 : i32
        %gather3A_992 = arith.constant 0 : i32
        %gather3A_993 = tpu.memref_slice %arg6[%add3A_232, %gather3A_991, %gather3A_992] : memref<4x128x64xf32, #tpu.memory_space<vmem>> -> memref<1x128x64xf32, #tpu.memory_space<vmem>>
        %gather3A_994 = tpu.memref_squeeze %gather3A_993 : memref<1x128x64xf32, #tpu.memory_space<vmem>> -> memref<128x64xf32, #tpu.memory_space<vmem>>
        %gather3A_995 = tpu.vector_load_idx %gather3A_994[%add3A_247, %add3A_915] : memref<128x64xf32, #tpu.memory_space<vmem>>[vector<16xi32>, vector<16xi32>], vector<16xf32>,
        %add3A_996 = arith.addf %gather3A_990, %gather3A_995 : vector<16xf32>
        %scatter3A_997 = arith.constant 0 : i32
        %scatter3A_998 = arith.constant 0 : i32
        %scatter3A_999 = arith.constant 0 : i32
        %scatter3A_1000 = tpu.memref_slice %arg7[%rem3A_173, %scatter3A_997, %scatter3A_998, %scatter3A_999] : memref<2x8x8x128xf32, #tpu.memory_space<vmem>> -> memref<1x8x8x128xf32, #tpu.memory_space<vmem>>
        %scatter3A_1001 = tpu.memref_squeeze %scatter3A_1000 : memref<1x8x8x128xf32, #tpu.memory_space<vmem>> -> memref<8x8x128xf32, #tpu.memory_space<vmem>>
        tpu.vector_store_idx %scatter3A_1001[%shift_right_logical3A_918, %and3A_921, %add3A_247], %add3A_996 : memref<8x8x128xf32, #tpu.memory_space<vmem>>[vector<16xi32>, vector<16xi32>, vector<16xi32>], vector<16xf32>,
        %gather3A_1002 = arith.constant 0 : i32
        %gather3A_1003 = arith.constant 0 : i32
        %gather3A_1004 = tpu.memref_slice %arg6[%mul3A_228, %gather3A_1002, %gather3A_1003] : memref<4x128x64xf32, #tpu.memory_space<vmem>> -> memref<1x128x64xf32, #tpu.memory_space<vmem>>
        %gather3A_1005 = tpu.memref_squeeze %gather3A_1004 : memref<1x128x64xf32, #tpu.memory_space<vmem>> -> memref<128x64xf32, #tpu.memory_space<vmem>>
        %gather3A_1006 = tpu.vector_load_idx %gather3A_1005[%add3A_250, %add3A_915] : memref<128x64xf32, #tpu.memory_space<vmem>>[vector<16xi32>, vector<16xi32>], vector<16xf32>,
        %gather3A_1007 = arith.constant 0 : i32
        %gather3A_1008 = arith.constant 0 : i32
        %gather3A_1009 = tpu.memref_slice %arg6[%add3A_232, %gather3A_1007, %gather3A_1008] : memref<4x128x64xf32, #tpu.memory_space<vmem>> -> memref<1x128x64xf32, #tpu.memory_space<vmem>>
        %gather3A_1010 = tpu.memref_squeeze %gather3A_1009 : memref<1x128x64xf32, #tpu.memory_space<vmem>> -> memref<128x64xf32, #tpu.memory_space<vmem>>
        %gather3A_1011 = tpu.vector_load_idx %gather3A_1010[%add3A_250, %add3A_915] : memref<128x64xf32, #tpu.memory_space<vmem>>[vector<16xi32>, vector<16xi32>], vector<16xf32>,
        %add3A_1012 = arith.addf %gather3A_1006, %gather3A_1011 : vector<16xf32>
        %scatter3A_1013 = arith.constant 0 : i32
        %scatter3A_1014 = arith.constant 0 : i32
        %scatter3A_1015 = arith.constant 0 : i32
        %scatter3A_1016 = tpu.memref_slice %arg7[%rem3A_173, %scatter3A_1013, %scatter3A_1014, %scatter3A_1015] : memref<2x8x8x128xf32, #tpu.memory_space<vmem>> -> memref<1x8x8x128xf32, #tpu.memory_space<vmem>>
        %scatter3A_1017 = tpu.memref_squeeze %scatter3A_1016 : memref<1x8x8x128xf32, #tpu.memory_space<vmem>> -> memref<8x8x128xf32, #tpu.memory_space<vmem>>
        tpu.vector_store_idx %scatter3A_1017[%shift_right_logical3A_918, %and3A_921, %add3A_250], %add3A_1012 : memref<8x8x128xf32, #tpu.memory_space<vmem>>[vector<16xi32>, vector<16xi32>, vector<16xi32>], vector<16xf32>,
        %gather3A_1018 = arith.constant 0 : i32
        %gather3A_1019 = arith.constant 0 : i32
        %gather3A_1020 = tpu.memref_slice %arg6[%mul3A_228, %gather3A_1018, %gather3A_1019] : memref<4x128x64xf32, #tpu.memory_space<vmem>> -> memref<1x128x64xf32, #tpu.memory_space<vmem>>
        %gather3A_1021 = tpu.memref_squeeze %gather3A_1020 : memref<1x128x64xf32, #tpu.memory_space<vmem>> -> memref<128x64xf32, #tpu.memory_space<vmem>>
        %gather3A_1022 = tpu.vector_load_idx %gather3A_1021[%add3A_253, %add3A_915] : memref<128x64xf32, #tpu.memory_space<vmem>>[vector<16xi32>, vector<16xi32>], vector<16xf32>,
        %gather3A_1023 = arith.constant 0 : i32
        %gather3A_1024 = arith.constant 0 : i32
        %gather3A_1025 = tpu.memref_slice %arg6[%add3A_232, %gather3A_1023, %gather3A_1024] : memref<4x128x64xf32, #tpu.memory_space<vmem>> -> memref<1x128x64xf32, #tpu.memory_space<vmem>>
        %gather3A_1026 = tpu.memref_squeeze %gather3A_1025 : memref<1x128x64xf32, #tpu.memory_space<vmem>> -> memref<128x64xf32, #tpu.memory_space<vmem>>
        %gather3A_1027 = tpu.vector_load_idx %gather3A_1026[%add3A_253, %add3A_915] : memref<128x64xf32, #tpu.memory_space<vmem>>[vector<16xi32>, vector<16xi32>], vector<16xf32>,
        %add3A_1028 = arith.addf %gather3A_1022, %gather3A_1027 : vector<16xf32>
        %scatter3A_1029 = arith.constant 0 : i32
        %scatter3A_1030 = arith.constant 0 : i32
        %scatter3A_1031 = arith.constant 0 : i32
        %scatter3A_1032 = tpu.memref_slice %arg7[%rem3A_173, %scatter3A_1029, %scatter3A_1030, %scatter3A_1031] : memref<2x8x8x128xf32, #tpu.memory_space<vmem>> -> memref<1x8x8x128xf32, #tpu.memory_space<vmem>>
        %scatter3A_1033 = tpu.memref_squeeze %scatter3A_1032 : memref<1x8x8x128xf32, #tpu.memory_space<vmem>> -> memref<8x8x128xf32, #tpu.memory_space<vmem>>
        tpu.vector_store_idx %scatter3A_1033[%shift_right_logical3A_918, %and3A_921, %add3A_253], %add3A_1028 : memref<8x8x128xf32, #tpu.memory_space<vmem>>[vector<16xi32>, vector<16xi32>, vector<16xi32>], vector<16xf32>,
        %gather3A_1034 = arith.constant 0 : i32
        %gather3A_1035 = arith.constant 0 : i32
        %gather3A_1036 = tpu.memref_slice %arg6[%mul3A_228, %gather3A_1034, %gather3A_1035] : memref<4x128x64xf32, #tpu.memory_space<vmem>> -> memref<1x128x64xf32, #tpu.memory_space<vmem>>
        %gather3A_1037 = tpu.memref_squeeze %gather3A_1036 : memref<1x128x64xf32, #tpu.memory_space<vmem>> -> memref<128x64xf32, #tpu.memory_space<vmem>>
        %gather3A_1038 = tpu.vector_load_idx %gather3A_1037[%add3A_256, %add3A_915] : memref<128x64xf32, #tpu.memory_space<vmem>>[vector<16xi32>, vector<16xi32>], vector<16xf32>,
        %gather3A_1039 = arith.constant 0 : i32
        %gather3A_1040 = arith.constant 0 : i32
        %gather3A_1041 = tpu.memref_slice %arg6[%add3A_232, %gather3A_1039, %gather3A_1040] : memref<4x128x64xf32, #tpu.memory_space<vmem>> -> memref<1x128x64xf32, #tpu.memory_space<vmem>>
        %gather3A_1042 = tpu.memref_squeeze %gather3A_1041 : memref<1x128x64xf32, #tpu.memory_space<vmem>> -> memref<128x64xf32, #tpu.memory_space<vmem>>
        %gather3A_1043 = tpu.vector_load_idx %gather3A_1042[%add3A_256, %add3A_915] : memref<128x64xf32, #tpu.memory_space<vmem>>[vector<16xi32>, vector<16xi32>], vector<16xf32>,
        %add3A_1044 = arith.addf %gather3A_1038, %gather3A_1043 : vector<16xf32>
        %scatter3A_1045 = arith.constant 0 : i32
        %scatter3A_1046 = arith.constant 0 : i32
        %scatter3A_1047 = arith.constant 0 : i32
        %scatter3A_1048 = tpu.memref_slice %arg7[%rem3A_173, %scatter3A_1045, %scatter3A_1046, %scatter3A_1047] : memref<2x8x8x128xf32, #tpu.memory_space<vmem>> -> memref<1x8x8x128xf32, #tpu.memory_space<vmem>>
        %scatter3A_1049 = tpu.memref_squeeze %scatter3A_1048 : memref<1x8x8x128xf32, #tpu.memory_space<vmem>> -> memref<8x8x128xf32, #tpu.memory_space<vmem>>
        tpu.vector_store_idx %scatter3A_1049[%shift_right_logical3A_918, %and3A_921, %add3A_256], %add3A_1044 : memref<8x8x128xf32, #tpu.memory_space<vmem>>[vector<16xi32>, vector<16xi32>, vector<16xi32>], vector<16xf32>,
        %scan3A_1050 = arith.constant 5 : i32
        %scan3A_1051 = arith.addi %scan3A_329, %scan3A_1050 : i32
        %add3A_1052 = vector.broadcast %scan3A_1051 : i32 to vector<16xi32>
        %add3A_1053 = arith.addi %iota3A, %add3A_1052 : vector<16xi32>
        %and3A_1054 = arith.constant 15 : i32
        %and3A_1055 = vector.broadcast %and3A_1054 : i32 to vector<16xi32>
        %and3A_1056 = arith.andi %add3A_1053, %and3A_1055 : vector<16xi32>
        %and3A_1057 = arith.constant 48 : i32
        %and3A_1058 = arith.andi %scan3A_1051, %and3A_1057 : i32
        %add3A_1059 = vector.broadcast %and3A_1058 : i32 to vector<16xi32>
        %add3A_1060 = arith.addi %and3A_1056, %add3A_1059 : vector<16xi32>
        %shift_right_logical3A_1061 = arith.constant 3 : i32
        %shift_right_logical3A_1062 = vector.broadcast %shift_right_logical3A_1061 : i32 to vector<16xi32>
        %shift_right_logical3A_1063 = arith.shrui %add3A_1060, %shift_right_logical3A_1062 : vector<16xi32>
        %and3A_1064 = arith.constant 7 : i32
        %and3A_1065 = vector.broadcast %and3A_1064 : i32 to vector<16xi32>
        %and3A_1066 = arith.andi %add3A_1060, %and3A_1065 : vector<16xi32>
        %gather3A_1067 = arith.constant 0 : i32
        %gather3A_1068 = arith.constant 0 : i32
        %gather3A_1069 = tpu.memref_slice %arg6[%mul3A_228, %gather3A_1067, %gather3A_1068] : memref<4x128x64xf32, #tpu.memory_space<vmem>> -> memref<1x128x64xf32, #tpu.memory_space<vmem>>
        %gather3A_1070 = tpu.memref_squeeze %gather3A_1069 : memref<1x128x64xf32, #tpu.memory_space<vmem>> -> memref<128x64xf32, #tpu.memory_space<vmem>>
        %gather3A_1071 = tpu.vector_load_idx %gather3A_1070[%add3A_235, %add3A_1060] : memref<128x64xf32, #tpu.memory_space<vmem>>[vector<16xi32>, vector<16xi32>], vector<16xf32>,
        %gather3A_1072 = arith.constant 0 : i32
        %gather3A_1073 = arith.constant 0 : i32
        %gather3A_1074 = tpu.memref_slice %arg6[%add3A_232, %gather3A_1072, %gather3A_1073] : memref<4x128x64xf32, #tpu.memory_space<vmem>> -> memref<1x128x64xf32, #tpu.memory_space<vmem>>
        %gather3A_1075 = tpu.memref_squeeze %gather3A_1074 : memref<1x128x64xf32, #tpu.memory_space<vmem>> -> memref<128x64xf32, #tpu.memory_space<vmem>>
        %gather3A_1076 = tpu.vector_load_idx %gather3A_1075[%add3A_235, %add3A_1060] : memref<128x64xf32, #tpu.memory_space<vmem>>[vector<16xi32>, vector<16xi32>], vector<16xf32>,
        %add3A_1077 = arith.addf %gather3A_1071, %gather3A_1076 : vector<16xf32>
        %scatter3A_1078 = arith.constant 0 : i32
        %scatter3A_1079 = arith.constant 0 : i32
        %scatter3A_1080 = arith.constant 0 : i32
        %scatter3A_1081 = tpu.memref_slice %arg7[%rem3A_173, %scatter3A_1078, %scatter3A_1079, %scatter3A_1080] : memref<2x8x8x128xf32, #tpu.memory_space<vmem>> -> memref<1x8x8x128xf32, #tpu.memory_space<vmem>>
        %scatter3A_1082 = tpu.memref_squeeze %scatter3A_1081 : memref<1x8x8x128xf32, #tpu.memory_space<vmem>> -> memref<8x8x128xf32, #tpu.memory_space<vmem>>
        tpu.vector_store_idx %scatter3A_1082[%shift_right_logical3A_1063, %and3A_1066, %add3A_235], %add3A_1077 : memref<8x8x128xf32, #tpu.memory_space<vmem>>[vector<16xi32>, vector<16xi32>, vector<16xi32>], vector<16xf32>,
        %gather3A_1083 = arith.constant 0 : i32
        %gather3A_1084 = arith.constant 0 : i32
        %gather3A_1085 = tpu.memref_slice %arg6[%mul3A_228, %gather3A_1083, %gather3A_1084] : memref<4x128x64xf32, #tpu.memory_space<vmem>> -> memref<1x128x64xf32, #tpu.memory_space<vmem>>
        %gather3A_1086 = tpu.memref_squeeze %gather3A_1085 : memref<1x128x64xf32, #tpu.memory_space<vmem>> -> memref<128x64xf32, #tpu.memory_space<vmem>>
        %gather3A_1087 = tpu.vector_load_idx %gather3A_1086[%add3A_238, %add3A_1060] : memref<128x64xf32, #tpu.memory_space<vmem>>[vector<16xi32>, vector<16xi32>], vector<16xf32>,
        %gather3A_1088 = arith.constant 0 : i32
        %gather3A_1089 = arith.constant 0 : i32
        %gather3A_1090 = tpu.memref_slice %arg6[%add3A_232, %gather3A_1088, %gather3A_1089] : memref<4x128x64xf32, #tpu.memory_space<vmem>> -> memref<1x128x64xf32, #tpu.memory_space<vmem>>
        %gather3A_1091 = tpu.memref_squeeze %gather3A_1090 : memref<1x128x64xf32, #tpu.memory_space<vmem>> -> memref<128x64xf32, #tpu.memory_space<vmem>>
        %gather3A_1092 = tpu.vector_load_idx %gather3A_1091[%add3A_238, %add3A_1060] : memref<128x64xf32, #tpu.memory_space<vmem>>[vector<16xi32>, vector<16xi32>], vector<16xf32>,
        %add3A_1093 = arith.addf %gather3A_1087, %gather3A_1092 : vector<16xf32>
        %scatter3A_1094 = arith.constant 0 : i32
        %scatter3A_1095 = arith.constant 0 : i32
        %scatter3A_1096 = arith.constant 0 : i32
        %scatter3A_1097 = tpu.memref_slice %arg7[%rem3A_173, %scatter3A_1094, %scatter3A_1095, %scatter3A_1096] : memref<2x8x8x128xf32, #tpu.memory_space<vmem>> -> memref<1x8x8x128xf32, #tpu.memory_space<vmem>>
        %scatter3A_1098 = tpu.memref_squeeze %scatter3A_1097 : memref<1x8x8x128xf32, #tpu.memory_space<vmem>> -> memref<8x8x128xf32, #tpu.memory_space<vmem>>
        tpu.vector_store_idx %scatter3A_1098[%shift_right_logical3A_1063, %and3A_1066, %add3A_238], %add3A_1093 : memref<8x8x128xf32, #tpu.memory_space<vmem>>[vector<16xi32>, vector<16xi32>, vector<16xi32>], vector<16xf32>,
        %gather3A_1099 = arith.constant 0 : i32
        %gather3A_1100 = arith.constant 0 : i32
        %gather3A_1101 = tpu.memref_slice %arg6[%mul3A_228, %gather3A_1099, %gather3A_1100] : memref<4x128x64xf32, #tpu.memory_space<vmem>> -> memref<1x128x64xf32, #tpu.memory_space<vmem>>
        %gather3A_1102 = tpu.memref_squeeze %gather3A_1101 : memref<1x128x64xf32, #tpu.memory_space<vmem>> -> memref<128x64xf32, #tpu.memory_space<vmem>>
        %gather3A_1103 = tpu.vector_load_idx %gather3A_1102[%add3A_241, %add3A_1060] : memref<128x64xf32, #tpu.memory_space<vmem>>[vector<16xi32>, vector<16xi32>], vector<16xf32>,
        %gather3A_1104 = arith.constant 0 : i32
        %gather3A_1105 = arith.constant 0 : i32
        %gather3A_1106 = tpu.memref_slice %arg6[%add3A_232, %gather3A_1104, %gather3A_1105] : memref<4x128x64xf32, #tpu.memory_space<vmem>> -> memref<1x128x64xf32, #tpu.memory_space<vmem>>
        %gather3A_1107 = tpu.memref_squeeze %gather3A_1106 : memref<1x128x64xf32, #tpu.memory_space<vmem>> -> memref<128x64xf32, #tpu.memory_space<vmem>>
        %gather3A_1108 = tpu.vector_load_idx %gather3A_1107[%add3A_241, %add3A_1060] : memref<128x64xf32, #tpu.memory_space<vmem>>[vector<16xi32>, vector<16xi32>], vector<16xf32>,
        %add3A_1109 = arith.addf %gather3A_1103, %gather3A_1108 : vector<16xf32>
        %scatter3A_1110 = arith.constant 0 : i32
        %scatter3A_1111 = arith.constant 0 : i32
        %scatter3A_1112 = arith.constant 0 : i32
        %scatter3A_1113 = tpu.memref_slice %arg7[%rem3A_173, %scatter3A_1110, %scatter3A_1111, %scatter3A_1112] : memref<2x8x8x128xf32, #tpu.memory_space<vmem>> -> memref<1x8x8x128xf32, #tpu.memory_space<vmem>>
        %scatter3A_1114 = tpu.memref_squeeze %scatter3A_1113 : memref<1x8x8x128xf32, #tpu.memory_space<vmem>> -> memref<8x8x128xf32, #tpu.memory_space<vmem>>
        tpu.vector_store_idx %scatter3A_1114[%shift_right_logical3A_1063, %and3A_1066, %add3A_241], %add3A_1109 : memref<8x8x128xf32, #tpu.memory_space<vmem>>[vector<16xi32>, vector<16xi32>, vector<16xi32>], vector<16xf32>,
        %gather3A_1115 = arith.constant 0 : i32
        %gather3A_1116 = arith.constant 0 : i32
        %gather3A_1117 = tpu.memref_slice %arg6[%mul3A_228, %gather3A_1115, %gather3A_1116] : memref<4x128x64xf32, #tpu.memory_space<vmem>> -> memref<1x128x64xf32, #tpu.memory_space<vmem>>
        %gather3A_1118 = tpu.memref_squeeze %gather3A_1117 : memref<1x128x64xf32, #tpu.memory_space<vmem>> -> memref<128x64xf32, #tpu.memory_space<vmem>>
        %gather3A_1119 = tpu.vector_load_idx %gather3A_1118[%add3A_244, %add3A_1060] : memref<128x64xf32, #tpu.memory_space<vmem>>[vector<16xi32>, vector<16xi32>], vector<16xf32>,
        %gather3A_1120 = arith.constant 0 : i32
        %gather3A_1121 = arith.constant 0 : i32
        %gather3A_1122 = tpu.memref_slice %arg6[%add3A_232, %gather3A_1120, %gather3A_1121] : memref<4x128x64xf32, #tpu.memory_space<vmem>> -> memref<1x128x64xf32, #tpu.memory_space<vmem>>
        %gather3A_1123 = tpu.memref_squeeze %gather3A_1122 : memref<1x128x64xf32, #tpu.memory_space<vmem>> -> memref<128x64xf32, #tpu.memory_space<vmem>>
        %gather3A_1124 = tpu.vector_load_idx %gather3A_1123[%add3A_244, %add3A_1060] : memref<128x64xf32, #tpu.memory_space<vmem>>[vector<16xi32>, vector<16xi32>], vector<16xf32>,
        %add3A_1125 = arith.addf %gather3A_1119, %gather3A_1124 : vector<16xf32>
        %scatter3A_1126 = arith.constant 0 : i32
        %scatter3A_1127 = arith.constant 0 : i32
        %scatter3A_1128 = arith.constant 0 : i32
        %scatter3A_1129 = tpu.memref_slice %arg7[%rem3A_173, %scatter3A_1126, %scatter3A_1127, %scatter3A_1128] : memref<2x8x8x128xf32, #tpu.memory_space<vmem>> -> memref<1x8x8x128xf32, #tpu.memory_space<vmem>>
        %scatter3A_1130 = tpu.memref_squeeze %scatter3A_1129 : memref<1x8x8x128xf32, #tpu.memory_space<vmem>> -> memref<8x8x128xf32, #tpu.memory_space<vmem>>
        tpu.vector_store_idx %scatter3A_1130[%shift_right_logical3A_1063, %and3A_1066, %add3A_244], %add3A_1125 : memref<8x8x128xf32, #tpu.memory_space<vmem>>[vector<16xi32>, vector<16xi32>, vector<16xi32>], vector<16xf32>,
        %gather3A_1131 = arith.constant 0 : i32
        %gather3A_1132 = arith.constant 0 : i32
        %gather3A_1133 = tpu.memref_slice %arg6[%mul3A_228, %gather3A_1131, %gather3A_1132] : memref<4x128x64xf32, #tpu.memory_space<vmem>> -> memref<1x128x64xf32, #tpu.memory_space<vmem>>
        %gather3A_1134 = tpu.memref_squeeze %gather3A_1133 : memref<1x128x64xf32, #tpu.memory_space<vmem>> -> memref<128x64xf32, #tpu.memory_space<vmem>>
        %gather3A_1135 = tpu.vector_load_idx %gather3A_1134[%add3A_247, %add3A_1060] : memref<128x64xf32, #tpu.memory_space<vmem>>[vector<16xi32>, vector<16xi32>], vector<16xf32>,
        %gather3A_1136 = arith.constant 0 : i32
        %gather3A_1137 = arith.constant 0 : i32
        %gather3A_1138 = tpu.memref_slice %arg6[%add3A_232, %gather3A_1136, %gather3A_1137] : memref<4x128x64xf32, #tpu.memory_space<vmem>> -> memref<1x128x64xf32, #tpu.memory_space<vmem>>
        %gather3A_1139 = tpu.memref_squeeze %gather3A_1138 : memref<1x128x64xf32, #tpu.memory_space<vmem>> -> memref<128x64xf32, #tpu.memory_space<vmem>>
        %gather3A_1140 = tpu.vector_load_idx %gather3A_1139[%add3A_247, %add3A_1060] : memref<128x64xf32, #tpu.memory_space<vmem>>[vector<16xi32>, vector<16xi32>], vector<16xf32>,
        %add3A_1141 = arith.addf %gather3A_1135, %gather3A_1140 : vector<16xf32>
        %scatter3A_1142 = arith.constant 0 : i32
        %scatter3A_1143 = arith.constant 0 : i32
        %scatter3A_1144 = arith.constant 0 : i32
        %scatter3A_1145 = tpu.memref_slice %arg7[%rem3A_173, %scatter3A_1142, %scatter3A_1143, %scatter3A_1144] : memref<2x8x8x128xf32, #tpu.memory_space<vmem>> -> memref<1x8x8x128xf32, #tpu.memory_space<vmem>>
        %scatter3A_1146 = tpu.memref_squeeze %scatter3A_1145 : memref<1x8x8x128xf32, #tpu.memory_space<vmem>> -> memref<8x8x128xf32, #tpu.memory_space<vmem>>
        tpu.vector_store_idx %scatter3A_1146[%shift_right_logical3A_1063, %and3A_1066, %add3A_247], %add3A_1141 : memref<8x8x128xf32, #tpu.memory_space<vmem>>[vector<16xi32>, vector<16xi32>, vector<16xi32>], vector<16xf32>,
        %gather3A_1147 = arith.constant 0 : i32
        %gather3A_1148 = arith.constant 0 : i32
        %gather3A_1149 = tpu.memref_slice %arg6[%mul3A_228, %gather3A_1147, %gather3A_1148] : memref<4x128x64xf32, #tpu.memory_space<vmem>> -> memref<1x128x64xf32, #tpu.memory_space<vmem>>
        %gather3A_1150 = tpu.memref_squeeze %gather3A_1149 : memref<1x128x64xf32, #tpu.memory_space<vmem>> -> memref<128x64xf32, #tpu.memory_space<vmem>>
        %gather3A_1151 = tpu.vector_load_idx %gather3A_1150[%add3A_250, %add3A_1060] : memref<128x64xf32, #tpu.memory_space<vmem>>[vector<16xi32>, vector<16xi32>], vector<16xf32>,
        %gather3A_1152 = arith.constant 0 : i32
        %gather3A_1153 = arith.constant 0 : i32
        %gather3A_1154 = tpu.memref_slice %arg6[%add3A_232, %gather3A_1152, %gather3A_1153] : memref<4x128x64xf32, #tpu.memory_space<vmem>> -> memref<1x128x64xf32, #tpu.memory_space<vmem>>
        %gather3A_1155 = tpu.memref_squeeze %gather3A_1154 : memref<1x128x64xf32, #tpu.memory_space<vmem>> -> memref<128x64xf32, #tpu.memory_space<vmem>>
        %gather3A_1156 = tpu.vector_load_idx %gather3A_1155[%add3A_250, %add3A_1060] : memref<128x64xf32, #tpu.memory_space<vmem>>[vector<16xi32>, vector<16xi32>], vector<16xf32>,
        %add3A_1157 = arith.addf %gather3A_1151, %gather3A_1156 : vector<16xf32>
        %scatter3A_1158 = arith.constant 0 : i32
        %scatter3A_1159 = arith.constant 0 : i32
        %scatter3A_1160 = arith.constant 0 : i32
        %scatter3A_1161 = tpu.memref_slice %arg7[%rem3A_173, %scatter3A_1158, %scatter3A_1159, %scatter3A_1160] : memref<2x8x8x128xf32, #tpu.memory_space<vmem>> -> memref<1x8x8x128xf32, #tpu.memory_space<vmem>>
        %scatter3A_1162 = tpu.memref_squeeze %scatter3A_1161 : memref<1x8x8x128xf32, #tpu.memory_space<vmem>> -> memref<8x8x128xf32, #tpu.memory_space<vmem>>
        tpu.vector_store_idx %scatter3A_1162[%shift_right_logical3A_1063, %and3A_1066, %add3A_250], %add3A_1157 : memref<8x8x128xf32, #tpu.memory_space<vmem>>[vector<16xi32>, vector<16xi32>, vector<16xi32>], vector<16xf32>,
        %gather3A_1163 = arith.constant 0 : i32
        %gather3A_1164 = arith.constant 0 : i32
        %gather3A_1165 = tpu.memref_slice %arg6[%mul3A_228, %gather3A_1163, %gather3A_1164] : memref<4x128x64xf32, #tpu.memory_space<vmem>> -> memref<1x128x64xf32, #tpu.memory_space<vmem>>
        %gather3A_1166 = tpu.memref_squeeze %gather3A_1165 : memref<1x128x64xf32, #tpu.memory_space<vmem>> -> memref<128x64xf32, #tpu.memory_space<vmem>>
        %gather3A_1167 = tpu.vector_load_idx %gather3A_1166[%add3A_253, %add3A_1060] : memref<128x64xf32, #tpu.memory_space<vmem>>[vector<16xi32>, vector<16xi32>], vector<16xf32>,
        %gather3A_1168 = arith.constant 0 : i32
        %gather3A_1169 = arith.constant 0 : i32
        %gather3A_1170 = tpu.memref_slice %arg6[%add3A_232, %gather3A_1168, %gather3A_1169] : memref<4x128x64xf32, #tpu.memory_space<vmem>> -> memref<1x128x64xf32, #tpu.memory_space<vmem>>
        %gather3A_1171 = tpu.memref_squeeze %gather3A_1170 : memref<1x128x64xf32, #tpu.memory_space<vmem>> -> memref<128x64xf32, #tpu.memory_space<vmem>>
        %gather3A_1172 = tpu.vector_load_idx %gather3A_1171[%add3A_253, %add3A_1060] : memref<128x64xf32, #tpu.memory_space<vmem>>[vector<16xi32>, vector<16xi32>], vector<16xf32>,
        %add3A_1173 = arith.addf %gather3A_1167, %gather3A_1172 : vector<16xf32>
        %scatter3A_1174 = arith.constant 0 : i32
        %scatter3A_1175 = arith.constant 0 : i32
        %scatter3A_1176 = arith.constant 0 : i32
        %scatter3A_1177 = tpu.memref_slice %arg7[%rem3A_173, %scatter3A_1174, %scatter3A_1175, %scatter3A_1176] : memref<2x8x8x128xf32, #tpu.memory_space<vmem>> -> memref<1x8x8x128xf32, #tpu.memory_space<vmem>>
        %scatter3A_1178 = tpu.memref_squeeze %scatter3A_1177 : memref<1x8x8x128xf32, #tpu.memory_space<vmem>> -> memref<8x8x128xf32, #tpu.memory_space<vmem>>
        tpu.vector_store_idx %scatter3A_1178[%shift_right_logical3A_1063, %and3A_1066, %add3A_253], %add3A_1173 : memref<8x8x128xf32, #tpu.memory_space<vmem>>[vector<16xi32>, vector<16xi32>, vector<16xi32>], vector<16xf32>,
        %gather3A_1179 = arith.constant 0 : i32
        %gather3A_1180 = arith.constant 0 : i32
        %gather3A_1181 = tpu.memref_slice %arg6[%mul3A_228, %gather3A_1179, %gather3A_1180] : memref<4x128x64xf32, #tpu.memory_space<vmem>> -> memref<1x128x64xf32, #tpu.memory_space<vmem>>
        %gather3A_1182 = tpu.memref_squeeze %gather3A_1181 : memref<1x128x64xf32, #tpu.memory_space<vmem>> -> memref<128x64xf32, #tpu.memory_space<vmem>>
        %gather3A_1183 = tpu.vector_load_idx %gather3A_1182[%add3A_256, %add3A_1060] : memref<128x64xf32, #tpu.memory_space<vmem>>[vector<16xi32>, vector<16xi32>], vector<16xf32>,
        %gather3A_1184 = arith.constant 0 : i32
        %gather3A_1185 = arith.constant 0 : i32
        %gather3A_1186 = tpu.memref_slice %arg6[%add3A_232, %gather3A_1184, %gather3A_1185] : memref<4x128x64xf32, #tpu.memory_space<vmem>> -> memref<1x128x64xf32, #tpu.memory_space<vmem>>
        %gather3A_1187 = tpu.memref_squeeze %gather3A_1186 : memref<1x128x64xf32, #tpu.memory_space<vmem>> -> memref<128x64xf32, #tpu.memory_space<vmem>>
        %gather3A_1188 = tpu.vector_load_idx %gather3A_1187[%add3A_256, %add3A_1060] : memref<128x64xf32, #tpu.memory_space<vmem>>[vector<16xi32>, vector<16xi32>], vector<16xf32>,
        %add3A_1189 = arith.addf %gather3A_1183, %gather3A_1188 : vector<16xf32>
        %scatter3A_1190 = arith.constant 0 : i32
        %scatter3A_1191 = arith.constant 0 : i32
        %scatter3A_1192 = arith.constant 0 : i32
        %scatter3A_1193 = tpu.memref_slice %arg7[%rem3A_173, %scatter3A_1190, %scatter3A_1191, %scatter3A_1192] : memref<2x8x8x128xf32, #tpu.memory_space<vmem>> -> memref<1x8x8x128xf32, #tpu.memory_space<vmem>>
        %scatter3A_1194 = tpu.memref_squeeze %scatter3A_1193 : memref<1x8x8x128xf32, #tpu.memory_space<vmem>> -> memref<8x8x128xf32, #tpu.memory_space<vmem>>
        tpu.vector_store_idx %scatter3A_1194[%shift_right_logical3A_1063, %and3A_1066, %add3A_256], %add3A_1189 : memref<8x8x128xf32, #tpu.memory_space<vmem>>[vector<16xi32>, vector<16xi32>, vector<16xi32>], vector<16xf32>,
        %scan3A_1195 = arith.constant 6 : i32
        %scan3A_1196 = arith.addi %scan3A_329, %scan3A_1195 : i32
        %add3A_1197 = vector.broadcast %scan3A_1196 : i32 to vector<16xi32>
        %add3A_1198 = arith.addi %iota3A, %add3A_1197 : vector<16xi32>
        %and3A_1199 = arith.constant 15 : i32
        %and3A_1200 = vector.broadcast %and3A_1199 : i32 to vector<16xi32>
        %and3A_1201 = arith.andi %add3A_1198, %and3A_1200 : vector<16xi32>
        %and3A_1202 = arith.constant 48 : i32
        %and3A_1203 = arith.andi %scan3A_1196, %and3A_1202 : i32
        %add3A_1204 = vector.broadcast %and3A_1203 : i32 to vector<16xi32>
        %add3A_1205 = arith.addi %and3A_1201, %add3A_1204 : vector<16xi32>
        %shift_right_logical3A_1206 = arith.constant 3 : i32
        %shift_right_logical3A_1207 = vector.broadcast %shift_right_logical3A_1206 : i32 to vector<16xi32>
        %shift_right_logical3A_1208 = arith.shrui %add3A_1205, %shift_right_logical3A_1207 : vector<16xi32>
        %and3A_1209 = arith.constant 7 : i32
        %and3A_1210 = vector.broadcast %and3A_1209 : i32 to vector<16xi32>
        %and3A_1211 = arith.andi %add3A_1205, %and3A_1210 : vector<16xi32>
        %gather3A_1212 = arith.constant 0 : i32
        %gather3A_1213 = arith.constant 0 : i32
        %gather3A_1214 = tpu.memref_slice %arg6[%mul3A_228, %gather3A_1212, %gather3A_1213] : memref<4x128x64xf32, #tpu.memory_space<vmem>> -> memref<1x128x64xf32, #tpu.memory_space<vmem>>
        %gather3A_1215 = tpu.memref_squeeze %gather3A_1214 : memref<1x128x64xf32, #tpu.memory_space<vmem>> -> memref<128x64xf32, #tpu.memory_space<vmem>>
        %gather3A_1216 = tpu.vector_load_idx %gather3A_1215[%add3A_235, %add3A_1205] : memref<128x64xf32, #tpu.memory_space<vmem>>[vector<16xi32>, vector<16xi32>], vector<16xf32>,
        %gather3A_1217 = arith.constant 0 : i32
        %gather3A_1218 = arith.constant 0 : i32
        %gather3A_1219 = tpu.memref_slice %arg6[%add3A_232, %gather3A_1217, %gather3A_1218] : memref<4x128x64xf32, #tpu.memory_space<vmem>> -> memref<1x128x64xf32, #tpu.memory_space<vmem>>
        %gather3A_1220 = tpu.memref_squeeze %gather3A_1219 : memref<1x128x64xf32, #tpu.memory_space<vmem>> -> memref<128x64xf32, #tpu.memory_space<vmem>>
        %gather3A_1221 = tpu.vector_load_idx %gather3A_1220[%add3A_235, %add3A_1205] : memref<128x64xf32, #tpu.memory_space<vmem>>[vector<16xi32>, vector<16xi32>], vector<16xf32>,
        %add3A_1222 = arith.addf %gather3A_1216, %gather3A_1221 : vector<16xf32>
        %scatter3A_1223 = arith.constant 0 : i32
        %scatter3A_1224 = arith.constant 0 : i32
        %scatter3A_1225 = arith.constant 0 : i32
        %scatter3A_1226 = tpu.memref_slice %arg7[%rem3A_173, %scatter3A_1223, %scatter3A_1224, %scatter3A_1225] : memref<2x8x8x128xf32, #tpu.memory_space<vmem>> -> memref<1x8x8x128xf32, #tpu.memory_space<vmem>>
        %scatter3A_1227 = tpu.memref_squeeze %scatter3A_1226 : memref<1x8x8x128xf32, #tpu.memory_space<vmem>> -> memref<8x8x128xf32, #tpu.memory_space<vmem>>
        tpu.vector_store_idx %scatter3A_1227[%shift_right_logical3A_1208, %and3A_1211, %add3A_235], %add3A_1222 : memref<8x8x128xf32, #tpu.memory_space<vmem>>[vector<16xi32>, vector<16xi32>, vector<16xi32>], vector<16xf32>,
        %gather3A_1228 = arith.constant 0 : i32
        %gather3A_1229 = arith.constant 0 : i32
        %gather3A_1230 = tpu.memref_slice %arg6[%mul3A_228, %gather3A_1228, %gather3A_1229] : memref<4x128x64xf32, #tpu.memory_space<vmem>> -> memref<1x128x64xf32, #tpu.memory_space<vmem>>
        %gather3A_1231 = tpu.memref_squeeze %gather3A_1230 : memref<1x128x64xf32, #tpu.memory_space<vmem>> -> memref<128x64xf32, #tpu.memory_space<vmem>>
        %gather3A_1232 = tpu.vector_load_idx %gather3A_1231[%add3A_238, %add3A_1205] : memref<128x64xf32, #tpu.memory_space<vmem>>[vector<16xi32>, vector<16xi32>], vector<16xf32>,
        %gather3A_1233 = arith.constant 0 : i32
        %gather3A_1234 = arith.constant 0 : i32
        %gather3A_1235 = tpu.memref_slice %arg6[%add3A_232, %gather3A_1233, %gather3A_1234] : memref<4x128x64xf32, #tpu.memory_space<vmem>> -> memref<1x128x64xf32, #tpu.memory_space<vmem>>
        %gather3A_1236 = tpu.memref_squeeze %gather3A_1235 : memref<1x128x64xf32, #tpu.memory_space<vmem>> -> memref<128x64xf32, #tpu.memory_space<vmem>>
        %gather3A_1237 = tpu.vector_load_idx %gather3A_1236[%add3A_238, %add3A_1205] : memref<128x64xf32, #tpu.memory_space<vmem>>[vector<16xi32>, vector<16xi32>], vector<16xf32>,
        %add3A_1238 = arith.addf %gather3A_1232, %gather3A_1237 : vector<16xf32>
        %scatter3A_1239 = arith.constant 0 : i32
        %scatter3A_1240 = arith.constant 0 : i32
        %scatter3A_1241 = arith.constant 0 : i32
        %scatter3A_1242 = tpu.memref_slice %arg7[%rem3A_173, %scatter3A_1239, %scatter3A_1240, %scatter3A_1241] : memref<2x8x8x128xf32, #tpu.memory_space<vmem>> -> memref<1x8x8x128xf32, #tpu.memory_space<vmem>>
        %scatter3A_1243 = tpu.memref_squeeze %scatter3A_1242 : memref<1x8x8x128xf32, #tpu.memory_space<vmem>> -> memref<8x8x128xf32, #tpu.memory_space<vmem>>
        tpu.vector_store_idx %scatter3A_1243[%shift_right_logical3A_1208, %and3A_1211, %add3A_238], %add3A_1238 : memref<8x8x128xf32, #tpu.memory_space<vmem>>[vector<16xi32>, vector<16xi32>, vector<16xi32>], vector<16xf32>,
        %gather3A_1244 = arith.constant 0 : i32
        %gather3A_1245 = arith.constant 0 : i32
        %gather3A_1246 = tpu.memref_slice %arg6[%mul3A_228, %gather3A_1244, %gather3A_1245] : memref<4x128x64xf32, #tpu.memory_space<vmem>> -> memref<1x128x64xf32, #tpu.memory_space<vmem>>
        %gather3A_1247 = tpu.memref_squeeze %gather3A_1246 : memref<1x128x64xf32, #tpu.memory_space<vmem>> -> memref<128x64xf32, #tpu.memory_space<vmem>>
        %gather3A_1248 = tpu.vector_load_idx %gather3A_1247[%add3A_241, %add3A_1205] : memref<128x64xf32, #tpu.memory_space<vmem>>[vector<16xi32>, vector<16xi32>], vector<16xf32>,
        %gather3A_1249 = arith.constant 0 : i32
        %gather3A_1250 = arith.constant 0 : i32
        %gather3A_1251 = tpu.memref_slice %arg6[%add3A_232, %gather3A_1249, %gather3A_1250] : memref<4x128x64xf32, #tpu.memory_space<vmem>> -> memref<1x128x64xf32, #tpu.memory_space<vmem>>
        %gather3A_1252 = tpu.memref_squeeze %gather3A_1251 : memref<1x128x64xf32, #tpu.memory_space<vmem>> -> memref<128x64xf32, #tpu.memory_space<vmem>>
        %gather3A_1253 = tpu.vector_load_idx %gather3A_1252[%add3A_241, %add3A_1205] : memref<128x64xf32, #tpu.memory_space<vmem>>[vector<16xi32>, vector<16xi32>], vector<16xf32>,
        %add3A_1254 = arith.addf %gather3A_1248, %gather3A_1253 : vector<16xf32>
        %scatter3A_1255 = arith.constant 0 : i32
        %scatter3A_1256 = arith.constant 0 : i32
        %scatter3A_1257 = arith.constant 0 : i32
        %scatter3A_1258 = tpu.memref_slice %arg7[%rem3A_173, %scatter3A_1255, %scatter3A_1256, %scatter3A_1257] : memref<2x8x8x128xf32, #tpu.memory_space<vmem>> -> memref<1x8x8x128xf32, #tpu.memory_space<vmem>>
        %scatter3A_1259 = tpu.memref_squeeze %scatter3A_1258 : memref<1x8x8x128xf32, #tpu.memory_space<vmem>> -> memref<8x8x128xf32, #tpu.memory_space<vmem>>
        tpu.vector_store_idx %scatter3A_1259[%shift_right_logical3A_1208, %and3A_1211, %add3A_241], %add3A_1254 : memref<8x8x128xf32, #tpu.memory_space<vmem>>[vector<16xi32>, vector<16xi32>, vector<16xi32>], vector<16xf32>,
        %gather3A_1260 = arith.constant 0 : i32
        %gather3A_1261 = arith.constant 0 : i32
        %gather3A_1262 = tpu.memref_slice %arg6[%mul3A_228, %gather3A_1260, %gather3A_1261] : memref<4x128x64xf32, #tpu.memory_space<vmem>> -> memref<1x128x64xf32, #tpu.memory_space<vmem>>
        %gather3A_1263 = tpu.memref_squeeze %gather3A_1262 : memref<1x128x64xf32, #tpu.memory_space<vmem>> -> memref<128x64xf32, #tpu.memory_space<vmem>>
        %gather3A_1264 = tpu.vector_load_idx %gather3A_1263[%add3A_244, %add3A_1205] : memref<128x64xf32, #tpu.memory_space<vmem>>[vector<16xi32>, vector<16xi32>], vector<16xf32>,
        %gather3A_1265 = arith.constant 0 : i32
        %gather3A_1266 = arith.constant 0 : i32
        %gather3A_1267 = tpu.memref_slice %arg6[%add3A_232, %gather3A_1265, %gather3A_1266] : memref<4x128x64xf32, #tpu.memory_space<vmem>> -> memref<1x128x64xf32, #tpu.memory_space<vmem>>
        %gather3A_1268 = tpu.memref_squeeze %gather3A_1267 : memref<1x128x64xf32, #tpu.memory_space<vmem>> -> memref<128x64xf32, #tpu.memory_space<vmem>>
        %gather3A_1269 = tpu.vector_load_idx %gather3A_1268[%add3A_244, %add3A_1205] : memref<128x64xf32, #tpu.memory_space<vmem>>[vector<16xi32>, vector<16xi32>], vector<16xf32>,
        %add3A_1270 = arith.addf %gather3A_1264, %gather3A_1269 : vector<16xf32>
        %scatter3A_1271 = arith.constant 0 : i32
        %scatter3A_1272 = arith.constant 0 : i32
        %scatter3A_1273 = arith.constant 0 : i32
        %scatter3A_1274 = tpu.memref_slice %arg7[%rem3A_173, %scatter3A_1271, %scatter3A_1272, %scatter3A_1273] : memref<2x8x8x128xf32, #tpu.memory_space<vmem>> -> memref<1x8x8x128xf32, #tpu.memory_space<vmem>>
        %scatter3A_1275 = tpu.memref_squeeze %scatter3A_1274 : memref<1x8x8x128xf32, #tpu.memory_space<vmem>> -> memref<8x8x128xf32, #tpu.memory_space<vmem>>
        tpu.vector_store_idx %scatter3A_1275[%shift_right_logical3A_1208, %and3A_1211, %add3A_244], %add3A_1270 : memref<8x8x128xf32, #tpu.memory_space<vmem>>[vector<16xi32>, vector<16xi32>, vector<16xi32>], vector<16xf32>,
        %gather3A_1276 = arith.constant 0 : i32
        %gather3A_1277 = arith.constant 0 : i32
        %gather3A_1278 = tpu.memref_slice %arg6[%mul3A_228, %gather3A_1276, %gather3A_1277] : memref<4x128x64xf32, #tpu.memory_space<vmem>> -> memref<1x128x64xf32, #tpu.memory_space<vmem>>
        %gather3A_1279 = tpu.memref_squeeze %gather3A_1278 : memref<1x128x64xf32, #tpu.memory_space<vmem>> -> memref<128x64xf32, #tpu.memory_space<vmem>>
        %gather3A_1280 = tpu.vector_load_idx %gather3A_1279[%add3A_247, %add3A_1205] : memref<128x64xf32, #tpu.memory_space<vmem>>[vector<16xi32>, vector<16xi32>], vector<16xf32>,
        %gather3A_1281 = arith.constant 0 : i32
        %gather3A_1282 = arith.constant 0 : i32
        %gather3A_1283 = tpu.memref_slice %arg6[%add3A_232, %gather3A_1281, %gather3A_1282] : memref<4x128x64xf32, #tpu.memory_space<vmem>> -> memref<1x128x64xf32, #tpu.memory_space<vmem>>
        %gather3A_1284 = tpu.memref_squeeze %gather3A_1283 : memref<1x128x64xf32, #tpu.memory_space<vmem>> -> memref<128x64xf32, #tpu.memory_space<vmem>>
        %gather3A_1285 = tpu.vector_load_idx %gather3A_1284[%add3A_247, %add3A_1205] : memref<128x64xf32, #tpu.memory_space<vmem>>[vector<16xi32>, vector<16xi32>], vector<16xf32>,
        %add3A_1286 = arith.addf %gather3A_1280, %gather3A_1285 : vector<16xf32>
        %scatter3A_1287 = arith.constant 0 : i32
        %scatter3A_1288 = arith.constant 0 : i32
        %scatter3A_1289 = arith.constant 0 : i32
        %scatter3A_1290 = tpu.memref_slice %arg7[%rem3A_173, %scatter3A_1287, %scatter3A_1288, %scatter3A_1289] : memref<2x8x8x128xf32, #tpu.memory_space<vmem>> -> memref<1x8x8x128xf32, #tpu.memory_space<vmem>>
        %scatter3A_1291 = tpu.memref_squeeze %scatter3A_1290 : memref<1x8x8x128xf32, #tpu.memory_space<vmem>> -> memref<8x8x128xf32, #tpu.memory_space<vmem>>
        tpu.vector_store_idx %scatter3A_1291[%shift_right_logical3A_1208, %and3A_1211, %add3A_247], %add3A_1286 : memref<8x8x128xf32, #tpu.memory_space<vmem>>[vector<16xi32>, vector<16xi32>, vector<16xi32>], vector<16xf32>,
        %gather3A_1292 = arith.constant 0 : i32
        %gather3A_1293 = arith.constant 0 : i32
        %gather3A_1294 = tpu.memref_slice %arg6[%mul3A_228, %gather3A_1292, %gather3A_1293] : memref<4x128x64xf32, #tpu.memory_space<vmem>> -> memref<1x128x64xf32, #tpu.memory_space<vmem>>
        %gather3A_1295 = tpu.memref_squeeze %gather3A_1294 : memref<1x128x64xf32, #tpu.memory_space<vmem>> -> memref<128x64xf32, #tpu.memory_space<vmem>>
        %gather3A_1296 = tpu.vector_load_idx %gather3A_1295[%add3A_250, %add3A_1205] : memref<128x64xf32, #tpu.memory_space<vmem>>[vector<16xi32>, vector<16xi32>], vector<16xf32>,
        %gather3A_1297 = arith.constant 0 : i32
        %gather3A_1298 = arith.constant 0 : i32
        %gather3A_1299 = tpu.memref_slice %arg6[%add3A_232, %gather3A_1297, %gather3A_1298] : memref<4x128x64xf32, #tpu.memory_space<vmem>> -> memref<1x128x64xf32, #tpu.memory_space<vmem>>
        %gather3A_1300 = tpu.memref_squeeze %gather3A_1299 : memref<1x128x64xf32, #tpu.memory_space<vmem>> -> memref<128x64xf32, #tpu.memory_space<vmem>>
        %gather3A_1301 = tpu.vector_load_idx %gather3A_1300[%add3A_250, %add3A_1205] : memref<128x64xf32, #tpu.memory_space<vmem>>[vector<16xi32>, vector<16xi32>], vector<16xf32>,
        %add3A_1302 = arith.addf %gather3A_1296, %gather3A_1301 : vector<16xf32>
        %scatter3A_1303 = arith.constant 0 : i32
        %scatter3A_1304 = arith.constant 0 : i32
        %scatter3A_1305 = arith.constant 0 : i32
        %scatter3A_1306 = tpu.memref_slice %arg7[%rem3A_173, %scatter3A_1303, %scatter3A_1304, %scatter3A_1305] : memref<2x8x8x128xf32, #tpu.memory_space<vmem>> -> memref<1x8x8x128xf32, #tpu.memory_space<vmem>>
        %scatter3A_1307 = tpu.memref_squeeze %scatter3A_1306 : memref<1x8x8x128xf32, #tpu.memory_space<vmem>> -> memref<8x8x128xf32, #tpu.memory_space<vmem>>
        tpu.vector_store_idx %scatter3A_1307[%shift_right_logical3A_1208, %and3A_1211, %add3A_250], %add3A_1302 : memref<8x8x128xf32, #tpu.memory_space<vmem>>[vector<16xi32>, vector<16xi32>, vector<16xi32>], vector<16xf32>,
        %gather3A_1308 = arith.constant 0 : i32
        %gather3A_1309 = arith.constant 0 : i32
        %gather3A_1310 = tpu.memref_slice %arg6[%mul3A_228, %gather3A_1308, %gather3A_1309] : memref<4x128x64xf32, #tpu.memory_space<vmem>> -> memref<1x128x64xf32, #tpu.memory_space<vmem>>
        %gather3A_1311 = tpu.memref_squeeze %gather3A_1310 : memref<1x128x64xf32, #tpu.memory_space<vmem>> -> memref<128x64xf32, #tpu.memory_space<vmem>>
        %gather3A_1312 = tpu.vector_load_idx %gather3A_1311[%add3A_253, %add3A_1205] : memref<128x64xf32, #tpu.memory_space<vmem>>[vector<16xi32>, vector<16xi32>], vector<16xf32>,
        %gather3A_1313 = arith.constant 0 : i32
        %gather3A_1314 = arith.constant 0 : i32
        %gather3A_1315 = tpu.memref_slice %arg6[%add3A_232, %gather3A_1313, %gather3A_1314] : memref<4x128x64xf32, #tpu.memory_space<vmem>> -> memref<1x128x64xf32, #tpu.memory_space<vmem>>
        %gather3A_1316 = tpu.memref_squeeze %gather3A_1315 : memref<1x128x64xf32, #tpu.memory_space<vmem>> -> memref<128x64xf32, #tpu.memory_space<vmem>>
        %gather3A_1317 = tpu.vector_load_idx %gather3A_1316[%add3A_253, %add3A_1205] : memref<128x64xf32, #tpu.memory_space<vmem>>[vector<16xi32>, vector<16xi32>], vector<16xf32>,
        %add3A_1318 = arith.addf %gather3A_1312, %gather3A_1317 : vector<16xf32>
        %scatter3A_1319 = arith.constant 0 : i32
        %scatter3A_1320 = arith.constant 0 : i32
        %scatter3A_1321 = arith.constant 0 : i32
        %scatter3A_1322 = tpu.memref_slice %arg7[%rem3A_173, %scatter3A_1319, %scatter3A_1320, %scatter3A_1321] : memref<2x8x8x128xf32, #tpu.memory_space<vmem>> -> memref<1x8x8x128xf32, #tpu.memory_space<vmem>>
        %scatter3A_1323 = tpu.memref_squeeze %scatter3A_1322 : memref<1x8x8x128xf32, #tpu.memory_space<vmem>> -> memref<8x8x128xf32, #tpu.memory_space<vmem>>
        tpu.vector_store_idx %scatter3A_1323[%shift_right_logical3A_1208, %and3A_1211, %add3A_253], %add3A_1318 : memref<8x8x128xf32, #tpu.memory_space<vmem>>[vector<16xi32>, vector<16xi32>, vector<16xi32>], vector<16xf32>,
        %gather3A_1324 = arith.constant 0 : i32
        %gather3A_1325 = arith.constant 0 : i32
        %gather3A_1326 = tpu.memref_slice %arg6[%mul3A_228, %gather3A_1324, %gather3A_1325] : memref<4x128x64xf32, #tpu.memory_space<vmem>> -> memref<1x128x64xf32, #tpu.memory_space<vmem>>
        %gather3A_1327 = tpu.memref_squeeze %gather3A_1326 : memref<1x128x64xf32, #tpu.memory_space<vmem>> -> memref<128x64xf32, #tpu.memory_space<vmem>>
        %gather3A_1328 = tpu.vector_load_idx %gather3A_1327[%add3A_256, %add3A_1205] : memref<128x64xf32, #tpu.memory_space<vmem>>[vector<16xi32>, vector<16xi32>], vector<16xf32>,
        %gather3A_1329 = arith.constant 0 : i32
        %gather3A_1330 = arith.constant 0 : i32
        %gather3A_1331 = tpu.memref_slice %arg6[%add3A_232, %gather3A_1329, %gather3A_1330] : memref<4x128x64xf32, #tpu.memory_space<vmem>> -> memref<1x128x64xf32, #tpu.memory_space<vmem>>
        %gather3A_1332 = tpu.memref_squeeze %gather3A_1331 : memref<1x128x64xf32, #tpu.memory_space<vmem>> -> memref<128x64xf32, #tpu.memory_space<vmem>>
        %gather3A_1333 = tpu.vector_load_idx %gather3A_1332[%add3A_256, %add3A_1205] : memref<128x64xf32, #tpu.memory_space<vmem>>[vector<16xi32>, vector<16xi32>], vector<16xf32>,
        %add3A_1334 = arith.addf %gather3A_1328, %gather3A_1333 : vector<16xf32>
        %scatter3A_1335 = arith.constant 0 : i32
        %scatter3A_1336 = arith.constant 0 : i32
        %scatter3A_1337 = arith.constant 0 : i32
        %scatter3A_1338 = tpu.memref_slice %arg7[%rem3A_173, %scatter3A_1335, %scatter3A_1336, %scatter3A_1337] : memref<2x8x8x128xf32, #tpu.memory_space<vmem>> -> memref<1x8x8x128xf32, #tpu.memory_space<vmem>>
        %scatter3A_1339 = tpu.memref_squeeze %scatter3A_1338 : memref<1x8x8x128xf32, #tpu.memory_space<vmem>> -> memref<8x8x128xf32, #tpu.memory_space<vmem>>
        tpu.vector_store_idx %scatter3A_1339[%shift_right_logical3A_1208, %and3A_1211, %add3A_256], %add3A_1334 : memref<8x8x128xf32, #tpu.memory_space<vmem>>[vector<16xi32>, vector<16xi32>, vector<16xi32>], vector<16xf32>,
        %scan3A_1340 = arith.constant 7 : i32
        %scan3A_1341 = arith.addi %scan3A_329, %scan3A_1340 : i32
        %add3A_1342 = vector.broadcast %scan3A_1341 : i32 to vector<16xi32>
        %add3A_1343 = arith.addi %iota3A, %add3A_1342 : vector<16xi32>
        %and3A_1344 = arith.constant 15 : i32
        %and3A_1345 = vector.broadcast %and3A_1344 : i32 to vector<16xi32>
        %and3A_1346 = arith.andi %add3A_1343, %and3A_1345 : vector<16xi32>
        %and3A_1347 = arith.constant 48 : i32
        %and3A_1348 = arith.andi %scan3A_1341, %and3A_1347 : i32
        %add3A_1349 = vector.broadcast %and3A_1348 : i32 to vector<16xi32>
        %add3A_1350 = arith.addi %and3A_1346, %add3A_1349 : vector<16xi32>
        %shift_right_logical3A_1351 = arith.constant 3 : i32
        %shift_right_logical3A_1352 = vector.broadcast %shift_right_logical3A_1351 : i32 to vector<16xi32>
        %shift_right_logical3A_1353 = arith.shrui %add3A_1350, %shift_right_logical3A_1352 : vector<16xi32>
        %and3A_1354 = arith.constant 7 : i32
        %and3A_1355 = vector.broadcast %and3A_1354 : i32 to vector<16xi32>
        %and3A_1356 = arith.andi %add3A_1350, %and3A_1355 : vector<16xi32>
        %gather3A_1357 = arith.constant 0 : i32
        %gather3A_1358 = arith.constant 0 : i32
        %gather3A_1359 = tpu.memref_slice %arg6[%mul3A_228, %gather3A_1357, %gather3A_1358] : memref<4x128x64xf32, #tpu.memory_space<vmem>> -> memref<1x128x64xf32, #tpu.memory_space<vmem>>
        %gather3A_1360 = tpu.memref_squeeze %gather3A_1359 : memref<1x128x64xf32, #tpu.memory_space<vmem>> -> memref<128x64xf32, #tpu.memory_space<vmem>>
        %gather3A_1361 = tpu.vector_load_idx %gather3A_1360[%add3A_235, %add3A_1350] : memref<128x64xf32, #tpu.memory_space<vmem>>[vector<16xi32>, vector<16xi32>], vector<16xf32>,
        %gather3A_1362 = arith.constant 0 : i32
        %gather3A_1363 = arith.constant 0 : i32
        %gather3A_1364 = tpu.memref_slice %arg6[%add3A_232, %gather3A_1362, %gather3A_1363] : memref<4x128x64xf32, #tpu.memory_space<vmem>> -> memref<1x128x64xf32, #tpu.memory_space<vmem>>
        %gather3A_1365 = tpu.memref_squeeze %gather3A_1364 : memref<1x128x64xf32, #tpu.memory_space<vmem>> -> memref<128x64xf32, #tpu.memory_space<vmem>>
        %gather3A_1366 = tpu.vector_load_idx %gather3A_1365[%add3A_235, %add3A_1350] : memref<128x64xf32, #tpu.memory_space<vmem>>[vector<16xi32>, vector<16xi32>], vector<16xf32>,
        %add3A_1367 = arith.addf %gather3A_1361, %gather3A_1366 : vector<16xf32>
        %scatter3A_1368 = arith.constant 0 : i32
        %scatter3A_1369 = arith.constant 0 : i32
        %scatter3A_1370 = arith.constant 0 : i32
        %scatter3A_1371 = tpu.memref_slice %arg7[%rem3A_173, %scatter3A_1368, %scatter3A_1369, %scatter3A_1370] : memref<2x8x8x128xf32, #tpu.memory_space<vmem>> -> memref<1x8x8x128xf32, #tpu.memory_space<vmem>>
        %scatter3A_1372 = tpu.memref_squeeze %scatter3A_1371 : memref<1x8x8x128xf32, #tpu.memory_space<vmem>> -> memref<8x8x128xf32, #tpu.memory_space<vmem>>
        tpu.vector_store_idx %scatter3A_1372[%shift_right_logical3A_1353, %and3A_1356, %add3A_235], %add3A_1367 : memref<8x8x128xf32, #tpu.memory_space<vmem>>[vector<16xi32>, vector<16xi32>, vector<16xi32>], vector<16xf32>,
        %gather3A_1373 = arith.constant 0 : i32
        %gather3A_1374 = arith.constant 0 : i32
        %gather3A_1375 = tpu.memref_slice %arg6[%mul3A_228, %gather3A_1373, %gather3A_1374] : memref<4x128x64xf32, #tpu.memory_space<vmem>> -> memref<1x128x64xf32, #tpu.memory_space<vmem>>
        %gather3A_1376 = tpu.memref_squeeze %gather3A_1375 : memref<1x128x64xf32, #tpu.memory_space<vmem>> -> memref<128x64xf32, #tpu.memory_space<vmem>>
        %gather3A_1377 = tpu.vector_load_idx %gather3A_1376[%add3A_238, %add3A_1350] : memref<128x64xf32, #tpu.memory_space<vmem>>[vector<16xi32>, vector<16xi32>], vector<16xf32>,
        %gather3A_1378 = arith.constant 0 : i32
        %gather3A_1379 = arith.constant 0 : i32
        %gather3A_1380 = tpu.memref_slice %arg6[%add3A_232, %gather3A_1378, %gather3A_1379] : memref<4x128x64xf32, #tpu.memory_space<vmem>> -> memref<1x128x64xf32, #tpu.memory_space<vmem>>
        %gather3A_1381 = tpu.memref_squeeze %gather3A_1380 : memref<1x128x64xf32, #tpu.memory_space<vmem>> -> memref<128x64xf32, #tpu.memory_space<vmem>>
        %gather3A_1382 = tpu.vector_load_idx %gather3A_1381[%add3A_238, %add3A_1350] : memref<128x64xf32, #tpu.memory_space<vmem>>[vector<16xi32>, vector<16xi32>], vector<16xf32>,
        %add3A_1383 = arith.addf %gather3A_1377, %gather3A_1382 : vector<16xf32>
        %scatter3A_1384 = arith.constant 0 : i32
        %scatter3A_1385 = arith.constant 0 : i32
        %scatter3A_1386 = arith.constant 0 : i32
        %scatter3A_1387 = tpu.memref_slice %arg7[%rem3A_173, %scatter3A_1384, %scatter3A_1385, %scatter3A_1386] : memref<2x8x8x128xf32, #tpu.memory_space<vmem>> -> memref<1x8x8x128xf32, #tpu.memory_space<vmem>>
        %scatter3A_1388 = tpu.memref_squeeze %scatter3A_1387 : memref<1x8x8x128xf32, #tpu.memory_space<vmem>> -> memref<8x8x128xf32, #tpu.memory_space<vmem>>
        tpu.vector_store_idx %scatter3A_1388[%shift_right_logical3A_1353, %and3A_1356, %add3A_238], %add3A_1383 : memref<8x8x128xf32, #tpu.memory_space<vmem>>[vector<16xi32>, vector<16xi32>, vector<16xi32>], vector<16xf32>,
        %gather3A_1389 = arith.constant 0 : i32
        %gather3A_1390 = arith.constant 0 : i32
        %gather3A_1391 = tpu.memref_slice %arg6[%mul3A_228, %gather3A_1389, %gather3A_1390] : memref<4x128x64xf32, #tpu.memory_space<vmem>> -> memref<1x128x64xf32, #tpu.memory_space<vmem>>
        %gather3A_1392 = tpu.memref_squeeze %gather3A_1391 : memref<1x128x64xf32, #tpu.memory_space<vmem>> -> memref<128x64xf32, #tpu.memory_space<vmem>>
        %gather3A_1393 = tpu.vector_load_idx %gather3A_1392[%add3A_241, %add3A_1350] : memref<128x64xf32, #tpu.memory_space<vmem>>[vector<16xi32>, vector<16xi32>], vector<16xf32>,
        %gather3A_1394 = arith.constant 0 : i32
        %gather3A_1395 = arith.constant 0 : i32
        %gather3A_1396 = tpu.memref_slice %arg6[%add3A_232, %gather3A_1394, %gather3A_1395] : memref<4x128x64xf32, #tpu.memory_space<vmem>> -> memref<1x128x64xf32, #tpu.memory_space<vmem>>
        %gather3A_1397 = tpu.memref_squeeze %gather3A_1396 : memref<1x128x64xf32, #tpu.memory_space<vmem>> -> memref<128x64xf32, #tpu.memory_space<vmem>>
        %gather3A_1398 = tpu.vector_load_idx %gather3A_1397[%add3A_241, %add3A_1350] : memref<128x64xf32, #tpu.memory_space<vmem>>[vector<16xi32>, vector<16xi32>], vector<16xf32>,
        %add3A_1399 = arith.addf %gather3A_1393, %gather3A_1398 : vector<16xf32>
        %scatter3A_1400 = arith.constant 0 : i32
        %scatter3A_1401 = arith.constant 0 : i32
        %scatter3A_1402 = arith.constant 0 : i32
        %scatter3A_1403 = tpu.memref_slice %arg7[%rem3A_173, %scatter3A_1400, %scatter3A_1401, %scatter3A_1402] : memref<2x8x8x128xf32, #tpu.memory_space<vmem>> -> memref<1x8x8x128xf32, #tpu.memory_space<vmem>>
        %scatter3A_1404 = tpu.memref_squeeze %scatter3A_1403 : memref<1x8x8x128xf32, #tpu.memory_space<vmem>> -> memref<8x8x128xf32, #tpu.memory_space<vmem>>
        tpu.vector_store_idx %scatter3A_1404[%shift_right_logical3A_1353, %and3A_1356, %add3A_241], %add3A_1399 : memref<8x8x128xf32, #tpu.memory_space<vmem>>[vector<16xi32>, vector<16xi32>, vector<16xi32>], vector<16xf32>,
        %gather3A_1405 = arith.constant 0 : i32
        %gather3A_1406 = arith.constant 0 : i32
        %gather3A_1407 = tpu.memref_slice %arg6[%mul3A_228, %gather3A_1405, %gather3A_1406] : memref<4x128x64xf32, #tpu.memory_space<vmem>> -> memref<1x128x64xf32, #tpu.memory_space<vmem>>
        %gather3A_1408 = tpu.memref_squeeze %gather3A_1407 : memref<1x128x64xf32, #tpu.memory_space<vmem>> -> memref<128x64xf32, #tpu.memory_space<vmem>>
        %gather3A_1409 = tpu.vector_load_idx %gather3A_1408[%add3A_244, %add3A_1350] : memref<128x64xf32, #tpu.memory_space<vmem>>[vector<16xi32>, vector<16xi32>], vector<16xf32>,
        %gather3A_1410 = arith.constant 0 : i32
        %gather3A_1411 = arith.constant 0 : i32
        %gather3A_1412 = tpu.memref_slice %arg6[%add3A_232, %gather3A_1410, %gather3A_1411] : memref<4x128x64xf32, #tpu.memory_space<vmem>> -> memref<1x128x64xf32, #tpu.memory_space<vmem>>
        %gather3A_1413 = tpu.memref_squeeze %gather3A_1412 : memref<1x128x64xf32, #tpu.memory_space<vmem>> -> memref<128x64xf32, #tpu.memory_space<vmem>>
        %gather3A_1414 = tpu.vector_load_idx %gather3A_1413[%add3A_244, %add3A_1350] : memref<128x64xf32, #tpu.memory_space<vmem>>[vector<16xi32>, vector<16xi32>], vector<16xf32>,
        %add3A_1415 = arith.addf %gather3A_1409, %gather3A_1414 : vector<16xf32>
        %scatter3A_1416 = arith.constant 0 : i32
        %scatter3A_1417 = arith.constant 0 : i32
        %scatter3A_1418 = arith.constant 0 : i32
        %scatter3A_1419 = tpu.memref_slice %arg7[%rem3A_173, %scatter3A_1416, %scatter3A_1417, %scatter3A_1418] : memref<2x8x8x128xf32, #tpu.memory_space<vmem>> -> memref<1x8x8x128xf32, #tpu.memory_space<vmem>>
        %scatter3A_1420 = tpu.memref_squeeze %scatter3A_1419 : memref<1x8x8x128xf32, #tpu.memory_space<vmem>> -> memref<8x8x128xf32, #tpu.memory_space<vmem>>
        tpu.vector_store_idx %scatter3A_1420[%shift_right_logical3A_1353, %and3A_1356, %add3A_244], %add3A_1415 : memref<8x8x128xf32, #tpu.memory_space<vmem>>[vector<16xi32>, vector<16xi32>, vector<16xi32>], vector<16xf32>,
        %gather3A_1421 = arith.constant 0 : i32
        %gather3A_1422 = arith.constant 0 : i32
        %gather3A_1423 = tpu.memref_slice %arg6[%mul3A_228, %gather3A_1421, %gather3A_1422] : memref<4x128x64xf32, #tpu.memory_space<vmem>> -> memref<1x128x64xf32, #tpu.memory_space<vmem>>
        %gather3A_1424 = tpu.memref_squeeze %gather3A_1423 : memref<1x128x64xf32, #tpu.memory_space<vmem>> -> memref<128x64xf32, #tpu.memory_space<vmem>>
        %gather3A_1425 = tpu.vector_load_idx %gather3A_1424[%add3A_247, %add3A_1350] : memref<128x64xf32, #tpu.memory_space<vmem>>[vector<16xi32>, vector<16xi32>], vector<16xf32>,
        %gather3A_1426 = arith.constant 0 : i32
        %gather3A_1427 = arith.constant 0 : i32
        %gather3A_1428 = tpu.memref_slice %arg6[%add3A_232, %gather3A_1426, %gather3A_1427] : memref<4x128x64xf32, #tpu.memory_space<vmem>> -> memref<1x128x64xf32, #tpu.memory_space<vmem>>
        %gather3A_1429 = tpu.memref_squeeze %gather3A_1428 : memref<1x128x64xf32, #tpu.memory_space<vmem>> -> memref<128x64xf32, #tpu.memory_space<vmem>>
        %gather3A_1430 = tpu.vector_load_idx %gather3A_1429[%add3A_247, %add3A_1350] : memref<128x64xf32, #tpu.memory_space<vmem>>[vector<16xi32>, vector<16xi32>], vector<16xf32>,
        %add3A_1431 = arith.addf %gather3A_1425, %gather3A_1430 : vector<16xf32>
        %scatter3A_1432 = arith.constant 0 : i32
        %scatter3A_1433 = arith.constant 0 : i32
        %scatter3A_1434 = arith.constant 0 : i32
        %scatter3A_1435 = tpu.memref_slice %arg7[%rem3A_173, %scatter3A_1432, %scatter3A_1433, %scatter3A_1434] : memref<2x8x8x128xf32, #tpu.memory_space<vmem>> -> memref<1x8x8x128xf32, #tpu.memory_space<vmem>>
        %scatter3A_1436 = tpu.memref_squeeze %scatter3A_1435 : memref<1x8x8x128xf32, #tpu.memory_space<vmem>> -> memref<8x8x128xf32, #tpu.memory_space<vmem>>
        tpu.vector_store_idx %scatter3A_1436[%shift_right_logical3A_1353, %and3A_1356, %add3A_247], %add3A_1431 : memref<8x8x128xf32, #tpu.memory_space<vmem>>[vector<16xi32>, vector<16xi32>, vector<16xi32>], vector<16xf32>,
        %gather3A_1437 = arith.constant 0 : i32
        %gather3A_1438 = arith.constant 0 : i32
        %gather3A_1439 = tpu.memref_slice %arg6[%mul3A_228, %gather3A_1437, %gather3A_1438] : memref<4x128x64xf32, #tpu.memory_space<vmem>> -> memref<1x128x64xf32, #tpu.memory_space<vmem>>
        %gather3A_1440 = tpu.memref_squeeze %gather3A_1439 : memref<1x128x64xf32, #tpu.memory_space<vmem>> -> memref<128x64xf32, #tpu.memory_space<vmem>>
        %gather3A_1441 = tpu.vector_load_idx %gather3A_1440[%add3A_250, %add3A_1350] : memref<128x64xf32, #tpu.memory_space<vmem>>[vector<16xi32>, vector<16xi32>], vector<16xf32>,
        %gather3A_1442 = arith.constant 0 : i32
        %gather3A_1443 = arith.constant 0 : i32
        %gather3A_1444 = tpu.memref_slice %arg6[%add3A_232, %gather3A_1442, %gather3A_1443] : memref<4x128x64xf32, #tpu.memory_space<vmem>> -> memref<1x128x64xf32, #tpu.memory_space<vmem>>
        %gather3A_1445 = tpu.memref_squeeze %gather3A_1444 : memref<1x128x64xf32, #tpu.memory_space<vmem>> -> memref<128x64xf32, #tpu.memory_space<vmem>>
        %gather3A_1446 = tpu.vector_load_idx %gather3A_1445[%add3A_250, %add3A_1350] : memref<128x64xf32, #tpu.memory_space<vmem>>[vector<16xi32>, vector<16xi32>], vector<16xf32>,
        %add3A_1447 = arith.addf %gather3A_1441, %gather3A_1446 : vector<16xf32>
        %scatter3A_1448 = arith.constant 0 : i32
        %scatter3A_1449 = arith.constant 0 : i32
        %scatter3A_1450 = arith.constant 0 : i32
        %scatter3A_1451 = tpu.memref_slice %arg7[%rem3A_173, %scatter3A_1448, %scatter3A_1449, %scatter3A_1450] : memref<2x8x8x128xf32, #tpu.memory_space<vmem>> -> memref<1x8x8x128xf32, #tpu.memory_space<vmem>>
        %scatter3A_1452 = tpu.memref_squeeze %scatter3A_1451 : memref<1x8x8x128xf32, #tpu.memory_space<vmem>> -> memref<8x8x128xf32, #tpu.memory_space<vmem>>
        tpu.vector_store_idx %scatter3A_1452[%shift_right_logical3A_1353, %and3A_1356, %add3A_250], %add3A_1447 : memref<8x8x128xf32, #tpu.memory_space<vmem>>[vector<16xi32>, vector<16xi32>, vector<16xi32>], vector<16xf32>,
        %gather3A_1453 = arith.constant 0 : i32
        %gather3A_1454 = arith.constant 0 : i32
        %gather3A_1455 = tpu.memref_slice %arg6[%mul3A_228, %gather3A_1453, %gather3A_1454] : memref<4x128x64xf32, #tpu.memory_space<vmem>> -> memref<1x128x64xf32, #tpu.memory_space<vmem>>
        %gather3A_1456 = tpu.memref_squeeze %gather3A_1455 : memref<1x128x64xf32, #tpu.memory_space<vmem>> -> memref<128x64xf32, #tpu.memory_space<vmem>>
        %gather3A_1457 = tpu.vector_load_idx %gather3A_1456[%add3A_253, %add3A_1350] : memref<128x64xf32, #tpu.memory_space<vmem>>[vector<16xi32>, vector<16xi32>], vector<16xf32>,
        %gather3A_1458 = arith.constant 0 : i32
        %gather3A_1459 = arith.constant 0 : i32
        %gather3A_1460 = tpu.memref_slice %arg6[%add3A_232, %gather3A_1458, %gather3A_1459] : memref<4x128x64xf32, #tpu.memory_space<vmem>> -> memref<1x128x64xf32, #tpu.memory_space<vmem>>
        %gather3A_1461 = tpu.memref_squeeze %gather3A_1460 : memref<1x128x64xf32, #tpu.memory_space<vmem>> -> memref<128x64xf32, #tpu.memory_space<vmem>>
        %gather3A_1462 = tpu.vector_load_idx %gather3A_1461[%add3A_253, %add3A_1350] : memref<128x64xf32, #tpu.memory_space<vmem>>[vector<16xi32>, vector<16xi32>], vector<16xf32>,
        %add3A_1463 = arith.addf %gather3A_1457, %gather3A_1462 : vector<16xf32>
        %scatter3A_1464 = arith.constant 0 : i32
        %scatter3A_1465 = arith.constant 0 : i32
        %scatter3A_1466 = arith.constant 0 : i32
        %scatter3A_1467 = tpu.memref_slice %arg7[%rem3A_173, %scatter3A_1464, %scatter3A_1465, %scatter3A_1466] : memref<2x8x8x128xf32, #tpu.memory_space<vmem>> -> memref<1x8x8x128xf32, #tpu.memory_space<vmem>>
        %scatter3A_1468 = tpu.memref_squeeze %scatter3A_1467 : memref<1x8x8x128xf32, #tpu.memory_space<vmem>> -> memref<8x8x128xf32, #tpu.memory_space<vmem>>
        tpu.vector_store_idx %scatter3A_1468[%shift_right_logical3A_1353, %and3A_1356, %add3A_253], %add3A_1463 : memref<8x8x128xf32, #tpu.memory_space<vmem>>[vector<16xi32>, vector<16xi32>, vector<16xi32>], vector<16xf32>,
        %gather3A_1469 = arith.constant 0 : i32
        %gather3A_1470 = arith.constant 0 : i32
        %gather3A_1471 = tpu.memref_slice %arg6[%mul3A_228, %gather3A_1469, %gather3A_1470] : memref<4x128x64xf32, #tpu.memory_space<vmem>> -> memref<1x128x64xf32, #tpu.memory_space<vmem>>
        %gather3A_1472 = tpu.memref_squeeze %gather3A_1471 : memref<1x128x64xf32, #tpu.memory_space<vmem>> -> memref<128x64xf32, #tpu.memory_space<vmem>>
        %gather3A_1473 = tpu.vector_load_idx %gather3A_1472[%add3A_256, %add3A_1350] : memref<128x64xf32, #tpu.memory_space<vmem>>[vector<16xi32>, vector<16xi32>], vector<16xf32>,
        %gather3A_1474 = arith.constant 0 : i32
        %gather3A_1475 = arith.constant 0 : i32
        %gather3A_1476 = tpu.memref_slice %arg6[%add3A_232, %gather3A_1474, %gather3A_1475] : memref<4x128x64xf32, #tpu.memory_space<vmem>> -> memref<1x128x64xf32, #tpu.memory_space<vmem>>
        %gather3A_1477 = tpu.memref_squeeze %gather3A_1476 : memref<1x128x64xf32, #tpu.memory_space<vmem>> -> memref<128x64xf32, #tpu.memory_space<vmem>>
        %gather3A_1478 = tpu.vector_load_idx %gather3A_1477[%add3A_256, %add3A_1350] : memref<128x64xf32, #tpu.memory_space<vmem>>[vector<16xi32>, vector<16xi32>], vector<16xf32>,
        %add3A_1479 = arith.addf %gather3A_1473, %gather3A_1478 : vector<16xf32>
        %scatter3A_1480 = arith.constant 0 : i32
        %scatter3A_1481 = arith.constant 0 : i32
        %scatter3A_1482 = arith.constant 0 : i32
        %scatter3A_1483 = tpu.memref_slice %arg7[%rem3A_173, %scatter3A_1480, %scatter3A_1481, %scatter3A_1482] : memref<2x8x8x128xf32, #tpu.memory_space<vmem>> -> memref<1x8x8x128xf32, #tpu.memory_space<vmem>>
        %scatter3A_1484 = tpu.memref_squeeze %scatter3A_1483 : memref<1x8x8x128xf32, #tpu.memory_space<vmem>> -> memref<8x8x128xf32, #tpu.memory_space<vmem>>
        tpu.vector_store_idx %scatter3A_1484[%shift_right_logical3A_1353, %and3A_1356, %add3A_256], %add3A_1479 : memref<8x8x128xf32, #tpu.memory_space<vmem>>[vector<16xi32>, vector<16xi32>, vector<16xi32>], vector<16xf32>,
      }
      %scan3A_262 = arith.constant 64 : i32
      %mul3A_263 = arith.constant 200 : i32
      %mul3A_264 = arith.muli %add3A, %mul3A_263 : i32
      %add3A_265 = arith.addi %mul3A_264, %scan3A_171 : i32
      %jit3A_266 = arith.constant 32 : i32
      %div3A_267 = arith.divsi %add3A_265, %jit3A_266 : i32
      %sign3A_268 = arith.constant 0 : i32
      %sign3A_269 = arith.cmpi sgt, %add3A_265, %sign3A_268 : i32
      %sign3A_270 = arith.extui %sign3A_269 : i1 to i32
      %sign3A_271 = arith.constant 0 : i32
      %sign3A_272 = arith.cmpi slt, %add3A_265, %sign3A_271 : i32
      %sign3A_273 = arith.extui %sign3A_272 : i1 to i32
      %sign3A_274 = arith.subi %sign3A_270, %sign3A_273 : i32
      %sign3A_275 = arith.constant 0 : i32
      %sign3A_276 = arith.cmpi sgt, %jit3A_266, %sign3A_275 : i32
      %sign3A_277 = arith.extui %sign3A_276 : i1 to i32
      %sign3A_278 = arith.constant 0 : i32
      %sign3A_279 = arith.cmpi slt, %jit3A_266, %sign3A_278 : i32
      %sign3A_280 = arith.extui %sign3A_279 : i1 to i32
      %sign3A_281 = arith.subi %sign3A_277, %sign3A_280 : i32
      %ne3A_282 = arith.cmpi ne, %sign3A_274, %sign3A_281 : i32
      %rem3A_283 = arith.remsi %add3A_265, %jit3A_266 : i32
      %ne3A_284 = arith.constant 0 : i32
      %ne3A_285 = arith.cmpi ne, %rem3A_283, %ne3A_284 : i32
      %and3A_286 = arith.andi %ne3A_282, %ne3A_285 : i1
      %sub3A_287 = arith.constant 1 : i32
      %sub3A_288 = arith.subi %div3A_267, %sub3A_287 : i32
      %select_n3A_289 = arith.select %and3A_286, %sub3A_288, %div3A_267 : i32
      %jit3A_290 = arith.constant 32 : i32
      %eq3A_291 = arith.constant 0 : i32
      %eq3A_292 = arith.cmpi eq, %jit3A_290, %eq3A_291 : i32
      %jit3A_293 = arith.constant 1 : i32
      %select_n3A_294 = arith.select %eq3A_292, %jit3A_293, %jit3A_290 : i32
      %rem3A_295 = arith.remsi %add3A_265, %select_n3A_294 : i32
      %ne3A_296 = arith.constant 0 : i32
      %ne3A_297 = arith.cmpi ne, %rem3A_295, %ne3A_296 : i32
      %lt3A_298 = arith.constant 0 : i32
      %lt3A_299 = arith.cmpi slt, %rem3A_295, %lt3A_298 : i32
      %lt3A_300 = arith.constant 0 : i32
      %lt3A_301 = arith.cmpi slt, %select_n3A_294, %lt3A_300 : i32
      %ne3A_302 = arith.xori %lt3A_299, %lt3A_301 : i1
      %and3A_303 = arith.andi %ne3A_302, %ne3A_297 : i1
      %add3A_304 = arith.addi %rem3A_295, %select_n3A_294 : i32
      %select_n3A_305 = arith.select %and3A_303, %add3A_304, %rem3A_295 : i32
      %mul3A_306 = arith.constant 8 : i32
      %mul3A_307 = arith.muli %select_n3A_289, %mul3A_306 : i32
      %multiple_of3A_308 = tpu.assume_multiple %mul3A_307, 8 : i32
      %dma_start3A_309 = arith.constant 0 : i32
      %dma_start3A_310 = arith.constant 0 : i32
      %dma_start3A_311 = arith.constant 0 : i32
      %dma_start3A_312 = tpu.memref_slice %arg7[%rem3A_173, %dma_start3A_309, %dma_start3A_310, %dma_start3A_311] : memref<2x8x8x128xf32, #tpu.memory_space<vmem>> -> memref<1x8x8x128xf32, #tpu.memory_space<vmem>>
      %dma_start3A_313 = tpu.memref_squeeze %dma_start3A_312 : memref<1x8x8x128xf32, #tpu.memory_space<vmem>> -> memref<8x8x128xf32, #tpu.memory_space<vmem>>
      %dma_start3A_314 = arith.constant 0 : i32
      %dma_start3A_315 = arith.constant 0 : i32
      %dma_start3A_316 = tpu.memref_slice %arg4[%multiple_of3A_308, %select_n3A_305, %dma_start3A_314, %dma_start3A_315] : memref<1600x32x8x128xf32, #tpu.memory_space<hbm>> -> memref<8x1x8x128xf32, #tpu.memory_space<hbm>>
      %dma_start3A_317 = tpu.memref_squeeze %dma_start3A_316 : memref<8x1x8x128xf32, #tpu.memory_space<hbm>> -> memref<8x8x128xf32, #tpu.memory_space<hbm>>
      %dma_start3A_318 = tpu.memref_slice %arg9[%rem3A_173] : memref<2x!tpu.dma_semaphore, #tpu.memory_space<semaphore_mem>> -> memref<1x!tpu.dma_semaphore, #tpu.memory_space<semaphore_mem>>
      %dma_start3A_319 = tpu.memref_squeeze %dma_start3A_318 : memref<1x!tpu.dma_semaphore, #tpu.memory_space<semaphore_mem>> -> memref<!tpu.dma_semaphore, #tpu.memory_space<semaphore_mem>>
      %dma_start3A_320 = arith.constant 0 : i32
      %dma_start3A_321 = arith.constant 0 : i32
      %dma_start3A_322 = tpu.memref_slice %arg4[%multiple_of3A_308, %select_n3A_305, %dma_start3A_320, %dma_start3A_321] : memref<1600x32x8x128xf32, #tpu.memory_space<hbm>> -> memref<8x1x8x128xf32, #tpu.memory_space<hbm>>
      %dma_start3A_323 = tpu.memref_squeeze %dma_start3A_322 : memref<8x1x8x128xf32, #tpu.memory_space<hbm>> -> memref<8x8x128xf32, #tpu.memory_space<hbm>>
      %dma_start3A_324 = arith.constant 0 : i32
      %dma_start3A_325 = arith.constant 0 : i32
      %dma_start3A_326 = arith.constant 0 : i32
      %dma_start3A_327 = tpu.memref_slice %arg7[%rem3A_173, %dma_start3A_324, %dma_start3A_325, %dma_start3A_326] : memref<2x8x8x128xf32, #tpu.memory_space<vmem>> -> memref<1x8x8x128xf32, #tpu.memory_space<vmem>>
      %dma_start3A_328 = tpu.memref_squeeze %dma_start3A_327 : memref<1x8x8x128xf32, #tpu.memory_space<vmem>> -> memref<8x8x128xf32, #tpu.memory_space<vmem>>
      tpu.enqueue_dma source(%dma_start3A_328 : memref<8x8x128xf32, #tpu.memory_space<vmem>>) target(%dma_start3A_323 : memref<8x8x128xf32, #tpu.memory_space<hbm>>) target_semaphore(%dma_start3A_319 : memref<!tpu.dma_semaphore, #tpu.memory_space<semaphore_mem>>)
    }
    %scan3A_42 = arith.constant 200 : i32
    %mul3A_43 = arith.constant 200 : i32
    %mul3A_44 = arith.muli %add3A, %mul3A_43 : i32
    %add3A_45 = arith.constant 198 : i32
    %add3A_46 = arith.addi %mul3A_44, %add3A_45 : i32
    %jit3A = arith.constant 32 : i32
    %div3A = arith.divsi %add3A_46, %jit3A : i32
    %sign3A = arith.constant 0 : i32
    %sign3A_47 = arith.cmpi sgt, %add3A_46, %sign3A : i32
    %sign3A_48 = arith.extui %sign3A_47 : i1 to i32
    %sign3A_49 = arith.constant 0 : i32
    %sign3A_50 = arith.cmpi slt, %add3A_46, %sign3A_49 : i32
    %sign3A_51 = arith.extui %sign3A_50 : i1 to i32
    %sign3A_52 = arith.subi %sign3A_48, %sign3A_51 : i32
    %sign3A_53 = arith.constant 0 : i32
    %sign3A_54 = arith.cmpi sgt, %jit3A, %sign3A_53 : i32
    %sign3A_55 = arith.extui %sign3A_54 : i1 to i32
    %sign3A_56 = arith.constant 0 : i32
    %sign3A_57 = arith.cmpi slt, %jit3A, %sign3A_56 : i32
    %sign3A_58 = arith.extui %sign3A_57 : i1 to i32
    %sign3A_59 = arith.subi %sign3A_55, %sign3A_58 : i32
    %ne3A = arith.cmpi ne, %sign3A_52, %sign3A_59 : i32
    %rem3A_60 = arith.remsi %add3A_46, %jit3A : i32
    %ne3A_61 = arith.constant 0 : i32
    %ne3A_62 = arith.cmpi ne, %rem3A_60, %ne3A_61 : i32
    %and3A = arith.andi %ne3A, %ne3A_62 : i1
    %sub3A = arith.constant 1 : i32
    %sub3A_63 = arith.subi %div3A, %sub3A : i32
    %select_n3A = arith.select %and3A, %sub3A_63, %div3A : i32
    %jit3A_64 = arith.constant 32 : i32
    %eq3A = arith.constant 0 : i32
    %eq3A_65 = arith.cmpi eq, %jit3A_64, %eq3A : i32
    %jit3A_66 = arith.constant 1 : i32
    %select_n3A_67 = arith.select %eq3A_65, %jit3A_66, %jit3A_64 : i32
    %rem3A_68 = arith.remsi %add3A_46, %select_n3A_67 : i32
    %ne3A_69 = arith.constant 0 : i32
    %ne3A_70 = arith.cmpi ne, %rem3A_68, %ne3A_69 : i32
    %lt3A = arith.constant 0 : i32
    %lt3A_71 = arith.cmpi slt, %rem3A_68, %lt3A : i32
    %lt3A_72 = arith.constant 0 : i32
    %lt3A_73 = arith.cmpi slt, %select_n3A_67, %lt3A_72 : i32
    %ne3A_74 = arith.xori %lt3A_71, %lt3A_73 : i1
    %and3A_75 = arith.andi %ne3A_74, %ne3A_70 : i1
    %add3A_76 = arith.addi %rem3A_68, %select_n3A_67 : i32
    %select_n3A_77 = arith.select %and3A_75, %add3A_76, %rem3A_68 : i32
    %mul3A_78 = arith.constant 8 : i32
    %mul3A_79 = arith.muli %select_n3A, %mul3A_78 : i32
    %multiple_of3A_80 = tpu.assume_multiple %mul3A_79, 8 : i32
    %dma_wait3A = arith.constant 0 : i32
    %dma_wait3A_81 = arith.constant 0 : i32
    %dma_wait3A_82 = arith.constant 0 : i32
    %dma_wait3A_83 = arith.constant 0 : i32
    %dma_wait3A_84 = arith.constant 0 : i32
    %dma_wait3A_85 = tpu.memref_slice %arg7[%dma_wait3A, %dma_wait3A_82, %dma_wait3A_83, %dma_wait3A_84] : memref<2x8x8x128xf32, #tpu.memory_space<vmem>> -> memref<1x8x8x128xf32, #tpu.memory_space<vmem>>
    %dma_wait3A_86 = tpu.memref_squeeze %dma_wait3A_85 : memref<1x8x8x128xf32, #tpu.memory_space<vmem>> -> memref<8x8x128xf32, #tpu.memory_space<vmem>>
    %dma_wait3A_87 = arith.constant 0 : i32
    %dma_wait3A_88 = arith.constant 0 : i32
    %dma_wait3A_89 = tpu.memref_slice %arg4[%multiple_of3A_80, %select_n3A_77, %dma_wait3A_87, %dma_wait3A_88] : memref<1600x32x8x128xf32, #tpu.memory_space<hbm>> -> memref<8x1x8x128xf32, #tpu.memory_space<hbm>>
    %dma_wait3A_90 = tpu.memref_squeeze %dma_wait3A_89 : memref<8x1x8x128xf32, #tpu.memory_space<hbm>> -> memref<8x8x128xf32, #tpu.memory_space<hbm>>
    %dma_wait3A_91 = tpu.memref_slice %arg9[%dma_wait3A_81] : memref<2x!tpu.dma_semaphore, #tpu.memory_space<semaphore_mem>> -> memref<1x!tpu.dma_semaphore, #tpu.memory_space<semaphore_mem>>
    %dma_wait3A_92 = tpu.memref_squeeze %dma_wait3A_91 : memref<1x!tpu.dma_semaphore, #tpu.memory_space<semaphore_mem>> -> memref<!tpu.dma_semaphore, #tpu.memory_space<semaphore_mem>>
    %dma_wait3A_93 = arith.constant 0 : i32
    %dma_wait3A_94 = arith.constant 0 : i32
    %dma_wait3A_95 = tpu.memref_slice %arg4[%multiple_of3A_80, %select_n3A_77, %dma_wait3A_93, %dma_wait3A_94] : memref<1600x32x8x128xf32, #tpu.memory_space<hbm>> -> memref<8x1x8x128xf32, #tpu.memory_space<hbm>>
    %dma_wait3A_96 = tpu.memref_squeeze %dma_wait3A_95 : memref<8x1x8x128xf32, #tpu.memory_space<hbm>> -> memref<8x8x128xf32, #tpu.memory_space<hbm>>
    %dma_wait3A_97 = arith.constant 0 : i32
    %dma_wait3A_98 = arith.constant 0 : i32
    %dma_wait3A_99 = arith.constant 0 : i32
    %dma_wait3A_100 = tpu.memref_slice %arg7[%dma_wait3A, %dma_wait3A_97, %dma_wait3A_98, %dma_wait3A_99] : memref<2x8x8x128xf32, #tpu.memory_space<vmem>> -> memref<1x8x8x128xf32, #tpu.memory_space<vmem>>
    %dma_wait3A_101 = tpu.memref_squeeze %dma_wait3A_100 : memref<1x8x8x128xf32, #tpu.memory_space<vmem>> -> memref<8x8x128xf32, #tpu.memory_space<vmem>>
    tpu.wait_dma2 semaphore(%dma_wait3A_92 : memref<!tpu.dma_semaphore, #tpu.memory_space<semaphore_mem>>) src(%dma_wait3A_101 : memref<8x8x128xf32, #tpu.memory_space<vmem>>) dst(%dma_wait3A_96 : memref<8x8x128xf32, #tpu.memory_space<hbm>>)
    %mul3A_102 = arith.constant 200 : i32
    %mul3A_103 = arith.muli %add3A, %mul3A_102 : i32
    %add3A_104 = arith.constant 199 : i32
    %add3A_105 = arith.addi %mul3A_103, %add3A_104 : i32
    %jit3A_106 = arith.constant 32 : i32
    %div3A_107 = arith.divsi %add3A_105, %jit3A_106 : i32
    %sign3A_108 = arith.constant 0 : i32
    %sign3A_109 = arith.cmpi sgt, %add3A_105, %sign3A_108 : i32
    %sign3A_110 = arith.extui %sign3A_109 : i1 to i32
    %sign3A_111 = arith.constant 0 : i32
    %sign3A_112 = arith.cmpi slt, %add3A_105, %sign3A_111 : i32
    %sign3A_113 = arith.extui %sign3A_112 : i1 to i32
    %sign3A_114 = arith.subi %sign3A_110, %sign3A_113 : i32
    %sign3A_115 = arith.constant 0 : i32
    %sign3A_116 = arith.cmpi sgt, %jit3A_106, %sign3A_115 : i32
    %sign3A_117 = arith.extui %sign3A_116 : i1 to i32
    %sign3A_118 = arith.constant 0 : i32
    %sign3A_119 = arith.cmpi slt, %jit3A_106, %sign3A_118 : i32
    %sign3A_120 = arith.extui %sign3A_119 : i1 to i32
    %sign3A_121 = arith.subi %sign3A_117, %sign3A_120 : i32
    %ne3A_122 = arith.cmpi ne, %sign3A_114, %sign3A_121 : i32
    %rem3A_123 = arith.remsi %add3A_105, %jit3A_106 : i32
    %ne3A_124 = arith.constant 0 : i32
    %ne3A_125 = arith.cmpi ne, %rem3A_123, %ne3A_124 : i32
    %and3A_126 = arith.andi %ne3A_122, %ne3A_125 : i1
    %sub3A_127 = arith.constant 1 : i32
    %sub3A_128 = arith.subi %div3A_107, %sub3A_127 : i32
    %select_n3A_129 = arith.select %and3A_126, %sub3A_128, %div3A_107 : i32
    %jit3A_130 = arith.constant 32 : i32
    %eq3A_131 = arith.constant 0 : i32
    %eq3A_132 = arith.cmpi eq, %jit3A_130, %eq3A_131 : i32
    %jit3A_133 = arith.constant 1 : i32
    %select_n3A_134 = arith.select %eq3A_132, %jit3A_133, %jit3A_130 : i32
    %rem3A_135 = arith.remsi %add3A_105, %select_n3A_134 : i32
    %ne3A_136 = arith.constant 0 : i32
    %ne3A_137 = arith.cmpi ne, %rem3A_135, %ne3A_136 : i32
    %lt3A_138 = arith.constant 0 : i32
    %lt3A_139 = arith.cmpi slt, %rem3A_135, %lt3A_138 : i32
    %lt3A_140 = arith.constant 0 : i32
    %lt3A_141 = arith.cmpi slt, %select_n3A_134, %lt3A_140 : i32
    %ne3A_142 = arith.xori %lt3A_139, %lt3A_141 : i1
    %and3A_143 = arith.andi %ne3A_142, %ne3A_137 : i1
    %add3A_144 = arith.addi %rem3A_135, %select_n3A_134 : i32
    %select_n3A_145 = arith.select %and3A_143, %add3A_144, %rem3A_135 : i32
    %mul3A_146 = arith.constant 8 : i32
    %mul3A_147 = arith.muli %select_n3A_129, %mul3A_146 : i32
    %multiple_of3A_148 = tpu.assume_multiple %mul3A_147, 8 : i32
    %dma_wait3A_149 = arith.constant 1 : i32
    %dma_wait3A_150 = arith.constant 1 : i32
    %dma_wait3A_151 = arith.constant 0 : i32
    %dma_wait3A_152 = arith.constant 0 : i32
    %dma_wait3A_153 = arith.constant 0 : i32
    %dma_wait3A_154 = tpu.memref_slice %arg7[%dma_wait3A_149, %dma_wait3A_151, %dma_wait3A_152, %dma_wait3A_153] : memref<2x8x8x128xf32, #tpu.memory_space<vmem>> -> memref<1x8x8x128xf32, #tpu.memory_space<vmem>>
    %dma_wait3A_155 = tpu.memref_squeeze %dma_wait3A_154 : memref<1x8x8x128xf32, #tpu.memory_space<vmem>> -> memref<8x8x128xf32, #tpu.memory_space<vmem>>
    %dma_wait3A_156 = arith.constant 0 : i32
    %dma_wait3A_157 = arith.constant 0 : i32
    %dma_wait3A_158 = tpu.memref_slice %arg4[%multiple_of3A_148, %select_n3A_145, %dma_wait3A_156, %dma_wait3A_157] : memref<1600x32x8x128xf32, #tpu.memory_space<hbm>> -> memref<8x1x8x128xf32, #tpu.memory_space<hbm>>
    %dma_wait3A_159 = tpu.memref_squeeze %dma_wait3A_158 : memref<8x1x8x128xf32, #tpu.memory_space<hbm>> -> memref<8x8x128xf32, #tpu.memory_space<hbm>>
    %dma_wait3A_160 = tpu.memref_slice %arg9[%dma_wait3A_150] : memref<2x!tpu.dma_semaphore, #tpu.memory_space<semaphore_mem>> -> memref<1x!tpu.dma_semaphore, #tpu.memory_space<semaphore_mem>>
    %dma_wait3A_161 = tpu.memref_squeeze %dma_wait3A_160 : memref<1x!tpu.dma_semaphore, #tpu.memory_space<semaphore_mem>> -> memref<!tpu.dma_semaphore, #tpu.memory_space<semaphore_mem>>
    %dma_wait3A_162 = arith.constant 0 : i32
    %dma_wait3A_163 = arith.constant 0 : i32
    %dma_wait3A_164 = tpu.memref_slice %arg4[%multiple_of3A_148, %select_n3A_145, %dma_wait3A_162, %dma_wait3A_163] : memref<1600x32x8x128xf32, #tpu.memory_space<hbm>> -> memref<8x1x8x128xf32, #tpu.memory_space<hbm>>
    %dma_wait3A_165 = tpu.memref_squeeze %dma_wait3A_164 : memref<8x1x8x128xf32, #tpu.memory_space<hbm>> -> memref<8x8x128xf32, #tpu.memory_space<hbm>>
    %dma_wait3A_166 = arith.constant 0 : i32
    %dma_wait3A_167 = arith.constant 0 : i32
    %dma_wait3A_168 = arith.constant 0 : i32
    %dma_wait3A_169 = tpu.memref_slice %arg7[%dma_wait3A_149, %dma_wait3A_166, %dma_wait3A_167, %dma_wait3A_168] : memref<2x8x8x128xf32, #tpu.memory_space<vmem>> -> memref<1x8x8x128xf32, #tpu.memory_space<vmem>>
    %dma_wait3A_170 = tpu.memref_squeeze %dma_wait3A_169 : memref<1x8x8x128xf32, #tpu.memory_space<vmem>> -> memref<8x8x128xf32, #tpu.memory_space<vmem>>
    tpu.wait_dma2 semaphore(%dma_wait3A_161 : memref<!tpu.dma_semaphore, #tpu.memory_space<semaphore_mem>>) src(%dma_wait3A_170 : memref<8x8x128xf32, #tpu.memory_space<vmem>>) dst(%dma_wait3A_165 : memref<8x8x128xf32, #tpu.memory_space<hbm>>)
    return
  }
}

</mosaic_0001>

<sc_bundles>
// kernel: kernel.3.cloned.1.call-start
scs
__scs_entry_jumppad:
0x0: {  	(pc) =	sbr.rel $0x88, $3  }
0x1: {  	(tag) =	ssettag $0x0;
	lr =	simm.s32 $0x1  }
0x2: {  	[smem:$0x3F9F] =	sst lr;
	_ =	strace $0xD0000000  }
0x3: {  	_ = 	snop  }
0x4: {  	_ = 	snop  }
0x5: {  	_ = 	snop  }
0x6: {  	_ = 	snop  }
0x7: {  	_ = 	snop  }
__scs_overlays_trampoline_lowered:
0x8: {  	[smem:$0x3FAE] =	sst s0  }
0x9: {  	[smem:$0x3FAF] =	sst s1  }
0xa: {  	[smem:$0x3FB0] =	sst s2  }
0xb: {  	[smem:$0x3FB1] =	sst s3  }
0xc: {  	[smem:$0x3FB2] =	sst s4  }
0xd: {  	[smem:$0x3FB3] =	sst s5  }
0xe: {  	[smem:$0x3FB4] =	sst s6  }
0xf: {  	[smem:$0x3FB5] =	sst s7  }
0x10: {  	[smem:$0x3FB6] =	sst s8  }
0x11: {  	[smem:$0x3FB7] =	sst s9;
	s0 =	simm.s32 @!p0 $0x0  }
0x12: {  	s1 =	sld [smem:$0x3F9D];
	s0 =	simm.s32 @p0 $0x1  }
0x13: {  	[smem:$0x3FB8] =	sst s0;
	s0 =	simm.s32 @!p1 $0x0  }
0x14: {  	s2 =	sld [smem:$0x3F9C];
	s0 =	simm.s32 @p1 $0x1  }
0x15: {  	[smem:$0x3FB9] =	sst s0;
	s0 =	simm.s32 @!p2 $0x0  }
0x16: {  	s3 =	sld [smem:$0x3FDB];
	s0 =	simm.s32 @p2 $0x1  }
0x17: {  	s4 =	simm.s32 $0x1BF5;
	[smem:$0x3FBB] =	sst s0  }
0x18: {  	s0 =	sld [smem:$0x3F9E];
	_ =	swait.ge [sflag:s4], $0x0  }
0x19: {  	s7 =	sld [smem:$0x3F9F]  }
0x1a: {  	s8 =	sadd.s32 $0xFFFFE003, lr  }
0x1b: {  	s9 =	sadd.s32 $0xFFFFFEF7, lr;
	s5 =	simm.s32 $0xFFFFFFFF;
	p2 =	slt.u32 s8, $0xFFFFF086  }
0x1c: {  	p1 =	slt.u32 s9, $0xF7A;
	s5 =	simm.s32 @!p2 $0x0  }
0x1d: {  	s5 =	simm.s32 @p1 $0x1;
	p0 =	seq.s32 s7, s2  }
0x1e: {  	s7 =	smul.u32 @!p0 $0xF7A, s2;
	p2 =	seq.s32 @!p0 s5, $0x0  }
0x1f: {  	s9 =	smul.u32 $0xF7A, s1;
	s8 =	simm.s32 @!p0 $0x1BF5;
	p2 =	por !p2, p0  }
0x20: {  	[sflag:s8] =	ssyncset.s32 @!p0 $0xFFFFF086;
	s6 =	sadd.s32 @!p0 s3, s7;
	s7 =	simm.s32 @!p0 $0x108  }
0x21: {  	s3 =	sadd.s32 s3, s9;
	s6 =	sadd.s32 @!p0 $0x88, s6;
	s7 =	simm.s32 @p2 $0x1082  }
0x22: {  	[simem:s7], [sflag:s8] =	dma.local @!p0 [hbm:s6], $0xF7A  }
0x23: {  	s9 =	sor.u32 $0xD0000000, s2;
	s6 =	simm.s32 $0x108;
	_ =	swait.ge @!p0 [sflag:s8], $0x0  }
0x24: {  	s3 =	sadd.s32 $0x88, s3;
	s6 =	simm.s32 @!p1 $0x1082;
	[sflag:s4] =	ssyncset.s32 $0xFFFFF086  }
0x25: {  	[simem:s6], [sflag:s4] =	dma.local [hbm:s3], $0xF7A  }
0x26: {  	[smem:$0x3F9F] =	sst s1;
	(tag) =	ssettag s2;
	_ =	strace s9  }
0x27: {  	s1 =	sld [smem:$0x3FAF]  }
0x28: {  	s2 =	sld [smem:$0x3FB0]  }
0x29: {  	s4 =	sld [smem:$0x3FB2]  }
0x2a: {  	p0 =	seq.s32 s5, $0x0;
	s5 =	sld [smem:$0x3FB3]  }
0x2b: {  	s6 =	sld [smem:$0x3FB4]  }
0x2c: {  	s7 =	sld [smem:$0x3FB5]  }
0x2d: {  	s3 =	simm.s32 $0x108;
	s8 =	sld [smem:$0x3FB6]  }
0x2e: {  	s3 =	simm.s32 @!p0 $0x1082;
	s9 =	sld [smem:$0x3FB7]  }
0x2f: {  	lr =	sadd.s32 s0, s3;
	s0 =	sld [smem:$0x3FAE]  }
0x30: {  	s3 =	sld [smem:$0x3FB1]  }
0x31: {  	[smem:$0x3FBA] =	sst s10  }
0x32: {  	s10 =	sld [smem:$0x3FB8];
	_ =	sdelay $0x3  }
0x33: {  	p0 =	seq.s32 s10, $0x1;
	s10 =	sld [smem:$0x3FBA];
	_ =	sdelay $0x3  }
0x34: {  	[smem:$0x3FBA] =	sst s10  }
0x35: {  	s10 =	sld [smem:$0x3FB9];
	_ =	sdelay $0x3  }
0x36: {  	p1 =	seq.s32 s10, $0x1;
	s10 =	sld [smem:$0x3FBA];
	_ =	sdelay $0x3  }
0x37: {  	[smem:$0x3FBA] =	sst s10  }
0x38: {  	s10 =	sld [smem:$0x3FBB]  }
0x39: {  	_ = 	snop;
	(pc) =	sbr.ind lr, $3  }
0x3a: {  	_ = 	snop  }
0x3b: {  	_ = 	snop  }
0x3c: {  	p2 =	seq.s32 s10, $0x1;
	s10 =	sld [smem:$0x3FBA]  }
0x3d: {  	_ =	shalt  }
0x3e: {  	_ =	shalt  }
0x3f: {  	_ =	shalt  }
0x40: {  	_ =	shalt  }
0x41: {  	_ =	shalt  }
0x42: {  	_ =	shalt  }
0x43: {  	_ =	shalt  }
0x44: {  	_ =	shalt  }
0x45: {  	_ =	shalt  }
0x46: {  	_ =	shalt  }
0x47: {  	_ =	shalt  }
0x48: {  	_ =	shalt  }
0x49: {  	_ =	shalt  }
0x4a: {  	_ =	shalt  }
0x4b: {  	_ =	shalt  }
0x4c: {  	_ =	shalt  }
0x4d: {  	_ =	shalt  }
0x4e: {  	_ =	shalt  }
0x4f: {  	_ =	shalt  }
0x50: {  	_ =	shalt  }
0x51: {  	_ =	shalt  }
0x52: {  	_ =	shalt  }
0x53: {  	_ =	shalt  }
0x54: {  	_ =	shalt  }
0x55: {  	_ =	shalt  }
0x56: {  	_ =	shalt  }
0x57: {  	_ =	shalt  }
0x58: {  	_ =	shalt  }
0x59: {  	_ =	shalt  }
0x5a: {  	_ =	shalt  }
0x5b: {  	_ =	shalt  }
0x5c: {  	_ =	shalt  }
0x5d: {  	_ =	shalt  }
0x5e: {  	_ =	shalt  }
0x5f: {  	_ =	shalt  }
0x60: {  	_ =	shalt  }
0x61: {  	_ =	shalt  }
0x62: {  	_ =	shalt  }
0x63: {  	_ =	shalt  }
0x64: {  	_ =	shalt  }
0x65: {  	_ =	shalt  }
0x66: {  	_ =	shalt  }
0x67: {  	_ =	shalt  }
0x68: {  	_ =	shalt  }
0x69: {  	_ =	shalt  }
0x6a: {  	_ =	shalt  }
0x6b: {  	_ =	shalt  }
0x6c: {  	_ =	shalt  }
0x6d: {  	_ =	shalt  }
0x6e: {  	_ =	shalt  }
0x6f: {  	_ =	shalt  }
0x70: {  	_ =	shalt  }
0x71: {  	_ =	shalt  }
0x72: {  	_ =	shalt  }
0x73: {  	_ =	shalt  }
0x74: {  	_ =	shalt  }
0x75: {  	_ =	shalt  }
0x76: {  	_ =	shalt  }
0x77: {  	_ =	shalt  }
0x78: {  	_ =	shalt  }
0x79: {  	_ =	shalt  }
0x7a: {  	_ =	shalt  }
0x7b: {  	_ =	shalt  }
0x7c: {  	_ =	shalt  }
0x7d: {  	_ =	shalt  }
0x7e: {  	_ =	shalt  }
0x7f: {  	_ =	shalt  }
0x80: {  	_ =	shalt  }
0x81: {  	_ =	shalt  }
0x82: {  	_ =	shalt  }
0x83: {  	_ =	shalt  }
0x84: {  	_ =	shalt  }
0x85: {  	_ =	shalt  }
0x86: {  	_ =	shalt  }
0x87: {  	_ =	shalt  }
.Lfunc_end0:
.L_simem_size_0:
called_computation_lowered:
.L_overlay_start_0:
0x88: {  	s2 =	sld [smem:$0x3FD9]  }
0x89: {  	s3 =	sld [smem:$0x3FFE];
	_ =	sdelay $0x1  }
0x8a: {  	s1 =	srdreg.scid  }
0x8b: {  	s0 =	sand.u32 $0x1, s1  }
0x8c: {  	s17 =	sshll.u32 s0, $0xA;
	s2 =	sadd.s32 s3, s2  }
0x8d: {  	s2 =	sadd.s32 s2, s17  }
0x8e: {  	[smem:$0x3FC6] =	sst s2  }
0x8f: {  	_ = 	snop  }
0x90: {  	s2 =	sld [smem:$0x3FC9]  }
0x91: {  	s18 =	sld [smem:$0x3FD0];
	(tm) =	ssettm $0x1  }
0x92: {  	s4 =	sld [smem:$0x3FFB];
	_ =	sdelay $0x3  }
0x93: {  	_ =	strace s4  }
0x94: {  	s4 =	sld [smem:$0x3FFC];
	_ =	sdelay $0x3  }
0x95: {  	_ =	strace s4  }
0x96: {  	s4 =	sld [smem:$0x3FFD];
	_ =	sdelay $0x3  }
0x97: {  	_ =	strace s4  }
0x98: {  	_ =	strace $0x8FFFFFFF  }
0x99: {  	s19 =	sld [smem:$0x3FDB];
	_ =	sdelay $0x1  }
0x9a: {  	s5 =	simm.s32 $_scs_section_size  }
0x9b: {  	s6 =	simm.s32 $_size__tile_overlayer_lowered;
	s7 =	simm.s32 $_tile_overlayer_lowered  }
0x9c: {  	s22 =	simm.s32 $0x1BFF;
	s21 =	sshll.u32 s7, $0x1;
	s4 =	sadd.s32 s5, s19  }
0x9d: {  	s8 =	simm.s32 $0x0;
	s20 =	sshll.u32 s6, $0x1;
	s6 =	sadd.s32 s21, s4  }
0x9e: {  	[timem:s8], [sflag:s22] =	dma.local [hbm:s6], s20  }
0x9f: {  	_ =	swait.ge [sflag:s22], s20  }
0xa0: {  	s5 =	ssub.s32 $0x0, s20;
	[sflag:s22] =	ssyncset.done $0x0  }
0xa1: {  	[sflag:s22] =	ssyncadd.s32 s5;
	_ =	sdelay $0x1  }
0xa2: {  	s23 =	simm.s32 $0x1B8B  }
0xa3: {  	_ =	swait.ge [sflag:s23], $0x1  }
0xa4: {  	[sflag:s23] =	ssyncset.done $0x0  }
0xa5: {  	s25 =	simm.s32 $0x1B8E;
	s24 =	sld [smem:$0x3FFE];
	[sflag:s23] =	ssyncadd.s32 $0xFFFFFFFF  }
0xa6: {  	s26 =	simm.s32 $execute0_lowered;
	[smem:$0x3FD2] =	sst s25  }
0xa7: {  	s6 =	sshll.u32 s26, $0x1;
	_ =	strace $0x80000046;
	[dreg:$0x1] =	wrdreg $0xFFFFFFFF  }
0xa8: {  	s28 =	simm.s32 $_size_execute0_lowered;
	s4 =	sadd.s32 s4, s6;
	[dreg:$0x0] =	wrdreg $0x0  }
0xa9: {  	s6 =	sshll.u32 s28, $0x1;
	[dreg:$0x2] =	wrdreg s4  }
0xaa: {  	[dreg:$0x3] =	wrdreg s6  }
0xab: {  	[dreg:$0x4] =	wrdreg $0xC0  }
0xac: {  	_ =	task [dreg:s8], $0x5FFFF  }
0xad: {  	[dreg:$0x1] =	wrdreg $0xFFFFFFFF  }
0xae: {  	[dreg:$0x0] =	wrdreg $0x60  }
0xaf: {  	[dreg:$0x2] =	wrdreg s2  }
0xb0: {  	[dreg:$0x3] =	wrdreg s24  }
0xb1: {  	[dreg:$0x4] =	wrdreg s18  }
0xb2: {  	[dreg:$0x5] =	wrdreg $0x9  }
0xb3: {  	_ =	task.clear_ibuf [dreg:s8], $0x6FFFF;
	_ =	strace $0x90000046  }
0xb4: {  	s29 =	simm.s32 $0x9;
	_ =	strace $0x80000048  }
0xb5: {  	_ =	swait.ge [sflag:s29], $0x1  }
0xb6: {  	[sflag:s29] =	ssyncadd.s32 $0xFFFFFFFF  }
0xb7: {  	_ =	strace $0x90000048  }
0xb8: {  	_ =	sfence  }
0xb9: {  	s30 =	sld [smem:$0x0];
	_ =	sdelay $0x2  }
0xba: {  	s31 =	sshll.u32 s1, $0xD;
	s1 =	sshrl.u32 s1, $0x2  }
0xbb: {  	s3 =	sand.u32 $0x4000, s31;
	s1 =	sadd.s32 s1, s30  }
0xbc: {  	s0 =	sor.u32 s3, s0;
	s1 =	sshll.u32 s1, $0x11  }
0xbd: {  	s0 =	sor.u32 s1, s0  }
0xbe: {  	s0 =	sadd.s32 $0x8F2B, s0  }
0xbf: {  	[sflag:s0] =	ssyncadd.remote.s32 $0x1  }
0xc0: {  	_ =	sfence.sel $0xFFFF  }
0xc1: {  	[dreg:$0x0] =	wrdreg $0xFFFFFFFF;
	(pc) =	sbr.abs _section_cstart, $3  }
0xc2: {  	[dreg:$0x1] =	wrdreg $0xFFFFFFFF  }
0xc3: {  	_ =	task.clear_ibuf [dreg:s8], $0x2FFFF;
	_ =	strace $0x9FFFFFFF  }
0xc4: {  	(tm) =	ssettm $0x7FFFFFFF  }
0xc5: {  	_ =	shalt  }
tec
execute0_lowered:
.L_overlay_start_1:
0x0: {  	(tag) =	ssettag $0x1  }
0x1: {  	v0 =	vimm.s32 $0xC3824100;
	vm0 =	vcmask $0xF00  }
0x2: {  	vm10 =	vcmask $0x1310;
	vm9 =	vcmask $0x1714;
	vm8 =	vcmask $0x1B18  }
0x3: {  	vm7 =	vcmask $0x1F1C;
	vm6 =	vcmask $0x2320;
	vm5 =	vcmask $0x2724  }
0x4: {  	vm4 =	vcmask $0x2B28;
	vm3 =	vcmask $0x2F2C;
	vm2 =	vcmask $0x3330  }
0x5: {  	vm1 =	vcmask $0x3734;
	v2 =	vimm.s32 $0x38F;
	vm12 =	vcmask $0x300  }
0x6: {  	vm13 =	vcmask $0x704;
	vm11 =	vcmask $0xB08;
	v3 =	vimm.s32 $0x7C7  }
0x7: {  	v4 =	vimm.s32 $0x39F;
	vm14 =	vcmask $0xF0C;
	v5 =	vimm.s32 $0xBC7  }
0x8: {  	v6 =	vimm.s32 $0x3AF;
	v7 =	vimm.s32 $0xFC7;
	v8 =	vimm.s32 $0x3BF  }
0x9: {  	v9 =	vimm.s32 $0x13C7;
	v10 =	vimm.s32 $0x3CF;
	v11 =	vimm.s32 $0x17C7  }
0xa: {  	v12 =	vimm.s32 $0x3DF;
	v13 =	vimm.s32 $0x1BC7;
	v14 =	vimm.s32 $0x3EF  }
0xb: {  	v15 =	vimm.s32 $0x1FC7;
	v16 =	vimm.s32 $0x3FF;
	v0 =	vunpack.c.0.s8.s32 v0  }
0xc: {  	v2 =	vsel vm12, $0x0, v2;
	v3 =	vsel vm12, $0x400, v3;
	v4 =	vsel vm12, $0x10, v4  }
0xd: {  	v5 =	vsel vm12, $0x800, v5;
	v6 =	vsel vm12, $0x20, v6;
	v7 =	vsel vm12, $0xC00, v7  }
0xe: {  	v8 =	vsel vm12, $0x30, v8;
	v9 =	vsel vm12, $0x1000, v9;
	v10 =	vsel vm12, $0x40, v10  }
0xf: {  	v11 =	vsel vm12, $0x1400, v11;
	v12 =	vsel vm12, $0x50, v12;
	v13 =	vsel vm12, $0x1800, v13  }
0x10: {  	v14 =	vsel vm12, $0x60, v14;
	v15 =	vsel vm12, $0x1C00, v15;
	v16 =	vsel vm12, $0x70, v16  }
0x11: {  	v2 =	vsel vm13, $0x81, v2;
	v3 =	vsel vm13, $0x441, v3;
	v4 =	vsel vm13, $0x91, v4  }
0x12: {  	v5 =	vsel vm13, $0x841, v5;
	v6 =	vsel vm13, $0xA1, v6;
	v7 =	vsel vm13, $0xC41, v7  }
0x13: {  	v8 =	vsel vm13, $0xB1, v8;
	v9 =	vsel vm13, $0x1041, v9;
	v10 =	vsel vm13, $0xC1, v10  }
0x14: {  	v11 =	vsel vm13, $0x1441, v11;
	v12 =	vsel vm13, $0xD1, v12;
	v13 =	vsel vm13, $0x1841, v13  }
0x15: {  	v14 =	vsel vm13, $0xE1, v14;
	v15 =	vsel vm13, $0x1C41, v15;
	v16 =	vsel vm13, $0xF1, v16  }
0x16: {  	v0 =	vand.u32 $0xFF, v0;
	v2 =	vsel vm11, $0x102, v2;
	v3 =	vsel vm11, $0x482, v3  }
0x17: {  	v4 =	vsel vm11, $0x112, v4;
	v5 =	vsel vm11, $0x882, v5;
	v6 =	vsel vm11, $0x122, v6  }
0x18: {  	v7 =	vsel vm11, $0xC82, v7;
	v8 =	vsel vm11, $0x132, v8;
	v9 =	vsel vm11, $0x1082, v9  }
0x19: {  	v10 =	vsel vm11, $0x142, v10;
	v11 =	vsel vm11, $0x1482, v11;
	v12 =	vsel vm11, $0x152, v12  }
0x1a: {  	v13 =	vsel vm11, $0x1882, v13;
	v14 =	vsel vm11, $0x162, v14;
	v15 =	vsel vm11, $0x1C82, v15  }
0x1b: {  	v16 =	vsel vm11, $0x172, v16;
	v0 =	vnsel vm0, $0x3C7, v0;
	vm0 =	vcmask $0x3B38  }
0x1c: {  	v2 =	vsel vm14, $0x183, v2;
	v3 =	vsel vm14, $0x4C3, v3;
	v4 =	vsel vm14, $0x193, v4  }
0x1d: {  	v5 =	vsel vm14, $0x8C3, v5;
	v6 =	vsel vm14, $0x1A3, v6;
	v7 =	vsel vm14, $0xCC3, v7  }
0x1e: {  	v8 =	vsel vm14, $0x1B3, v8;
	v9 =	vsel vm14, $0x10C3, v9;
	v10 =	vsel vm14, $0x1C3, v10  }
0x1f: {  	v11 =	vsel vm14, $0x14C3, v11;
	v12 =	vsel vm14, $0x1D3, v12;
	v13 =	vsel vm14, $0x18C3, v13  }
0x20: {  	v14 =	vsel vm14, $0x1E3, v14;
	v15 =	vsel vm14, $0x1CC3, v15;
	v16 =	vsel vm14, $0x1F3, v16  }
0x21: {  	v0 =	vsel vm10, $0x104, v0;
	v2 =	vsel vm10, $0x204, v2;
	v3 =	vsel vm10, $0x504, v3  }
0x22: {  	v4 =	vsel vm10, $0x214, v4;
	v5 =	vsel vm10, $0x904, v5;
	v6 =	vsel vm10, $0x224, v6  }
0x23: {  	v7 =	vsel vm10, $0xD04, v7;
	v8 =	vsel vm10, $0x234, v8;
	v9 =	vsel vm10, $0x1104, v9  }
0x24: {  	v10 =	vsel vm10, $0x244, v10;
	v11 =	vsel vm10, $0x1504, v11;
	v12 =	vsel vm10, $0x254, v12  }
0x25: {  	v13 =	vsel vm10, $0x1904, v13;
	v14 =	vsel vm10, $0x264, v14;
	v15 =	vsel vm10, $0x1D04, v15  }
0x26: {  	v16 =	vsel vm10, $0x274, v16;
	v0 =	vsel vm9, $0x145, v0;
	v2 =	vsel vm9, $0x285, v2  }
0x27: {  	v3 =	vsel vm9, $0x545, v3;
	v4 =	vsel vm9, $0x295, v4;
	v5 =	vsel vm9, $0x945, v5  }
0x28: {  	v6 =	vsel vm9, $0x2A5, v6;
	v7 =	vsel vm9, $0xD45, v7;
	v8 =	vsel vm9, $0x2B5, v8  }
0x29: {  	v9 =	vsel vm9, $0x1145, v9;
	v10 =	vsel vm9, $0x2C5, v10;
	v11 =	vsel vm9, $0x1545, v11  }
0x2a: {  	v12 =	vsel vm9, $0x2D5, v12;
	v13 =	vsel vm9, $0x1945, v13;
	v14 =	vsel vm9, $0x2E5, v14  }
0x2b: {  	v15 =	vsel vm9, $0x1D45, v15;
	v16 =	vsel vm9, $0x2F5, v16;
	v0 =	vsel vm8, $0x186, v0  }
0x2c: {  	v2 =	vsel vm8, $0x306, v2;
	v3 =	vsel vm8, $0x586, v3;
	v4 =	vsel vm8, $0x316, v4  }
0x2d: {  	v5 =	vsel vm8, $0x986, v5;
	v6 =	vsel vm8, $0x326, v6;
	v7 =	vsel vm8, $0xD86, v7  }
0x2e: {  	v8 =	vsel vm8, $0x336, v8;
	v9 =	vsel vm8, $0x1186, v9;
	v10 =	vsel vm8, $0x346, v10  }
0x2f: {  	v11 =	vsel vm8, $0x1586, v11;
	v12 =	vsel vm8, $0x356, v12;
	v13 =	vsel vm8, $0x1986, v13  }
0x30: {  	v14 =	vsel vm8, $0x366, v14;
	v15 =	vsel vm8, $0x1D86, v15;
	v16 =	vsel vm8, $0x376, v16  }
0x31: {  	v0 =	vsel vm7, $0x1C7, v0;
	v2 =	vsel vm7, $0x387, v2;
	v3 =	vsel vm7, $0x5C7, v3  }
0x32: {  	v4 =	vsel vm7, $0x397, v4;
	v5 =	vsel vm7, $0x9C7, v5;
	v6 =	vsel vm7, $0x3A7, v6  }
0x33: {  	v7 =	vsel vm7, $0xDC7, v7;
	v8 =	vsel vm7, $0x3B7, v8;
	v9 =	vsel vm7, $0x11C7, v9  }
0x34: {  	v10 =	vsel vm7, $0x3C7, v10;
	v11 =	vsel vm7, $0x15C7, v11;
	v12 =	vsel vm7, $0x3D7, v12  }
0x35: {  	v13 =	vsel vm7, $0x19C7, v13;
	v14 =	vsel vm7, $0x3E7, v14;
	v15 =	vsel vm7, $0x1DC7, v15  }
0x36: {  	v16 =	vsel vm7, $0x3F7, v16;
	v0 =	vsel vm6, $0x200, v0;
	v2 =	vsel vm6, $0x8, v2  }
0x37: {  	v3 =	vsel vm6, $0x600, v3;
	v4 =	vsel vm6, $0x18, v4;
	v5 =	vsel vm6, $0xA00, v5  }
0x38: {  	v6 =	vsel vm6, $0x28, v6;
	v7 =	vsel vm6, $0xE00, v7;
	v8 =	vsel vm6, $0x38, v8  }
0x39: {  	v9 =	vsel vm6, $0x1200, v9;
	v10 =	vsel vm6, $0x48, v10;
	v11 =	vsel vm6, $0x1600, v11  }
0x3a: {  	v12 =	vsel vm6, $0x58, v12;
	v13 =	vsel vm6, $0x1A00, v13;
	v14 =	vsel vm6, $0x68, v14  }
0x3b: {  	v15 =	vsel vm6, $0x1E00, v15;
	v16 =	vsel vm6, $0x78, v16;
	v0 =	vsel vm5, $0x241, v0  }
0x3c: {  	v2 =	vsel vm5, $0x89, v2;
	v3 =	vsel vm5, $0x641, v3;
	v4 =	vsel vm5, $0x99, v4  }
0x3d: {  	v5 =	vsel vm5, $0xA41, v5;
	v6 =	vsel vm5, $0xA9, v6;
	v7 =	vsel vm5, $0xE41, v7  }
0x3e: {  	v8 =	vsel vm5, $0xB9, v8;
	v9 =	vsel vm5, $0x1241, v9;
	v10 =	vsel vm5, $0xC9, v10  }
0x3f: {  	v11 =	vsel vm5, $0x1641, v11;
	v12 =	vsel vm5, $0xD9, v12;
	v13 =	vsel vm5, $0x1A41, v13  }
0x40: {  	v14 =	vsel vm5, $0xE9, v14;
	v15 =	vsel vm5, $0x1E41, v15;
	v16 =	vsel vm5, $0xF9, v16  }
0x41: {  	v0 =	vsel vm4, $0x282, v0;
	v2 =	vsel vm4, $0x10A, v2;
	v3 =	vsel vm4, $0x682, v3  }
0x42: {  	v4 =	vsel vm4, $0x11A, v4;
	v5 =	vsel vm4, $0xA82, v5;
	v6 =	vsel vm4, $0x12A, v6  }
0x43: {  	v7 =	vsel vm4, $0xE82, v7;
	v8 =	vsel vm4, $0x13A, v8;
	v9 =	vsel vm4, $0x1282, v9  }
0x44: {  	v10 =	vsel vm4, $0x14A, v10;
	v11 =	vsel vm4, $0x1682, v11;
	v12 =	vsel vm4, $0x15A, v12  }
0x45: {  	v13 =	vsel vm4, $0x1A82, v13;
	v14 =	vsel vm4, $0x16A, v14;
	v15 =	vsel vm4, $0x1E82, v15  }
0x46: {  	v16 =	vsel vm4, $0x17A, v16;
	v0 =	vsel vm3, $0x2C3, v0;
	v2 =	vsel vm3, $0x18B, v2  }
0x47: {  	v3 =	vsel vm3, $0x6C3, v3;
	v4 =	vsel vm3, $0x19B, v4;
	v5 =	vsel vm3, $0xAC3, v5  }
0x48: {  	v6 =	vsel vm3, $0x1AB, v6;
	v7 =	vsel vm3, $0xEC3, v7;
	v8 =	vsel vm3, $0x1BB, v8  }
0x49: {  	v9 =	vsel vm3, $0x12C3, v9;
	v10 =	vsel vm3, $0x1CB, v10;
	v11 =	vsel vm3, $0x16C3, v11  }
0x4a: {  	v12 =	vsel vm3, $0x1DB, v12;
	v13 =	vsel vm3, $0x1AC3, v13;
	v14 =	vsel vm3, $0x1EB, v14  }
0x4b: {  	v15 =	vsel vm3, $0x1EC3, v15;
	v1 =	vsel vm2, $0x304, v0;
	v0 =	vlaneseq.u32  }
0x4c: {  	v2 =	vsel vm2, $0x20C, v2;
	v3 =	vsel vm2, $0x704, v3;
	v4 =	vsel vm2, $0x21C, v4  }
0x4d: {  	v5 =	vsel vm2, $0xB04, v5;
	v6 =	vsel vm2, $0x22C, v6;
	v7 =	vsel vm2, $0xF04, v7  }
0x4e: {  	v8 =	vsel vm2, $0x23C, v8;
	v9 =	vsel vm2, $0x1304, v9;
	v10 =	vsel vm2, $0x24C, v10  }
0x4f: {  	v11 =	vsel vm2, $0x1704, v11;
	v12 =	vsel vm2, $0x25C, v12;
	v13 =	vsel vm2, $0x1B04, v13  }
0x50: {  	v14 =	vsel vm2, $0x26C, v14;
	v1 =	vsel vm1, $0x345, v1;
	v2 =	vsel vm1, $0x28D, v2  }
0x51: {  	v3 =	vsel vm1, $0x745, v3;
	v4 =	vsel vm1, $0x29D, v4;
	v5 =	vsel vm1, $0xB45, v5  }
0x52: {  	v6 =	vsel vm1, $0x2AD, v6;
	v7 =	vsel vm1, $0xF45, v7;
	v8 =	vsel vm1, $0x2BD, v8  }
0x53: {  	v9 =	vsel vm1, $0x1345, v9;
	v10 =	vsel vm1, $0x2CD, v10;
	v11 =	vsel vm1, $0x1745, v11  }
0x54: {  	v12 =	vsel vm1, $0x2DD, v12;
	v13 =	vsel vm1, $0x1B45, v13;
	v17 =	vsel vm1, $0x2ED, v14  }
0x55: {  	s6 =	rddreg [dreg:$0x0];
	v14 =	vsel vm2, $0x1F04, v15;
	v15 =	vsel vm3, $0x1FB, v16;
	v19 =	vor.u32 $0x10, v0  }
0x56: {  	s4 =	rddreg [dreg:$0x1];
	s1 =	srdreg.scid;
	v21 =	vor.u32 $0x20, v0;
	v23 =	vor.u32 $0x30, v0;
	v25 =	vor.u32 $0x40, v0  }
0x57: {  	s0 =	stileid.u32;
	s2 =	rddreg [dreg:$0x2];
	s3 =	simm.s32 $0x0;
	v27 =	vor.u32 $0x50, v0;
	v29 =	vor.u32 $0x60, v0;
	v31 =	vor.u32 $0x70, v0  }
0x58: {  	s11 =	simm.s32 $0x6400;
	s12 =	simm.s32 $0x8400;
	s13 =	simm.s32 $0x400;
	v1 =	vsel vm0, $0x386, v1;
	v2 =	vsel vm0, $0x30E, v2;
	v3 =	vsel vm0, $0x786, v3  }
0x59: {  	s14 =	simm.s32 $0x8000;
	s15 =	simm.s32 $0x3;
	s16 =	simm.s32 $0x4;
	v4 =	vsel vm0, $0x31E, v4;
	v5 =	vsel vm0, $0xB86, v5;
	v6 =	vsel vm0, $0x32E, v6  }
0x5a: {  	s5 =	sand.u32 $0x1, s1;
	s7 =	sshll.u32 s0, $0x1;
	s1 =	rddreg [dreg:$0x3];
	v7 =	vsel vm0, $0xF86, v7;
	v8 =	vsel vm0, $0x33E, v8;
	v9 =	vsel vm0, $0x1386, v9  }
0x5b: {  	s17 =	simm.s32 $0x0;
	[smem:$0x7FF] =	sst s3;
	s7 =	sor.u32 s5, s7;
	v10 =	vsel vm0, $0x34E, v10;
	v11 =	vsel vm0, $0x1786, v11;
	v12 =	vsel vm0, $0x35E, v12  }
0x5c: {  	s4 =	sadd.s32 $0x400, s4;
	s5 =	ssub.s32 $0x2, s5;
	s8 =	smul.u32 $0xC800, s7;
	v16 =	vsel vm1, $0x1F45, v14;
	v18 =	vsel vm2, $0x27C, v15;
	v14 =	vmul.u32 $0x40, v0  }
0x5d: {  	_ =	strace $0x80000047;
	s9 =	smul.u32 $0x1900, s7;
	s10 =	sshrl.u32 s5, $0x1;
	v13 =	vsel vm0, $0x1B86, v13;
	v15 =	vsel vm0, $0x36E, v17;
	v17 =	vsel vm1, $0x2FD, v18  }
0x5e: {  	s7 =	smul.u32 $0xC8, s7;
	s10 =	ssub.s32 s5, s10;
	s8 =	sshrl.u32 s8, $0x3;
	v16 =	vsel vm0, $0x1F86, v16;
	v17 =	vsel vm0, $0x37E, v17;
	v18 =	vor.u32 $0x400, v14  }
0x5f: {  	s5 =	sadd.s32 s6, s9;
	s9 =	simm.s32 $0x5;
	s6 =	sadd.s32 s6, s8;
	v20 =	vor.u32 $0x800, v14;
	v22 =	vor.u32 $0xC00, v14;
	v24 =	vor.u32 $0x1000, v14  }
0x60: {  	s8 =	smax.u32 s10, $0x1;
	s10 =	simm.s32 $0x80;
	s6 =	sadd.s32 $0xC80, s6;
	v26 =	vor.u32 $0x1400, v14;
	v28 =	vor.u32 $0x1800, v14;
	v30 =	vor.u32 $0x1C00, v14  }
.LBB2_1:
0x61: {  	[tilespmem:s3], [sflag:$0x5] =	stream.linear.gather [hbm4b:s5+s3], $0x6400, $0x38;
	[tilespmem:$0x12400] =	vst v63  }
0x62: {  	_ =	swait.ge [sflag:s9], $0x6400  }
0x63: {  	[sflag:s9] =	ssyncset.done $0x0  }
0x64: {  	[sflag:s9] =	ssyncadd.s32 $0xFFFF9C00  }
0x65: {  	[tilespmem:s11], [sflag:$0x1] =	stream.indirect.gather [hbm4b:s4+s10], $0x40, s3, s10, $0xb8;
	[tilespmem:$0x12400] =	vst v63  }
0x66: {  	s18 =	simm.s32 $0x0  }
0x67: {  	[tilespmem:s12], [sflag:$0x1] =	stream.indirect.gather [hbm4b:s4+s10], $0x40, s10, s10, $0xb8;
	[tilespmem:$0x12400] =	vst v63  }
.LBB2_2:
0x68: {  	p0 =	seq.s32 s18, $0x63  }
0x69: {  	p1 =	seq.s32 @!p0 s18, $0xC7  }
0x6a: {  	p0 =	por p1, p0  }
0x6b: {  	s19 =	sshll.u32 @!p0 s18, $0x1  }
0x6c: {  	s21 =	sadd.s32 @!p0 $0x2, s19  }
0x6d: {  	s19 =	sand.u32 @!p0 $0xFFFE, s21  }
0x6e: {  	s19 =	smul.u32 @!p0 $0x147B, s19;
	_ =	sdelay $0x1  }
0x6f: {  	s20 =	sshrl.u32 @!p0 s19, $0x14  }
0x70: {  	s22 =	smul.u32 @!p0 $0xC8, s20  }
0x71: {  	s19 =	sand.u32 $0x1, s18  }
0x72: {  	s20 =	sxor.u32 $0x1, s19;
	s21 =	ssub.s32 @!p0 s21, s22  }
0x73: {  	s25 =	simm.s32 @!p0 $0x80;
	s22 =	sshll.u32 @!p0 s20, $0xE;
	s21 =	sand.u32 @!p0 $0xFFFE, s21  }
0x74: {  	s24 =	sadd.s32 @!p0 $0x1, s20;
	s23 =	sadd.s32 @!p0 $0x6400, s22;
	s21 =	sshll.u32 @!p0 s21, $0x7  }
0x75: {  	[tilespmem:s23], [sflag:s24] =	stream.indirect.gather @!p0 [hbm4b:s4+s25], $0x40, s21, s25, $0xb8;
	[tilespmem:$0x12400] =	vst v63  }
0x76: {  	s31 =	sadd.s32 $0x1, s19;
	s22 =	sor.u32 @!p0 $0x8400, s22;
	s21 =	sor.u32 @!p0 $0x80, s21  }
0x77: {  	[tilespmem:s22], [sflag:s24] =	stream.indirect.gather @!p0 [hbm4b:s4+s25], $0x40, s21, s25, $0xb8;
	[tilespmem:$0x12400] =	vst v63  }
0x78: {  	p0 =	sne.s32 s18, $0x63;
	_ =	swait.ge [sflag:s31], $0x2000  }
.Ltmp0:
0x79: {  	[sflag:s31] =	ssyncset.done $0x0;
	(pc) =	sbr.rel @p0 .LBB2_4-.Ltmp0, $4  }
0x7a: {  	[sflag:s31] =	ssyncadd.s32 $0xFFFFE000  }
0x7b: {  	_ =	swait.ge [sflag:s31], $0x2000  }
0x7c: {  	[sflag:s31] =	ssyncset.done $0x0  }
0x7d: {  	[sflag:s31] =	ssyncadd.s32 $0xFFFFE000  }
0x7e: {  	[tilespmem:s3], [sflag:$0x5] =	stream.linear.gather [hbm4b:s6+s3], $0x6400, $0x38;
	[tilespmem:$0x12400] =	vst v63  }
0x7f: {  	_ =	swait.ge [sflag:s9], $0x6400  }
.Ltmp1:
0x80: {  	[sflag:s9] =	ssyncset.done $0x0;
	(pc) =	sbr.rel .LBB2_5-.Ltmp1, $4  }
0x81: {  	s20 =	sadd.s32 $0x1, s20;
	[sflag:s9] =	ssyncadd.s32 $0xFFFF9C00  }
0x82: {  	[tilespmem:s11], [sflag:s20] =	stream.indirect.gather [hbm4b:s4+s10], $0x40, s3, s10, $0xb8;
	[tilespmem:$0x12400] =	vst v63  }
0x83: {  	_ = 	snop  }
0x84: {  	[tilespmem:s12], [sflag:s20] =	stream.indirect.gather [hbm4b:s4+s10], $0x40, s10, s10, $0xb8;
	[tilespmem:$0x12400] =	vst v63  }
.LBB2_4:
0x85: {  	p0 =	slt.u32 s18, $0x2  }
.Ltmp2:
0x86: {  	_ = 	snop;
	(pc) =	sbr.rel @p0 .LBB2_6-.Ltmp2, $1  }
0x87: {  	_ =	sdelay $0x3  }
.LBB2_5:
0x88: {  	s20 =	sadd.s32 $0x3, s19  }
0x89: {  	_ =	swait.ge [sflag:s20], $0x2000  }
0x8a: {  	[sflag:s20] =	ssyncset.done $0x0  }
0x8b: {  	[sflag:s20] =	ssyncadd.s32 $0xFFFFE000  }
.LBB2_6:
0x8c: {  	s20 =	sshll.u32 s19, $0xE  }
0x8d: {  	s23 =	sshll.u32 s19, $0xD;
	s21 =	sadd.s32 $0x6400, s20  }
0x8e: {  	s22 =	sor.u32 $0x8400, s20;
	s20 =	sadd.s32 $0xE400, s23;
	s23 =	simm.s32 $0x0  }
.LBB2_7:
0x8f: {  	v32 =	vadd.s32 s23, v0  }
0x90: {  	s24 =	sand.u32 $0x30, s23;
	v32 =	vand.u32 $0xF, v32  }
0x91: {  	v32 =	vor.u32 s24, v32  }
0x92: {  	v33 =	vand.u32 $0x38, v32  }
0x93: {  	v34 =	vor.u32 v1, v33;
	_ =	sdelay $0x4  }
0x94: {  	v35 =	vld.idx.msk [tilespmem:v34+s21+$0x0], $0xffff  }
0x95: {  	v32 =	vshll.u32 v32, $0x7;
	v34 =	vld.idx.msk [tilespmem:v34+s22+$0x0], $0xffff  }
0x96: {  	v32 =	vand.u32 $0x1C00, v32  }
0x97: {  	v36 =	vor.u32 v2, v32  }
0x98: {  	v37 =	vor.u32 v3, v33;
	_ =	sdelay $0x1  }
0x99: {  	v34 =	vadd.f32 v34, v35;
	_ =	sdelay $0x1  }
0x9a: {  	[tilespmem:v36+s20+$0x0] =	vst.idx.msk $0xffff, v34  }
0x9b: {  	v34 =	vld.idx.msk [tilespmem:v37+s21+$0x0], $0xffff  }
0x9c: {  	v43 =	vld.idx.msk [tilespmem:v37+s22+$0x0], $0xffff;
	_ =	sdelay $0x1  }
0x9d: {  	v44 =	vor.u32 v4, v32  }
0x9e: {  	v45 =	vor.u32 v5, v33;
	_ =	sdelay $0x1  }
0x9f: {  	v34 =	vadd.f32 v43, v34;
	_ =	sdelay $0x1  }
0xa0: {  	[tilespmem:v44+s20+$0x0] =	vst.idx.msk $0xffff, v34  }
0xa1: {  	v34 =	vld.idx.msk [tilespmem:v45+s21+$0x0], $0xffff  }
0xa2: {  	v46 =	vld.idx.msk [tilespmem:v45+s22+$0x0], $0xffff;
	_ =	sdelay $0x1  }
0xa3: {  	v47 =	vor.u32 v6, v32  }
0xa4: {  	v48 =	vor.u32 v7, v33;
	_ =	sdelay $0x1  }
0xa5: {  	v34 =	vadd.f32 v46, v34;
	_ =	sdelay $0x1  }
0xa6: {  	[tilespmem:v47+s20+$0x0] =	vst.idx.msk $0xffff, v34  }
0xa7: {  	v34 =	vld.idx.msk [tilespmem:v48+s21+$0x0], $0xffff  }
0xa8: {  	v49 =	vld.idx.msk [tilespmem:v48+s22+$0x0], $0xffff;
	_ =	sdelay $0x1  }
0xa9: {  	v50 =	vor.u32 v8, v32  }
0xaa: {  	v51 =	vor.u32 v9, v33;
	_ =	sdelay $0x1  }
0xab: {  	v34 =	vadd.f32 v49, v34;
	_ =	sdelay $0x1  }
0xac: {  	[tilespmem:v50+s20+$0x0] =	vst.idx.msk $0xffff, v34  }
0xad: {  	v34 =	vld.idx.msk [tilespmem:v51+s21+$0x0], $0xffff  }
0xae: {  	v52 =	vld.idx.msk [tilespmem:v51+s22+$0x0], $0xffff;
	_ =	sdelay $0x1  }
0xaf: {  	v53 =	vor.u32 v10, v32  }
0xb0: {  	v54 =	vor.u32 v11, v33;
	_ =	sdelay $0x1  }
0xb1: {  	v34 =	vadd.f32 v52, v34;
	_ =	sdelay $0x1  }
0xb2: {  	[tilespmem:v53+s20+$0x0] =	vst.idx.msk $0xffff, v34  }
0xb3: {  	v34 =	vld.idx.msk [tilespmem:v54+s21+$0x0], $0xffff  }
0xb4: {  	v55 =	vld.idx.msk [tilespmem:v54+s22+$0x0], $0xffff;
	_ =	sdelay $0x1  }
0xb5: {  	v56 =	vor.u32 v12, v32  }
0xb6: {  	v57 =	vor.u32 v13, v33;
	_ =	sdelay $0x1  }
0xb7: {  	v34 =	vadd.f32 v55, v34;
	_ =	sdelay $0x1  }
0xb8: {  	[tilespmem:v56+s20+$0x0] =	vst.idx.msk $0xffff, v34  }
0xb9: {  	v34 =	vld.idx.msk [tilespmem:v57+s21+$0x0], $0xffff  }
0xba: {  	v58 =	vld.idx.msk [tilespmem:v57+s22+$0x0], $0xffff;
	_ =	sdelay $0x1  }
0xbb: {  	v59 =	vor.u32 v15, v32  }
0xbc: {  	v33 =	vor.u32 v16, v33;
	_ =	sdelay $0x1  }
0xbd: {  	v34 =	vadd.f32 v58, v34  }
0xbe: {  	s25 =	sadd.s32 $0x1, s23  }
0xbf: {  	v60 =	vadd.s32 s25, v0;
	[tilespmem:v59+s20+$0x0] =	vst.idx.msk $0xffff, v34  }
0xc0: {  	v62 =	vand.u32 $0xF, v60;
	v61 =	vld.idx.msk [tilespmem:v33+s21+$0x0], $0xffff  }
0xc1: {  	v36 =	vor.u32 s24, v62;
	v33 =	vld.idx.msk [tilespmem:v33+s22+$0x0], $0xffff  }
0xc2: {  	v38 =	vand.u32 $0x7, v60;
	v63 =	vand.u32 $0x38, v36  }
0xc3: {  	v32 =	vor.u32 v17, v32;
	v37 =	vor.u32 v38, v63  }
0xc4: {  	v38 =	vor.u32 v14, v37;
	_ =	sdelay $0x1  }
0xc5: {  	v33 =	vadd.f32 v33, v61;
	_ =	sdelay $0x1  }
0xc6: {  	[tilespmem:v32+s20+$0x0] =	vst.idx.msk $0xffff, v33  }
0xc7: {  	v39 =	vshll.u32 v36, $0x7;
	v34 =	vshll.u32 v60, $0x7;
	v32 =	vld.idx.msk [tilespmem:v38+s21+$0x0], $0xffff  }
0xc8: {  	v34 =	vand.u32 $0x380, v34;
	v33 =	vand.u32 $0x1C00, v39;
	v40 =	vld.idx.msk [tilespmem:v38+s22+$0x0], $0xffff  }
0xc9: {  	v33 =	vor.u32 v34, v33  }
0xca: {  	v34 =	vor.u32 v0, v33  }
0xcb: {  	v41 =	vor.u32 v18, v37;
	_ =	sdelay $0x1  }
0xcc: {  	v32 =	vadd.f32 v40, v32;
	_ =	sdelay $0x1  }
0xcd: {  	[tilespmem:v34+s20+$0x0] =	vst.idx.msk $0xffff, v32  }
0xce: {  	v32 =	vld.idx.msk [tilespmem:v41+s21+$0x0], $0xffff  }
0xcf: {  	v34 =	vld.idx.msk [tilespmem:v41+s22+$0x0], $0xffff;
	_ =	sdelay $0x1  }
0xd0: {  	v42 =	vor.u32 v19, v33  }
0xd1: {  	v43 =	vor.u32 v20, v37;
	_ =	sdelay $0x1  }
0xd2: {  	v32 =	vadd.f32 v34, v32;
	_ =	sdelay $0x1  }
0xd3: {  	[tilespmem:v42+s20+$0x0] =	vst.idx.msk $0xffff, v32  }
0xd4: {  	v32 =	vld.idx.msk [tilespmem:v43+s21+$0x0], $0xffff  }
0xd5: {  	v44 =	vld.idx.msk [tilespmem:v43+s22+$0x0], $0xffff;
	_ =	sdelay $0x1  }
0xd6: {  	v45 =	vor.u32 v21, v33  }
0xd7: {  	v46 =	vor.u32 v22, v37;
	_ =	sdelay $0x1  }
0xd8: {  	v32 =	vadd.f32 v44, v32;
	_ =	sdelay $0x1  }
0xd9: {  	[tilespmem:v45+s20+$0x0] =	vst.idx.msk $0xffff, v32  }
0xda: {  	v32 =	vld.idx.msk [tilespmem:v46+s21+$0x0], $0xffff  }
0xdb: {  	v47 =	vld.idx.msk [tilespmem:v46+s22+$0x0], $0xffff;
	_ =	sdelay $0x1  }
0xdc: {  	v48 =	vor.u32 v23, v33  }
0xdd: {  	v49 =	vor.u32 v24, v37;
	_ =	sdelay $0x1  }
0xde: {  	v32 =	vadd.f32 v47, v32;
	_ =	sdelay $0x1  }
0xdf: {  	[tilespmem:v48+s20+$0x0] =	vst.idx.msk $0xffff, v32  }
0xe0: {  	v32 =	vld.idx.msk [tilespmem:v49+s21+$0x0], $0xffff  }
0xe1: {  	v50 =	vld.idx.msk [tilespmem:v49+s22+$0x0], $0xffff;
	_ =	sdelay $0x1  }
0xe2: {  	v51 =	vor.u32 v25, v33  }
0xe3: {  	v52 =	vor.u32 v26, v37;
	_ =	sdelay $0x1  }
0xe4: {  	v32 =	vadd.f32 v50, v32;
	_ =	sdelay $0x1  }
0xe5: {  	[tilespmem:v51+s20+$0x0] =	vst.idx.msk $0xffff, v32  }
0xe6: {  	v32 =	vld.idx.msk [tilespmem:v52+s21+$0x0], $0xffff  }
0xe7: {  	v53 =	vld.idx.msk [tilespmem:v52+s22+$0x0], $0xffff;
	_ =	sdelay $0x1  }
0xe8: {  	v54 =	vor.u32 v27, v33  }
0xe9: {  	v55 =	vor.u32 v28, v37;
	_ =	sdelay $0x1  }
0xea: {  	v32 =	vadd.f32 v53, v32;
	_ =	sdelay $0x1  }
0xeb: {  	[tilespmem:v54+s20+$0x0] =	vst.idx.msk $0xffff, v32  }
0xec: {  	v32 =	vld.idx.msk [tilespmem:v55+s21+$0x0], $0xffff  }
0xed: {  	v56 =	vld.idx.msk [tilespmem:v55+s22+$0x0], $0xffff;
	_ =	sdelay $0x1  }
0xee: {  	v57 =	vor.u32 v29, v33  }
0xef: {  	v58 =	vor.u32 v30, v37;
	_ =	sdelay $0x1  }
0xf0: {  	v32 =	vadd.f32 v56, v32  }
0xf1: {  	s31 =	sadd.s32 $0x2, s23  }
0xf2: {  	v59 =	vadd.s32 s31, v0;
	[tilespmem:v57+s20+$0x0] =	vst.idx.msk $0xffff, v32  }
0xf3: {  	v61 =	vand.u32 $0xF, v59;
	v60 =	vld.idx.msk [tilespmem:v58+s21+$0x0], $0xffff  }
0xf4: {  	v35 =	vor.u32 s24, v61;
	v36 =	vld.idx.msk [tilespmem:v58+s22+$0x0], $0xffff  }
0xf5: {  	v63 =	vand.u32 $0x7, v59;
	v62 =	vand.u32 $0x38, v35  }
0xf6: {  	v37 =	vor.u32 v63, v62;
	v33 =	vor.u32 v31, v33  }
0xf7: {  	v38 =	vor.u32 v14, v37;
	_ =	sdelay $0x1  }
0xf8: {  	v34 =	vadd.f32 v36, v60;
	_ =	sdelay $0x1  }
0xf9: {  	[tilespmem:v33+s20+$0x0] =	vst.idx.msk $0xffff, v34  }
0xfa: {  	v39 =	vshll.u32 v35, $0x7;
	v32 =	vshll.u32 v59, $0x7;
	v33 =	vld.idx.msk [tilespmem:v38+s21+$0x0], $0xffff  }
0xfb: {  	v32 =	vand.u32 $0x380, v32;
	v34 =	vand.u32 $0x1C00, v39;
	v40 =	vld.idx.msk [tilespmem:v38+s22+$0x0], $0xffff  }
0xfc: {  	v32 =	vor.u32 v32, v34  }
0xfd: {  	v34 =	vor.u32 v0, v32  }
0xfe: {  	v41 =	vor.u32 v18, v37;
	_ =	sdelay $0x1  }
0xff: {  	v33 =	vadd.f32 v40, v33;
	_ =	sdelay $0x1  }
0x100: {  	[tilespmem:v34+s20+$0x0] =	vst.idx.msk $0xffff, v33  }
0x101: {  	v33 =	vld.idx.msk [tilespmem:v41+s21+$0x0], $0xffff  }
0x102: {  	v34 =	vld.idx.msk [tilespmem:v41+s22+$0x0], $0xffff;
	_ =	sdelay $0x1  }
0x103: {  	v42 =	vor.u32 v19, v32  }
0x104: {  	v43 =	vor.u32 v20, v37;
	_ =	sdelay $0x1  }
0x105: {  	v33 =	vadd.f32 v34, v33;
	_ =	sdelay $0x1  }
0x106: {  	[tilespmem:v42+s20+$0x0] =	vst.idx.msk $0xffff, v33  }
0x107: {  	v33 =	vld.idx.msk [tilespmem:v43+s21+$0x0], $0xffff  }
0x108: {  	v44 =	vld.idx.msk [tilespmem:v43+s22+$0x0], $0xffff;
	_ =	sdelay $0x1  }
0x109: {  	v45 =	vor.u32 v21, v32  }
0x10a: {  	v46 =	vor.u32 v22, v37;
	_ =	sdelay $0x1  }
0x10b: {  	v33 =	vadd.f32 v44, v33;
	_ =	sdelay $0x1  }
0x10c: {  	[tilespmem:v45+s20+$0x0] =	vst.idx.msk $0xffff, v33  }
0x10d: {  	v33 =	vld.idx.msk [tilespmem:v46+s21+$0x0], $0xffff  }
0x10e: {  	v47 =	vld.idx.msk [tilespmem:v46+s22+$0x0], $0xffff;
	_ =	sdelay $0x1  }
0x10f: {  	v48 =	vor.u32 v23, v32  }
0x110: {  	v49 =	vor.u32 v24, v37;
	_ =	sdelay $0x1  }
0x111: {  	v33 =	vadd.f32 v47, v33;
	_ =	sdelay $0x1  }
0x112: {  	[tilespmem:v48+s20+$0x0] =	vst.idx.msk $0xffff, v33  }
0x113: {  	v33 =	vld.idx.msk [tilespmem:v49+s21+$0x0], $0xffff  }
0x114: {  	v50 =	vld.idx.msk [tilespmem:v49+s22+$0x0], $0xffff;
	_ =	sdelay $0x1  }
0x115: {  	v51 =	vor.u32 v25, v32  }
0x116: {  	v52 =	vor.u32 v26, v37;
	_ =	sdelay $0x1  }
0x117: {  	v33 =	vadd.f32 v50, v33;
	_ =	sdelay $0x1  }
0x118: {  	[tilespmem:v51+s20+$0x0] =	vst.idx.msk $0xffff, v33  }
0x119: {  	v33 =	vld.idx.msk [tilespmem:v52+s21+$0x0], $0xffff  }
0x11a: {  	v53 =	vld.idx.msk [tilespmem:v52+s22+$0x0], $0xffff;
	_ =	sdelay $0x1  }
0x11b: {  	v54 =	vor.u32 v27, v32  }
0x11c: {  	v55 =	vor.u32 v28, v37;
	_ =	sdelay $0x1  }
0x11d: {  	v33 =	vadd.f32 v53, v33;
	_ =	sdelay $0x1  }
0x11e: {  	[tilespmem:v54+s20+$0x0] =	vst.idx.msk $0xffff, v33  }
0x11f: {  	v33 =	vld.idx.msk [tilespmem:v55+s21+$0x0], $0xffff  }
0x120: {  	v56 =	vld.idx.msk [tilespmem:v55+s22+$0x0], $0xffff;
	_ =	sdelay $0x1  }
0x121: {  	v57 =	vor.u32 v29, v32  }
0x122: {  	v58 =	vor.u32 v30, v37;
	_ =	sdelay $0x1  }
0x123: {  	v33 =	vadd.f32 v56, v33  }
0x124: {  	s26 =	sadd.s32 $0x3, s23  }
0x125: {  	v59 =	vadd.s32 s26, v0;
	[tilespmem:v57+s20+$0x0] =	vst.idx.msk $0xffff, v33  }
0x126: {  	v61 =	vand.u32 $0xF, v59;
	v60 =	vld.idx.msk [tilespmem:v58+s21+$0x0], $0xffff  }
0x127: {  	v35 =	vor.u32 s24, v61;
	v36 =	vld.idx.msk [tilespmem:v58+s22+$0x0], $0xffff  }
0x128: {  	v63 =	vand.u32 $0x7, v59;
	v62 =	vand.u32 $0x38, v35  }
0x129: {  	v37 =	vor.u32 v63, v62;
	v32 =	vor.u32 v31, v32  }
0x12a: {  	v38 =	vor.u32 v14, v37;
	_ =	sdelay $0x1  }
0x12b: {  	v34 =	vadd.f32 v36, v60;
	_ =	sdelay $0x1  }
0x12c: {  	[tilespmem:v32+s20+$0x0] =	vst.idx.msk $0xffff, v34  }
0x12d: {  	v39 =	vshll.u32 v35, $0x7;
	v33 =	vshll.u32 v59, $0x7;
	v32 =	vld.idx.msk [tilespmem:v38+s21+$0x0], $0xffff  }
0x12e: {  	v33 =	vand.u32 $0x380, v33;
	v34 =	vand.u32 $0x1C00, v39;
	v40 =	vld.idx.msk [tilespmem:v38+s22+$0x0], $0xffff  }
0x12f: {  	v33 =	vor.u32 v33, v34  }
0x130: {  	v34 =	vor.u32 v0, v33  }
0x131: {  	v41 =	vor.u32 v18, v37;
	_ =	sdelay $0x1  }
0x132: {  	v32 =	vadd.f32 v40, v32;
	_ =	sdelay $0x1  }
0x133: {  	[tilespmem:v34+s20+$0x0] =	vst.idx.msk $0xffff, v32  }
0x134: {  	v32 =	vld.idx.msk [tilespmem:v41+s21+$0x0], $0xffff  }
0x135: {  	v34 =	vld.idx.msk [tilespmem:v41+s22+$0x0], $0xffff;
	_ =	sdelay $0x1  }
0x136: {  	v42 =	vor.u32 v19, v33  }
0x137: {  	v43 =	vor.u32 v20, v37;
	_ =	sdelay $0x1  }
0x138: {  	v32 =	vadd.f32 v34, v32;
	_ =	sdelay $0x1  }
0x139: {  	[tilespmem:v42+s20+$0x0] =	vst.idx.msk $0xffff, v32  }
0x13a: {  	v32 =	vld.idx.msk [tilespmem:v43+s21+$0x0], $0xffff  }
0x13b: {  	v44 =	vld.idx.msk [tilespmem:v43+s22+$0x0], $0xffff;
	_ =	sdelay $0x1  }
0x13c: {  	v45 =	vor.u32 v21, v33  }
0x13d: {  	v46 =	vor.u32 v22, v37;
	_ =	sdelay $0x1  }
0x13e: {  	v32 =	vadd.f32 v44, v32;
	_ =	sdelay $0x1  }
0x13f: {  	[tilespmem:v45+s20+$0x0] =	vst.idx.msk $0xffff, v32  }
0x140: {  	v32 =	vld.idx.msk [tilespmem:v46+s21+$0x0], $0xffff  }
0x141: {  	v47 =	vld.idx.msk [tilespmem:v46+s22+$0x0], $0xffff;
	_ =	sdelay $0x1  }
0x142: {  	v48 =	vor.u32 v23, v33  }
0x143: {  	v49 =	vor.u32 v24, v37;
	_ =	sdelay $0x1  }
0x144: {  	v32 =	vadd.f32 v47, v32;
	_ =	sdelay $0x1  }
0x145: {  	[tilespmem:v48+s20+$0x0] =	vst.idx.msk $0xffff, v32  }
0x146: {  	v32 =	vld.idx.msk [tilespmem:v49+s21+$0x0], $0xffff  }
0x147: {  	v50 =	vld.idx.msk [tilespmem:v49+s22+$0x0], $0xffff;
	_ =	sdelay $0x1  }
0x148: {  	v51 =	vor.u32 v25, v33  }
0x149: {  	v52 =	vor.u32 v26, v37;
	_ =	sdelay $0x1  }
0x14a: {  	v32 =	vadd.f32 v50, v32;
	_ =	sdelay $0x1  }
0x14b: {  	[tilespmem:v51+s20+$0x0] =	vst.idx.msk $0xffff, v32  }
0x14c: {  	v32 =	vld.idx.msk [tilespmem:v52+s21+$0x0], $0xffff  }
0x14d: {  	v53 =	vld.idx.msk [tilespmem:v52+s22+$0x0], $0xffff;
	_ =	sdelay $0x1  }
0x14e: {  	v54 =	vor.u32 v27, v33  }
0x14f: {  	v55 =	vor.u32 v28, v37;
	_ =	sdelay $0x1  }
0x150: {  	v32 =	vadd.f32 v53, v32;
	_ =	sdelay $0x1  }
0x151: {  	[tilespmem:v54+s20+$0x0] =	vst.idx.msk $0xffff, v32  }
0x152: {  	v32 =	vld.idx.msk [tilespmem:v55+s21+$0x0], $0xffff  }
0x153: {  	v56 =	vld.idx.msk [tilespmem:v55+s22+$0x0], $0xffff;
	_ =	sdelay $0x1  }
0x154: {  	v57 =	vor.u32 v29, v33  }
0x155: {  	v58 =	vor.u32 v30, v37;
	_ =	sdelay $0x1  }
0x156: {  	v32 =	vadd.f32 v56, v32  }
0x157: {  	s28 =	sadd.s32 $0x4, s23  }
0x158: {  	v59 =	vadd.s32 s28, v0;
	[tilespmem:v57+s20+$0x0] =	vst.idx.msk $0xffff, v32  }
0x159: {  	v61 =	vand.u32 $0xF, v59;
	v60 =	vld.idx.msk [tilespmem:v58+s21+$0x0], $0xffff  }
0x15a: {  	v35 =	vor.u32 s24, v61;
	v36 =	vld.idx.msk [tilespmem:v58+s22+$0x0], $0xffff  }
0x15b: {  	v63 =	vand.u32 $0x7, v59;
	v62 =	vand.u32 $0x38, v35  }
0x15c: {  	v37 =	vor.u32 v63, v62;
	v33 =	vor.u32 v31, v33  }
0x15d: {  	v38 =	vor.u32 v14, v37;
	_ =	sdelay $0x1  }
0x15e: {  	v34 =	vadd.f32 v36, v60;
	_ =	sdelay $0x1  }
0x15f: {  	[tilespmem:v33+s20+$0x0] =	vst.idx.msk $0xffff, v34  }
0x160: {  	v40 =	vshll.u32 v35, $0x7;
	v32 =	vshll.u32 v59, $0x7;
	v33 =	vld.idx.msk [tilespmem:v38+s21+$0x0], $0xffff  }
0x161: {  	v32 =	vand.u32 $0x380, v32;
	v34 =	vand.u32 $0x1C00, v40;
	v41 =	vld.idx.msk [tilespmem:v38+s22+$0x0], $0xffff  }
0x162: {  	v32 =	vor.u32 v32, v34  }
0x163: {  	v34 =	vor.u32 v0, v32  }
0x164: {  	v42 =	vor.u32 v18, v37;
	_ =	sdelay $0x1  }
0x165: {  	v33 =	vadd.f32 v41, v33;
	_ =	sdelay $0x1  }
0x166: {  	[tilespmem:v34+s20+$0x0] =	vst.idx.msk $0xffff, v33  }
0x167: {  	v33 =	vld.idx.msk [tilespmem:v42+s21+$0x0], $0xffff  }
0x168: {  	v34 =	vld.idx.msk [tilespmem:v42+s22+$0x0], $0xffff;
	_ =	sdelay $0x1  }
0x169: {  	v43 =	vor.u32 v19, v32  }
0x16a: {  	v44 =	vor.u32 v20, v37;
	_ =	sdelay $0x1  }
0x16b: {  	v33 =	vadd.f32 v34, v33;
	_ =	sdelay $0x1  }
0x16c: {  	[tilespmem:v43+s20+$0x0] =	vst.idx.msk $0xffff, v33  }
0x16d: {  	v33 =	vld.idx.msk [tilespmem:v44+s21+$0x0], $0xffff  }
0x16e: {  	v45 =	vld.idx.msk [tilespmem:v44+s22+$0x0], $0xffff;
	_ =	sdelay $0x1  }
0x16f: {  	v46 =	vor.u32 v21, v32  }
0x170: {  	v47 =	vor.u32 v22, v37;
	_ =	sdelay $0x1  }
0x171: {  	v33 =	vadd.f32 v45, v33;
	_ =	sdelay $0x1  }
0x172: {  	[tilespmem:v46+s20+$0x0] =	vst.idx.msk $0xffff, v33  }
0x173: {  	v33 =	vld.idx.msk [tilespmem:v47+s21+$0x0], $0xffff  }
0x174: {  	v48 =	vld.idx.msk [tilespmem:v47+s22+$0x0], $0xffff;
	_ =	sdelay $0x1  }
0x175: {  	v49 =	vor.u32 v23, v32  }
0x176: {  	v50 =	vor.u32 v24, v37;
	_ =	sdelay $0x1  }
0x177: {  	v33 =	vadd.f32 v48, v33;
	_ =	sdelay $0x1  }
0x178: {  	[tilespmem:v49+s20+$0x0] =	vst.idx.msk $0xffff, v33  }
0x179: {  	v33 =	vld.idx.msk [tilespmem:v50+s21+$0x0], $0xffff  }
0x17a: {  	v51 =	vld.idx.msk [tilespmem:v50+s22+$0x0], $0xffff;
	_ =	sdelay $0x1  }
0x17b: {  	v52 =	vor.u32 v25, v32  }
0x17c: {  	v53 =	vor.u32 v26, v37;
	_ =	sdelay $0x1  }
0x17d: {  	v33 =	vadd.f32 v51, v33;
	_ =	sdelay $0x1  }
0x17e: {  	[tilespmem:v52+s20+$0x0] =	vst.idx.msk $0xffff, v33  }
0x17f: {  	v33 =	vld.idx.msk [tilespmem:v53+s21+$0x0], $0xffff  }
0x180: {  	v54 =	vld.idx.msk [tilespmem:v53+s22+$0x0], $0xffff;
	_ =	sdelay $0x1  }
0x181: {  	v55 =	vor.u32 v27, v32  }
0x182: {  	v56 =	vor.u32 v28, v37;
	_ =	sdelay $0x1  }
0x183: {  	v33 =	vadd.f32 v54, v33;
	_ =	sdelay $0x1  }
0x184: {  	[tilespmem:v55+s20+$0x0] =	vst.idx.msk $0xffff, v33  }
0x185: {  	v33 =	vld.idx.msk [tilespmem:v56+s21+$0x0], $0xffff  }
0x186: {  	v57 =	vld.idx.msk [tilespmem:v56+s22+$0x0], $0xffff;
	_ =	sdelay $0x1  }
0x187: {  	v58 =	vor.u32 v29, v32  }
0x188: {  	v59 =	vor.u32 v30, v37;
	_ =	sdelay $0x1  }
0x189: {  	v33 =	vadd.f32 v57, v33  }
0x18a: {  	s29 =	sadd.s32 $0x5, s23  }
0x18b: {  	v60 =	vadd.s32 s29, v0;
	[tilespmem:v58+s20+$0x0] =	vst.idx.msk $0xffff, v33  }
0x18c: {  	v62 =	vand.u32 $0xF, v60;
	v61 =	vld.idx.msk [tilespmem:v59+s21+$0x0], $0xffff  }
0x18d: {  	v35 =	vor.u32 s24, v62;
	v36 =	vld.idx.msk [tilespmem:v59+s22+$0x0], $0xffff  }
0x18e: {  	v40 =	vand.u32 $0x7, v60;
	v63 =	vand.u32 $0x38, v35  }
0x18f: {  	v32 =	vor.u32 v31, v32;
	v37 =	vor.u32 v40, v63  }
0x190: {  	v38 =	vor.u32 v14, v37;
	_ =	sdelay $0x1  }
0x191: {  	v34 =	vadd.f32 v36, v61;
	_ =	sdelay $0x1  }
0x192: {  	[tilespmem:v32+s20+$0x0] =	vst.idx.msk $0xffff, v34  }
0x193: {  	v41 =	vshll.u32 v35, $0x7;
	v33 =	vshll.u32 v60, $0x7;
	v32 =	vld.idx.msk [tilespmem:v38+s21+$0x0], $0xffff  }
0x194: {  	v33 =	vand.u32 $0x380, v33;
	v34 =	vand.u32 $0x1C00, v41;
	v42 =	vld.idx.msk [tilespmem:v38+s22+$0x0], $0xffff  }
0x195: {  	v33 =	vor.u32 v33, v34  }
0x196: {  	v34 =	vor.u32 v0, v33  }
0x197: {  	v43 =	vor.u32 v18, v37;
	_ =	sdelay $0x1  }
0x198: {  	v32 =	vadd.f32 v42, v32;
	_ =	sdelay $0x1  }
0x199: {  	[tilespmem:v34+s20+$0x0] =	vst.idx.msk $0xffff, v32  }
0x19a: {  	v32 =	vld.idx.msk [tilespmem:v43+s21+$0x0], $0xffff  }
0x19b: {  	v34 =	vld.idx.msk [tilespmem:v43+s22+$0x0], $0xffff;
	_ =	sdelay $0x1  }
0x19c: {  	v44 =	vor.u32 v19, v33  }
0x19d: {  	v45 =	vor.u32 v20, v37;
	_ =	sdelay $0x1  }
0x19e: {  	v32 =	vadd.f32 v34, v32;
	_ =	sdelay $0x1  }
0x19f: {  	[tilespmem:v44+s20+$0x0] =	vst.idx.msk $0xffff, v32  }
0x1a0: {  	v32 =	vld.idx.msk [tilespmem:v45+s21+$0x0], $0xffff  }
0x1a1: {  	v46 =	vld.idx.msk [tilespmem:v45+s22+$0x0], $0xffff;
	_ =	sdelay $0x1  }
0x1a2: {  	v47 =	vor.u32 v21, v33  }
0x1a3: {  	v48 =	vor.u32 v22, v37;
	_ =	sdelay $0x1  }
0x1a4: {  	v32 =	vadd.f32 v46, v32;
	_ =	sdelay $0x1  }
0x1a5: {  	[tilespmem:v47+s20+$0x0] =	vst.idx.msk $0xffff, v32  }
0x1a6: {  	v32 =	vld.idx.msk [tilespmem:v48+s21+$0x0], $0xffff  }
0x1a7: {  	v49 =	vld.idx.msk [tilespmem:v48+s22+$0x0], $0xffff;
	_ =	sdelay $0x1  }
0x1a8: {  	v50 =	vor.u32 v23, v33  }
0x1a9: {  	v51 =	vor.u32 v24, v37;
	_ =	sdelay $0x1  }
0x1aa: {  	v32 =	vadd.f32 v49, v32;
	_ =	sdelay $0x1  }
0x1ab: {  	[tilespmem:v50+s20+$0x0] =	vst.idx.msk $0xffff, v32  }
0x1ac: {  	v32 =	vld.idx.msk [tilespmem:v51+s21+$0x0], $0xffff  }
0x1ad: {  	v52 =	vld.idx.msk [tilespmem:v51+s22+$0x0], $0xffff;
	_ =	sdelay $0x1  }
0x1ae: {  	v53 =	vor.u32 v25, v33  }
0x1af: {  	v54 =	vor.u32 v26, v37;
	_ =	sdelay $0x1  }
0x1b0: {  	v32 =	vadd.f32 v52, v32;
	_ =	sdelay $0x1  }
0x1b1: {  	[tilespmem:v53+s20+$0x0] =	vst.idx.msk $0xffff, v32  }
0x1b2: {  	v32 =	vld.idx.msk [tilespmem:v54+s21+$0x0], $0xffff  }
0x1b3: {  	v55 =	vld.idx.msk [tilespmem:v54+s22+$0x0], $0xffff;
	_ =	sdelay $0x1  }
0x1b4: {  	v56 =	vor.u32 v27, v33  }
0x1b5: {  	v57 =	vor.u32 v28, v37;
	_ =	sdelay $0x1  }
0x1b6: {  	v32 =	vadd.f32 v55, v32;
	_ =	sdelay $0x1  }
0x1b7: {  	[tilespmem:v56+s20+$0x0] =	vst.idx.msk $0xffff, v32  }
0x1b8: {  	v32 =	vld.idx.msk [tilespmem:v57+s21+$0x0], $0xffff  }
0x1b9: {  	v58 =	vld.idx.msk [tilespmem:v57+s22+$0x0], $0xffff;
	_ =	sdelay $0x1  }
0x1ba: {  	v59 =	vor.u32 v29, v33  }
0x1bb: {  	v60 =	vor.u32 v30, v37;
	_ =	sdelay $0x1  }
0x1bc: {  	v32 =	vadd.f32 v58, v32  }
0x1bd: {  	s30 =	sadd.s32 $0x6, s23  }
0x1be: {  	v61 =	vadd.s32 s30, v0;
	[tilespmem:v59+s20+$0x0] =	vst.idx.msk $0xffff, v32  }
0x1bf: {  	v63 =	vand.u32 $0xF, v61;
	v62 =	vld.idx.msk [tilespmem:v60+s21+$0x0], $0xffff  }
0x1c0: {  	v35 =	vor.u32 s24, v63;
	v36 =	vld.idx.msk [tilespmem:v60+s22+$0x0], $0xffff  }
0x1c1: {  	v41 =	vand.u32 $0x7, v61;
	v40 =	vand.u32 $0x38, v35  }
0x1c2: {  	v33 =	vor.u32 v31, v33;
	v37 =	vor.u32 v41, v40  }
0x1c3: {  	v38 =	vor.u32 v14, v37;
	_ =	sdelay $0x1  }
0x1c4: {  	v34 =	vadd.f32 v36, v62;
	_ =	sdelay $0x1  }
0x1c5: {  	[tilespmem:v33+s20+$0x0] =	vst.idx.msk $0xffff, v34  }
0x1c6: {  	v42 =	vshll.u32 v35, $0x7;
	v32 =	vshll.u32 v61, $0x7;
	v33 =	vld.idx.msk [tilespmem:v38+s21+$0x0], $0xffff  }
0x1c7: {  	v32 =	vand.u32 $0x380, v32;
	v34 =	vand.u32 $0x1C00, v42;
	v43 =	vld.idx.msk [tilespmem:v38+s22+$0x0], $0xffff  }
0x1c8: {  	v32 =	vor.u32 v32, v34  }
0x1c9: {  	v34 =	vor.u32 v0, v32  }
0x1ca: {  	v44 =	vor.u32 v18, v37;
	_ =	sdelay $0x1  }
0x1cb: {  	v33 =	vadd.f32 v43, v33;
	_ =	sdelay $0x1  }
0x1cc: {  	[tilespmem:v34+s20+$0x0] =	vst.idx.msk $0xffff, v33  }
0x1cd: {  	v33 =	vld.idx.msk [tilespmem:v44+s21+$0x0], $0xffff  }
0x1ce: {  	v34 =	vld.idx.msk [tilespmem:v44+s22+$0x0], $0xffff;
	_ =	sdelay $0x1  }
0x1cf: {  	v45 =	vor.u32 v19, v32  }
0x1d0: {  	v46 =	vor.u32 v20, v37;
	_ =	sdelay $0x1  }
0x1d1: {  	v33 =	vadd.f32 v34, v33;
	_ =	sdelay $0x1  }
0x1d2: {  	[tilespmem:v45+s20+$0x0] =	vst.idx.msk $0xffff, v33  }
0x1d3: {  	v33 =	vld.idx.msk [tilespmem:v46+s21+$0x0], $0xffff  }
0x1d4: {  	v47 =	vld.idx.msk [tilespmem:v46+s22+$0x0], $0xffff;
	_ =	sdelay $0x1  }
0x1d5: {  	v48 =	vor.u32 v21, v32  }
0x1d6: {  	v49 =	vor.u32 v22, v37;
	_ =	sdelay $0x1  }
0x1d7: {  	v33 =	vadd.f32 v47, v33;
	_ =	sdelay $0x1  }
0x1d8: {  	[tilespmem:v48+s20+$0x0] =	vst.idx.msk $0xffff, v33  }
0x1d9: {  	v33 =	vld.idx.msk [tilespmem:v49+s21+$0x0], $0xffff  }
0x1da: {  	v50 =	vld.idx.msk [tilespmem:v49+s22+$0x0], $0xffff;
	_ =	sdelay $0x1  }
0x1db: {  	v51 =	vor.u32 v23, v32  }
0x1dc: {  	v52 =	vor.u32 v24, v37;
	_ =	sdelay $0x1  }
0x1dd: {  	v33 =	vadd.f32 v50, v33;
	_ =	sdelay $0x1  }
0x1de: {  	[tilespmem:v51+s20+$0x0] =	vst.idx.msk $0xffff, v33  }
0x1df: {  	v33 =	vld.idx.msk [tilespmem:v52+s21+$0x0], $0xffff  }
0x1e0: {  	v53 =	vld.idx.msk [tilespmem:v52+s22+$0x0], $0xffff;
	_ =	sdelay $0x1  }
0x1e1: {  	v54 =	vor.u32 v25, v32  }
0x1e2: {  	v55 =	vor.u32 v26, v37;
	_ =	sdelay $0x1  }
0x1e3: {  	v33 =	vadd.f32 v53, v33;
	_ =	sdelay $0x1  }
0x1e4: {  	[tilespmem:v54+s20+$0x0] =	vst.idx.msk $0xffff, v33  }
0x1e5: {  	v33 =	vld.idx.msk [tilespmem:v55+s21+$0x0], $0xffff  }
0x1e6: {  	v56 =	vld.idx.msk [tilespmem:v55+s22+$0x0], $0xffff;
	_ =	sdelay $0x1  }
0x1e7: {  	v57 =	vor.u32 v27, v32  }
0x1e8: {  	v58 =	vor.u32 v28, v37;
	_ =	sdelay $0x1  }
0x1e9: {  	v33 =	vadd.f32 v56, v33;
	_ =	sdelay $0x1  }
0x1ea: {  	[tilespmem:v57+s20+$0x0] =	vst.idx.msk $0xffff, v33  }
0x1eb: {  	v33 =	vld.idx.msk [tilespmem:v58+s21+$0x0], $0xffff  }
0x1ec: {  	v59 =	vld.idx.msk [tilespmem:v58+s22+$0x0], $0xffff;
	_ =	sdelay $0x1  }
0x1ed: {  	v60 =	vor.u32 v29, v32  }
0x1ee: {  	v61 =	vor.u32 v30, v37;
	_ =	sdelay $0x1  }
0x1ef: {  	v33 =	vadd.f32 v59, v33  }
0x1f0: {  	s31 =	sadd.s32 $0x7, s23  }
0x1f1: {  	v62 =	vadd.s32 s31, v0;
	[tilespmem:v60+s20+$0x0] =	vst.idx.msk $0xffff, v33  }
0x1f2: {  	v40 =	vand.u32 $0xF, v62;
	v63 =	vld.idx.msk [tilespmem:v61+s21+$0x0], $0xffff  }
0x1f3: {  	v35 =	vor.u32 s24, v40;
	v36 =	vld.idx.msk [tilespmem:v61+s22+$0x0], $0xffff  }
0x1f4: {  	v42 =	vand.u32 $0x7, v62;
	v41 =	vand.u32 $0x38, v35  }
0x1f5: {  	v32 =	vor.u32 v31, v32;
	v37 =	vor.u32 v42, v41  }
0x1f6: {  	v38 =	vor.u32 v14, v37;
	_ =	sdelay $0x1  }
0x1f7: {  	v34 =	vadd.f32 v36, v63;
	_ =	sdelay $0x1  }
0x1f8: {  	[tilespmem:v32+s20+$0x0] =	vst.idx.msk $0xffff, v34  }
0x1f9: {  	v43 =	vshll.u32 v35, $0x7;
	v33 =	vshll.u32 v62, $0x7;
	v32 =	vld.idx.msk [tilespmem:v38+s21+$0x0], $0xffff  }
0x1fa: {  	v33 =	vand.u32 $0x380, v33;
	v34 =	vand.u32 $0x1C00, v43;
	v44 =	vld.idx.msk [tilespmem:v38+s22+$0x0], $0xffff  }
0x1fb: {  	v33 =	vor.u32 v33, v34  }
0x1fc: {  	v34 =	vor.u32 v0, v33  }
0x1fd: {  	v45 =	vor.u32 v18, v37;
	_ =	sdelay $0x1  }
0x1fe: {  	v32 =	vadd.f32 v44, v32;
	_ =	sdelay $0x1  }
0x1ff: {  	[tilespmem:v34+s20+$0x0] =	vst.idx.msk $0xffff, v32  }
0x200: {  	v32 =	vld.idx.msk [tilespmem:v45+s21+$0x0], $0xffff  }
0x201: {  	v34 =	vld.idx.msk [tilespmem:v45+s22+$0x0], $0xffff;
	_ =	sdelay $0x1  }
0x202: {  	v46 =	vor.u32 v19, v33  }
0x203: {  	v47 =	vor.u32 v20, v37;
	_ =	sdelay $0x1  }
0x204: {  	v32 =	vadd.f32 v34, v32;
	_ =	sdelay $0x1  }
0x205: {  	[tilespmem:v46+s20+$0x0] =	vst.idx.msk $0xffff, v32  }
0x206: {  	v32 =	vld.idx.msk [tilespmem:v47+s21+$0x0], $0xffff  }
0x207: {  	v48 =	vld.idx.msk [tilespmem:v47+s22+$0x0], $0xffff;
	_ =	sdelay $0x1  }
0x208: {  	v49 =	vor.u32 v21, v33  }
0x209: {  	v50 =	vor.u32 v22, v37;
	_ =	sdelay $0x1  }
0x20a: {  	v32 =	vadd.f32 v48, v32;
	_ =	sdelay $0x1  }
0x20b: {  	[tilespmem:v49+s20+$0x0] =	vst.idx.msk $0xffff, v32  }
0x20c: {  	v32 =	vld.idx.msk [tilespmem:v50+s21+$0x0], $0xffff  }
0x20d: {  	v51 =	vld.idx.msk [tilespmem:v50+s22+$0x0], $0xffff;
	_ =	sdelay $0x1  }
0x20e: {  	v52 =	vor.u32 v23, v33  }
0x20f: {  	v53 =	vor.u32 v24, v37;
	_ =	sdelay $0x1  }
0x210: {  	v32 =	vadd.f32 v51, v32;
	_ =	sdelay $0x1  }
0x211: {  	[tilespmem:v52+s20+$0x0] =	vst.idx.msk $0xffff, v32  }
0x212: {  	v32 =	vld.idx.msk [tilespmem:v53+s21+$0x0], $0xffff  }
0x213: {  	v54 =	vld.idx.msk [tilespmem:v53+s22+$0x0], $0xffff;
	_ =	sdelay $0x1  }
0x214: {  	v55 =	vor.u32 v25, v33  }
0x215: {  	v56 =	vor.u32 v26, v37;
	_ =	sdelay $0x1  }
0x216: {  	v32 =	vadd.f32 v54, v32;
	_ =	sdelay $0x1  }
0x217: {  	[tilespmem:v55+s20+$0x0] =	vst.idx.msk $0xffff, v32  }
0x218: {  	v32 =	vld.idx.msk [tilespmem:v56+s21+$0x0], $0xffff  }
0x219: {  	v57 =	vld.idx.msk [tilespmem:v56+s22+$0x0], $0xffff;
	_ =	sdelay $0x1  }
0x21a: {  	v58 =	vor.u32 v27, v33  }
0x21b: {  	v59 =	vor.u32 v28, v37;
	_ =	sdelay $0x1  }
0x21c: {  	v32 =	vadd.f32 v57, v32;
	_ =	sdelay $0x1  }
0x21d: {  	[tilespmem:v58+s20+$0x0] =	vst.idx.msk $0xffff, v32  }
0x21e: {  	v32 =	vld.idx.msk [tilespmem:v59+s21+$0x0], $0xffff  }
0x21f: {  	v60 =	vld.idx.msk [tilespmem:v59+s22+$0x0], $0xffff;
	_ =	sdelay $0x1  }
0x220: {  	v61 =	vor.u32 v29, v33  }
0x221: {  	v62 =	vor.u32 v30, v37;
	_ =	sdelay $0x1  }
0x222: {  	v32 =	vadd.f32 v60, v32;
	_ =	sdelay $0x1  }
0x223: {  	[tilespmem:v61+s20+$0x0] =	vst.idx.msk $0xffff, v32  }
0x224: {  	v32 =	vld.idx.msk [tilespmem:v62+s21+$0x0], $0xffff  }
0x225: {  	v63 =	vld.idx.msk [tilespmem:v62+s22+$0x0], $0xffff;
	_ =	sdelay $0x1  }
0x226: {  	p0 =	slt.u32 s23, $0x38;
	v33 =	vor.u32 v31, v33  }
.Ltmp3:
0x227: {  	_ = 	snop;
	(pc) =	sbr.rel @p0 .LBB2_7-.Ltmp3, $3  }
0x228: {  	_ = 	snop  }
0x229: {  	v32 =	vadd.f32 v63, v32;
	_ =	sdelay $0x1  }
0x22a: {  	s23 =	sadd.s32 $0x8, s23;
	[tilespmem:v33+s20+$0x0] =	vst.idx.msk $0xffff, v32  }
0x22b: {  	s21 =	sadd.s32 s7, s18;
	s18 =	sadd.s32 $0x1, s18  }
0x22c: {  	p0 =	sne.s32 s18, $0xC8  }
.Ltmp4:
0x22d: {  	s22 =	sshll.u32 s21, $0x7;
	(pc) =	sbr.rel @p0 .LBB2_2-.Ltmp4, $4  }
0x22e: {  	s21 =	sshll.u32 s21, $0xA;
	s22 =	sand.u32 $0xF80, s22  }
0x22f: {  	s21 =	sand.u32 $0xFFF8000, s21;
	s22 =	sadd.s32 s2, s22  }
0x230: {  	s19 =	sadd.s32 $0x3, s19;
	s21 =	sadd.s32 s21, s22  }
0x231: {  	[hbm4b:s21+s13] =	stream.strided.scatter [tilespmem:s20], [sflag:s19], $0x2000, s14, s13, $0x38;
	[tilespmem:$0x12400] =	vst v63  }
0x232: {  	s17 =	sadd.s32 $0x1, s17  }
0x233: {  	_ =	swait.ge [sflag:s15], $0x2000;
	p0 =	sne.s32 s17, s8  }
.Ltmp5:
0x234: {  	[sflag:s15] =	ssyncset.done $0x0;
	(pc) =	sbr.rel @p0 .LBB2_1-.Ltmp5, $4  }
0x235: {  	[sflag:s15] =	ssyncadd.s32 $0xFFFFE000  }
0x236: {  	_ =	swait.ge [sflag:s16], $0x2000  }
0x237: {  	[sflag:s16] =	ssyncset.done $0x0  }
0x238: {  	[sflag:s16] =	ssyncadd.s32 $0xFFFFE000  }
0x239: {  	_ =	sfence.sel $0x180000  }
0x23a: {  	[bflag:$0x0] =	sbarrier.arrive $0xFFFF  }
0x23b: {  	p0 =	sne.s32 s0, $0x0;
	_ =	strace $0x90000047  }
0x23c: {  	s0 =	sadd.s32 @!p0 $0x100000, s1;
	[bflag:$0x2] =	sbarrier.arrive $0xFFFF  }
0x23d: {  	[sflag:s0] =	ssyncadd.tile.s32 @!p0 $0x1;
	_ =	shalt  }
.Lfunc_end2:
_tile_overlayer_lowered:
.L_overlay_start_2:
0x23e: {  	(tag) =	ssettag $0x2  }
0x23f: {  	s0 =	rddreg [dreg:$0x0];
	s2 =	stileid.u32  }
0x240: {  	s1 =	rddreg [dreg:$0x1];
	p0 =	sne.s32 s2, $0x0  }
0x241: {  	s3 =	rddreg [dreg:$0x2];
	[bflag:$0x3] =	sbarrier.arrive $0xFFFF;
	s2 =	simm.s32 @!p0 $0x1C05  }
0x242: {  	[timem:s3], [sflag:s2] =	dma.local @!p0 [hbm:s0], s1  }
0x243: {  	s0 =	simm.s32 @!p0 $0x5  }
0x244: {  	_ =	swait.ge @!p0 [sflag:s0], s1  }
0x245: {  	s1 =	ssub.s32 @!p0 $0x0, s1;
	[sflag:s0] =	ssyncset.done @!p0 $0x0  }
0x246: {  	[sflag:s0] =	ssyncadd.s32 @!p0 s1  }
0x247: {  	[bflag:$0x3] =	sbarrier.arrive $0xFFFF  }
0x248: {  	_ =	shalt  }

</sc_bundles>
